<compile_context>
chip_gen: v7x
topology: tpu7x:2x2x1
jax: 0.10.2.dev20260603
libtpu: 0.0.44.dev20260713+nightly
codegen_flags: <defaults>
</compile_context>

<pallas_src>
import functools
import jax
import jax.numpy as jnp
from jax import lax
from jax.experimental import pallas as pl
from jax.experimental.pallas import tpu as pltpu
from jax.experimental.pallas import tpu_sc as plsc

RES = 32
V = RES ** 3
B = 4
N = 65536
C = 64

NC = 2
NS = 16
CH = C // NC
PT = N // NS
VT = V // NS
CHUNK = 512
NCHUNK = PT // CHUNK
QPC = CHUNK // 128
ROWS = N // 128
RPT = ROWS // NS


def _coords_body(ct_ref, vc_ref, idx_ref):
    c3 = ct_ref[0]
    mean = jnp.mean(c3, axis=1, keepdims=True)
    cc = c3 - mean
    n2 = jnp.sum(cc * cc, axis=0, keepdims=True)
    m = jnp.sqrt(jnp.max(n2))
    cn = cc / (m * 2.0) + 0.5
    v = jnp.clip(cn * float(RES), 0.0, float(RES - 1))
    vc_ref[0] = v
    vi = jnp.round(v).astype(jnp.int32)
    idx_ref[0] = vi[0:1] * (RES * RES) + vi[1:2] * RES + vi[2:3]


def _coords_tc(ct):
    return pl.pallas_call(
        _coords_body,
        grid=(B,),
        in_specs=[pl.BlockSpec((1, 3, N), lambda b: (b, 0, 0))],
        out_specs=[
            pl.BlockSpec((1, 3, N), lambda b: (b, 0, 0)),
            pl.BlockSpec((1, 1, N), lambda b: (b, 0, 0)),
        ],
        out_shape=[
            jax.ShapeDtypeStruct((B, 3, N), jnp.float32),
            jax.ShapeDtypeStruct((B, 1, N), jnp.int32),
        ],
    )(ct)


_MESH = plsc.VectorSubcoreMesh(
    core_axis_name="c", subcore_axis_name="s", num_cores=NC, num_subcores=NS)


@functools.partial(
    pl.kernel,
    out_type=[
        jax.ShapeDtypeStruct((B, V, C), jnp.float32),
        jax.ShapeDtypeStruct((B, V), jnp.float32),
    ],
    mesh=_MESH,
    compiler_params=pltpu.CompilerParams(use_tc_tiling_on_sc=False),
    scratch_types=[
        pltpu.VMEM((CHUNK, CH), jnp.float32),
        pltpu.VMEM((RPT, 128), jnp.int32),
        pltpu.VMEM((128,), jnp.float32),
        pltpu.VMEM((CHUNK, CH), jnp.float32),
        pltpu.VMEM((VT,), jnp.float32),
        pltpu.VMEM_SHARED((V, CH), jnp.float32),
        pltpu.VMEM_SHARED((V,), jnp.float32),
    ],
)
def _scatter_sc(feats, idxs, ones_h, z2d, z1d, sums_out, cnts_out,
                fv, iv, ones_v, zv, zc, sums_sp, cnts_sp):
    c = lax.axis_index("c")
    s = lax.axis_index("s")
    ch0 = c * CH
    v0 = s * VT
    pltpu.sync_copy(ones_h, ones_v)
    pltpu.sync_copy(z2d, zv)
    pltpu.sync_copy(z1d, zc)
    for b in range(B):
        for z in range(VT // CHUNK):
            pltpu.sync_copy(zv, sums_sp.at[pl.ds(v0 + z * CHUNK, CHUNK), :])
        pltpu.sync_copy(zc, cnts_sp.at[pl.ds(v0, VT)])
        plsc.subcore_barrier()

        pltpu.sync_copy(idxs.at[b, pl.ds(s * RPT, RPT), :], iv)

        @pl.loop(0, NCHUNK)
        def _chunk(j):
            p0 = s * PT + j * CHUNK
            pltpu.sync_copy(feats.at[b, pl.ds(p0, CHUNK), pl.ds(ch0, CH)], fv)
            for q in range(QPC):
                row = iv.at[j * QPC + q]
                pltpu.sync_copy(fv.at[pl.ds(q * 128, 128), :],
                                sums_sp.at[row], add=True)
                pltpu.sync_copy(ones_v, cnts_sp.at[row], add=True)

        plsc.subcore_barrier()

        pltpu.sync_copy(sums_sp.at[pl.ds(v0, VT), :],
                        sums_out.at[b, pl.ds(v0, VT), pl.ds(ch0, CH)])

        @pl.when(c == 0)
        def _():
            pltpu.sync_copy(cnts_sp.at[pl.ds(v0, VT)],
                            cnts_out.at[b, pl.ds(v0, VT)])


def _div_body(s_ref, c_ref, o_ref):
    cnt = jnp.maximum(c_ref[0], 1.0)
    o_ref[0] = s_ref[0] / cnt


def _div_tc(sums, cnts3):
    return pl.pallas_call(
        _div_body,
        grid=(B, V // VT),
        in_specs=[
            pl.BlockSpec((1, VT, C), lambda b, i: (b, i, 0)),
            pl.BlockSpec((1, VT, 1), lambda b, i: (b, i, 0)),
        ],
        out_specs=pl.BlockSpec((1, VT, C), lambda b, i: (b, i, 0)),
        out_shape=jax.ShapeDtypeStruct((B, V, C), jnp.float32),
    )(sums, cnts3)


def kernel(coords, features):
    ct = coords.transpose(0, 2, 1)
    vc_t, idx = _coords_tc(ct)
    voxel_coords = vc_t.transpose(0, 2, 1)
    idx_rows = idx.reshape(B, ROWS, 128)
    ones_h = jnp.ones((128,), jnp.float32)
    z2d = jnp.zeros((CHUNK, CH), jnp.float32)
    z1d = jnp.zeros((VT,), jnp.float32)
    sums, cnts = _scatter_sc(features, idx_rows, ones_h, z2d, z1d)
    vox = _div_tc(sums, cnts.reshape(B, V, 1))
    voxel_features = vox.reshape(B, RES, RES, RES, C)
    return voxel_coords, voxel_features

# --- scband reference (transcript-rebuilt; emitter-appended) ---
"""Pipeline reference for scband-voxelizer-51951924412491 (READ-ONLY COPY).

The authoritative reference and input builder live on the scoring server;
editing this copy changes nothing except your own understanding.
"""

import jax, jax.numpy as jnp
import numpy as np

RESOLUTION = 32
NORMALIZE = True
EPS = 0.0


def setup_inputs(seed: int = 0) -> dict:
    key = jax.random.key(seed)
    k1, k2 = jax.random.split(key)
    coords = jax.random.normal(k1, (4, 65536, 3), dtype=jnp.float32)
    features = jax.random.normal(k2, (4, 65536, 64), dtype=jnp.float32)
    return {"coords": coords, "features": features}


def get_voxel_coords(coords, resolution, normalize=True, eps=0.0):
    coords = coords - coords.mean(axis=1, keepdims=True)
    if normalize:
        norms = jnp.linalg.norm(coords, ord=2, axis=2, keepdims=True)  # [B, N, 1]
        max_norm = norms.max(axis=1, keepdims=True)                    # [B, 1, 1]
        coords = coords / (max_norm * 2.0 + eps) + 0.5
    else:
        coords = (coords + 1.0) / 2.0
    coords = jnp.clip(coords * resolution, 0, resolution - 1)
    coords_int = jnp.round(coords).astype(jnp.int64)
    idxs = (coords_int[..., 0] * (resolution ** 2)
            + coords_int[..., 1] * resolution
            + coords_int[..., 2])
    return coords, idxs


def _scatter_mean_one(feat, idx, num_segments):
    # feat: [N, C], idx: [N] -> [V, C] mean per voxel (0 where empty, matching torch_scatter)
    sums = jax.ops.segment_sum(feat, idx, num_segments=num_segments)
    counts = jax.ops.segment_sum(jnp.ones((idx.shape[0], 1), feat.dtype), idx,
                                 num_segments=num_segments)
    return sums / jnp.maximum(counts, 1.0)


def reference(coords, features):
    # channel-last PointTensor: coords [B, N, 3], features [B, N, C]
    voxel_coords, voxel_idxs = get_voxel_coords(coords, RESOLUTION, NORMALIZE, EPS)
    V = RESOLUTION ** 3
    vox = jax.vmap(lambda f, i: _scatter_mean_one(f, i, V))(features, voxel_idxs)
    B, _, C = features.shape
    voxel_features = vox.reshape(B, RESOLUTION, RESOLUTION, RESOLUTION, C)
    return voxel_coords, voxel_features

if __name__ == "__main__":
    import jax
    _d = setup_inputs()
    print(jax.jit(kernel)(*tuple(_d.values())))

</pallas_src>

<mosaic_0001>
#map = affine_map<(d0, d1) -> (0, 0, 0)>
#map1 = affine_map<(d0, d1) -> (0)>
#map2 = affine_map<(d0, d1) -> (0, 0)>
module attributes {stable_mosaic.version = 14 : i64} {
  func.func @_scatter_sc(%arg0: i32, %arg1: i32, %arg2: memref<4x65536x64xf32, #tpu.memory_space<hbm>>, %arg3: memref<4x512x128xi32, #tpu.memory_space<hbm>>, %arg4: memref<128xf32, #tpu.memory_space<hbm>>, %arg5: memref<512x32xf32, #tpu.memory_space<hbm>>, %arg6: memref<2048xf32, #tpu.memory_space<hbm>>, %arg7: memref<4x32768x64xf32, #tpu.memory_space<hbm>>, %arg8: memref<4x32768xf32, #tpu.memory_space<hbm>>, %arg9: memref<512x32xf32, #tpu.memory_space<vmem>>, %arg10: memref<32x128xi32, #tpu.memory_space<vmem>>, %arg11: memref<128xf32, #tpu.memory_space<vmem>>, %arg12: memref<512x32xf32, #tpu.memory_space<vmem>>, %arg13: memref<2048xf32, #tpu.memory_space<vmem>>, %arg14: memref<32768x32xf32, #tpu.memory_space<vmem_shared>>, %arg15: memref<32768xf32, #tpu.memory_space<vmem_shared>>) attributes {dimension_semantics = [#tpu.dimension_semantics<core_parallel>, #tpu.dimension_semantics<subcore_parallel>], iteration_bounds = array<i64: 2, 16>, scalar_prefetch = 0 : i64, scratch_operands = 7 : i64, tpu.core_type = #tpu.core_type<sc_vector_subcore>, window_params = [{transform_indices = #map}, {transform_indices = #map}, {transform_indices = #map1}, {transform_indices = #map2}, {transform_indices = #map1}, {transform_indices = #map}, {transform_indices = #map2}]} {
    %mul3A = arith.constant 32 : i32
    %mul3A_0 = arith.muli %arg0, %mul3A : i32
    %mul3A_1 = arith.constant 2048 : i32
    %mul3A_2 = arith.muli %arg1, %mul3A_1 : i32
    "tpu.region"() ({
      %run_scoped3A_92 = tpu.sem_alloc : memref<!tpu.dma_semaphore, #tpu.memory_space<semaphore_mem>>
      tpu.enqueue_dma source(%arg4 : memref<128xf32, #tpu.memory_space<hbm>>) target(%arg11 : memref<128xf32, #tpu.memory_space<vmem>>) target_semaphore(%run_scoped3A_92 : memref<!tpu.dma_semaphore, #tpu.memory_space<semaphore_mem>>)
      tpu.wait_dma2 semaphore(%run_scoped3A_92 : memref<!tpu.dma_semaphore, #tpu.memory_space<semaphore_mem>>) src(%arg4 : memref<128xf32, #tpu.memory_space<hbm>>) dst(%arg11 : memref<128xf32, #tpu.memory_space<vmem>>)
      tpu.yield
    }) : () -> ()
    "tpu.region"() ({
      %run_scoped3A_92 = tpu.sem_alloc : memref<!tpu.dma_semaphore, #tpu.memory_space<semaphore_mem>>
      tpu.enqueue_dma source(%arg5 : memref<512x32xf32, #tpu.memory_space<hbm>>) target(%arg12 : memref<512x32xf32, #tpu.memory_space<vmem>>) target_semaphore(%run_scoped3A_92 : memref<!tpu.dma_semaphore, #tpu.memory_space<semaphore_mem>>)
      tpu.wait_dma2 semaphore(%run_scoped3A_92 : memref<!tpu.dma_semaphore, #tpu.memory_space<semaphore_mem>>) src(%arg5 : memref<512x32xf32, #tpu.memory_space<hbm>>) dst(%arg12 : memref<512x32xf32, #tpu.memory_space<vmem>>)
      tpu.yield
    }) : () -> ()
    "tpu.region"() ({
      %run_scoped3A_92 = tpu.sem_alloc : memref<!tpu.dma_semaphore, #tpu.memory_space<semaphore_mem>>
      tpu.enqueue_dma source(%arg6 : memref<2048xf32, #tpu.memory_space<hbm>>) target(%arg13 : memref<2048xf32, #tpu.memory_space<vmem>>) target_semaphore(%run_scoped3A_92 : memref<!tpu.dma_semaphore, #tpu.memory_space<semaphore_mem>>)
      tpu.wait_dma2 semaphore(%run_scoped3A_92 : memref<!tpu.dma_semaphore, #tpu.memory_space<semaphore_mem>>) src(%arg6 : memref<2048xf32, #tpu.memory_space<hbm>>) dst(%arg13 : memref<2048xf32, #tpu.memory_space<vmem>>)
      tpu.yield
    }) : () -> ()
    %add3A = arith.constant 0 : i32
    %add3A_3 = arith.addi %mul3A_2, %add3A : i32
    "tpu.region"() ({
      %run_scoped3A_92 = tpu.sem_alloc : memref<!tpu.dma_semaphore, #tpu.memory_space<semaphore_mem>>
      %dma_start3A = arith.constant 0 : i32
      %dma_start3A_93 = tpu.memref_slice %arg14[%add3A_3, %dma_start3A] : memref<32768x32xf32, #tpu.memory_space<vmem_shared>> -> memref<512x32xf32, #tpu.memory_space<vmem_shared>>
      %dma_start3A_94 = arith.constant 0 : i32
      %dma_start3A_95 = tpu.memref_slice %arg14[%add3A_3, %dma_start3A_94] : memref<32768x32xf32, #tpu.memory_space<vmem_shared>> -> memref<512x32xf32, #tpu.memory_space<vmem_shared>>
      tpu.enqueue_dma source(%arg12 : memref<512x32xf32, #tpu.memory_space<vmem>>) target(%dma_start3A_95 : memref<512x32xf32, #tpu.memory_space<vmem_shared>>) target_semaphore(%run_scoped3A_92 : memref<!tpu.dma_semaphore, #tpu.memory_space<semaphore_mem>>)
      %dma_wait3A = arith.constant 0 : i32
      %dma_wait3A_96 = tpu.memref_slice %arg14[%add3A_3, %dma_wait3A] : memref<32768x32xf32, #tpu.memory_space<vmem_shared>> -> memref<512x32xf32, #tpu.memory_space<vmem_shared>>
      %dma_wait3A_97 = arith.constant 0 : i32
      %dma_wait3A_98 = tpu.memref_slice %arg14[%add3A_3, %dma_wait3A_97] : memref<32768x32xf32, #tpu.memory_space<vmem_shared>> -> memref<512x32xf32, #tpu.memory_space<vmem_shared>>
      tpu.wait_dma2 semaphore(%run_scoped3A_92 : memref<!tpu.dma_semaphore, #tpu.memory_space<semaphore_mem>>) src(%arg12 : memref<512x32xf32, #tpu.memory_space<vmem>>) dst(%dma_wait3A_98 : memref<512x32xf32, #tpu.memory_space<vmem_shared>>)
      tpu.yield
    }) : () -> ()
    %add3A_4 = arith.constant 512 : i32
    %add3A_5 = arith.addi %mul3A_2, %add3A_4 : i32
    "tpu.region"() ({
      %run_scoped3A_92 = tpu.sem_alloc : memref<!tpu.dma_semaphore, #tpu.memory_space<semaphore_mem>>
      %dma_start3A = arith.constant 0 : i32
      %dma_start3A_93 = tpu.memref_slice %arg14[%add3A_5, %dma_start3A] : memref<32768x32xf32, #tpu.memory_space<vmem_shared>> -> memref<512x32xf32, #tpu.memory_space<vmem_shared>>
      %dma_start3A_94 = arith.constant 0 : i32
      %dma_start3A_95 = tpu.memref_slice %arg14[%add3A_5, %dma_start3A_94] : memref<32768x32xf32, #tpu.memory_space<vmem_shared>> -> memref<512x32xf32, #tpu.memory_space<vmem_shared>>
      tpu.enqueue_dma source(%arg12 : memref<512x32xf32, #tpu.memory_space<vmem>>) target(%dma_start3A_95 : memref<512x32xf32, #tpu.memory_space<vmem_shared>>) target_semaphore(%run_scoped3A_92 : memref<!tpu.dma_semaphore, #tpu.memory_space<semaphore_mem>>)
      %dma_wait3A = arith.constant 0 : i32
      %dma_wait3A_96 = tpu.memref_slice %arg14[%add3A_5, %dma_wait3A] : memref<32768x32xf32, #tpu.memory_space<vmem_shared>> -> memref<512x32xf32, #tpu.memory_space<vmem_shared>>
      %dma_wait3A_97 = arith.constant 0 : i32
      %dma_wait3A_98 = tpu.memref_slice %arg14[%add3A_5, %dma_wait3A_97] : memref<32768x32xf32, #tpu.memory_space<vmem_shared>> -> memref<512x32xf32, #tpu.memory_space<vmem_shared>>
      tpu.wait_dma2 semaphore(%run_scoped3A_92 : memref<!tpu.dma_semaphore, #tpu.memory_space<semaphore_mem>>) src(%arg12 : memref<512x32xf32, #tpu.memory_space<vmem>>) dst(%dma_wait3A_98 : memref<512x32xf32, #tpu.memory_space<vmem_shared>>)
      tpu.yield
    }) : () -> ()
    %add3A_6 = arith.constant 1024 : i32
    %add3A_7 = arith.addi %mul3A_2, %add3A_6 : i32
    "tpu.region"() ({
      %run_scoped3A_92 = tpu.sem_alloc : memref<!tpu.dma_semaphore, #tpu.memory_space<semaphore_mem>>
      %dma_start3A = arith.constant 0 : i32
      %dma_start3A_93 = tpu.memref_slice %arg14[%add3A_7, %dma_start3A] : memref<32768x32xf32, #tpu.memory_space<vmem_shared>> -> memref<512x32xf32, #tpu.memory_space<vmem_shared>>
      %dma_start3A_94 = arith.constant 0 : i32
      %dma_start3A_95 = tpu.memref_slice %arg14[%add3A_7, %dma_start3A_94] : memref<32768x32xf32, #tpu.memory_space<vmem_shared>> -> memref<512x32xf32, #tpu.memory_space<vmem_shared>>
      tpu.enqueue_dma source(%arg12 : memref<512x32xf32, #tpu.memory_space<vmem>>) target(%dma_start3A_95 : memref<512x32xf32, #tpu.memory_space<vmem_shared>>) target_semaphore(%run_scoped3A_92 : memref<!tpu.dma_semaphore, #tpu.memory_space<semaphore_mem>>)
      %dma_wait3A = arith.constant 0 : i32
      %dma_wait3A_96 = tpu.memref_slice %arg14[%add3A_7, %dma_wait3A] : memref<32768x32xf32, #tpu.memory_space<vmem_shared>> -> memref<512x32xf32, #tpu.memory_space<vmem_shared>>
      %dma_wait3A_97 = arith.constant 0 : i32
      %dma_wait3A_98 = tpu.memref_slice %arg14[%add3A_7, %dma_wait3A_97] : memref<32768x32xf32, #tpu.memory_space<vmem_shared>> -> memref<512x32xf32, #tpu.memory_space<vmem_shared>>
      tpu.wait_dma2 semaphore(%run_scoped3A_92 : memref<!tpu.dma_semaphore, #tpu.memory_space<semaphore_mem>>) src(%arg12 : memref<512x32xf32, #tpu.memory_space<vmem>>) dst(%dma_wait3A_98 : memref<512x32xf32, #tpu.memory_space<vmem_shared>>)
      tpu.yield
    }) : () -> ()
    %add3A_8 = arith.constant 1536 : i32
    %add3A_9 = arith.addi %mul3A_2, %add3A_8 : i32
    "tpu.region"() ({
      %run_scoped3A_92 = tpu.sem_alloc : memref<!tpu.dma_semaphore, #tpu.memory_space<semaphore_mem>>
      %dma_start3A = arith.constant 0 : i32
      %dma_start3A_93 = tpu.memref_slice %arg14[%add3A_9, %dma_start3A] : memref<32768x32xf32, #tpu.memory_space<vmem_shared>> -> memref<512x32xf32, #tpu.memory_space<vmem_shared>>
      %dma_start3A_94 = arith.constant 0 : i32
      %dma_start3A_95 = tpu.memref_slice %arg14[%add3A_9, %dma_start3A_94] : memref<32768x32xf32, #tpu.memory_space<vmem_shared>> -> memref<512x32xf32, #tpu.memory_space<vmem_shared>>
      tpu.enqueue_dma source(%arg12 : memref<512x32xf32, #tpu.memory_space<vmem>>) target(%dma_start3A_95 : memref<512x32xf32, #tpu.memory_space<vmem_shared>>) target_semaphore(%run_scoped3A_92 : memref<!tpu.dma_semaphore, #tpu.memory_space<semaphore_mem>>)
      %dma_wait3A = arith.constant 0 : i32
      %dma_wait3A_96 = tpu.memref_slice %arg14[%add3A_9, %dma_wait3A] : memref<32768x32xf32, #tpu.memory_space<vmem_shared>> -> memref<512x32xf32, #tpu.memory_space<vmem_shared>>
      %dma_wait3A_97 = arith.constant 0 : i32
      %dma_wait3A_98 = tpu.memref_slice %arg14[%add3A_9, %dma_wait3A_97] : memref<32768x32xf32, #tpu.memory_space<vmem_shared>> -> memref<512x32xf32, #tpu.memory_space<vmem_shared>>
      tpu.wait_dma2 semaphore(%run_scoped3A_92 : memref<!tpu.dma_semaphore, #tpu.memory_space<semaphore_mem>>) src(%arg12 : memref<512x32xf32, #tpu.memory_space<vmem>>) dst(%dma_wait3A_98 : memref<512x32xf32, #tpu.memory_space<vmem_shared>>)
      tpu.yield
    }) : () -> ()
    "tpu.region"() ({
      %run_scoped3A_92 = tpu.sem_alloc : memref<!tpu.dma_semaphore, #tpu.memory_space<semaphore_mem>>
      %dma_start3A = tpu.memref_slice %arg15[%mul3A_2] : memref<32768xf32, #tpu.memory_space<vmem_shared>> -> memref<2048xf32, #tpu.memory_space<vmem_shared>>
      %dma_start3A_93 = tpu.memref_slice %arg15[%mul3A_2] : memref<32768xf32, #tpu.memory_space<vmem_shared>> -> memref<2048xf32, #tpu.memory_space<vmem_shared>>
      tpu.enqueue_dma source(%arg13 : memref<2048xf32, #tpu.memory_space<vmem>>) target(%dma_start3A_93 : memref<2048xf32, #tpu.memory_space<vmem_shared>>) target_semaphore(%run_scoped3A_92 : memref<!tpu.dma_semaphore, #tpu.memory_space<semaphore_mem>>)
      %dma_wait3A = tpu.memref_slice %arg15[%mul3A_2] : memref<32768xf32, #tpu.memory_space<vmem_shared>> -> memref<2048xf32, #tpu.memory_space<vmem_shared>>
      %dma_wait3A_94 = tpu.memref_slice %arg15[%mul3A_2] : memref<32768xf32, #tpu.memory_space<vmem_shared>> -> memref<2048xf32, #tpu.memory_space<vmem_shared>>
      tpu.wait_dma2 semaphore(%run_scoped3A_92 : memref<!tpu.dma_semaphore, #tpu.memory_space<semaphore_mem>>) src(%arg13 : memref<2048xf32, #tpu.memory_space<vmem>>) dst(%dma_wait3A_94 : memref<2048xf32, #tpu.memory_space<vmem_shared>>)
      tpu.yield
    }) : () -> ()
    %barrier3A = arith.constant 0 : index
    tpu.barrier barrier_id(%barrier3A)
    %mul3A_10 = arith.constant 32 : i32
    %mul3A_11 = arith.muli %arg1, %mul3A_10 : i32
    %run_scoped3A = arith.constant 0 : i32
    "tpu.region"() ({
      %run_scoped3A_92 = tpu.sem_alloc : memref<!tpu.dma_semaphore, #tpu.memory_space<semaphore_mem>>
      %dma_start3A = arith.constant 0 : i32
      %dma_start3A_93 = tpu.memref_slice %arg3[%run_scoped3A, %mul3A_11, %dma_start3A] : memref<4x512x128xi32, #tpu.memory_space<hbm>> -> memref<1x32x128xi32, #tpu.memory_space<hbm>>
      %dma_start3A_94 = tpu.memref_squeeze %dma_start3A_93 : memref<1x32x128xi32, #tpu.memory_space<hbm>> -> memref<32x128xi32, #tpu.memory_space<hbm>>
      %dma_start3A_95 = arith.constant 0 : i32
      %dma_start3A_96 = tpu.memref_slice %arg3[%run_scoped3A, %mul3A_11, %dma_start3A_95] : memref<4x512x128xi32, #tpu.memory_space<hbm>> -> memref<1x32x128xi32, #tpu.memory_space<hbm>>
      %dma_start3A_97 = tpu.memref_squeeze %dma_start3A_96 : memref<1x32x128xi32, #tpu.memory_space<hbm>> -> memref<32x128xi32, #tpu.memory_space<hbm>>
      tpu.enqueue_dma source(%dma_start3A_97 : memref<32x128xi32, #tpu.memory_space<hbm>>) target(%arg10 : memref<32x128xi32, #tpu.memory_space<vmem>>) target_semaphore(%run_scoped3A_92 : memref<!tpu.dma_semaphore, #tpu.memory_space<semaphore_mem>>)
      %dma_wait3A = arith.constant 0 : i32
      %dma_wait3A_98 = tpu.memref_slice %arg3[%run_scoped3A, %mul3A_11, %dma_wait3A] : memref<4x512x128xi32, #tpu.memory_space<hbm>> -> memref<1x32x128xi32, #tpu.memory_space<hbm>>
      %dma_wait3A_99 = tpu.memref_squeeze %dma_wait3A_98 : memref<1x32x128xi32, #tpu.memory_space<hbm>> -> memref<32x128xi32, #tpu.memory_space<hbm>>
      %dma_wait3A_100 = arith.constant 0 : i32
      %dma_wait3A_101 = tpu.memref_slice %arg3[%run_scoped3A, %mul3A_11, %dma_wait3A_100] : memref<4x512x128xi32, #tpu.memory_space<hbm>> -> memref<1x32x128xi32, #tpu.memory_space<hbm>>
      %dma_wait3A_102 = tpu.memref_squeeze %dma_wait3A_101 : memref<1x32x128xi32, #tpu.memory_space<hbm>> -> memref<32x128xi32, #tpu.memory_space<hbm>>
      tpu.wait_dma2 semaphore(%run_scoped3A_92 : memref<!tpu.dma_semaphore, #tpu.memory_space<semaphore_mem>>) src(%dma_wait3A_102 : memref<32x128xi32, #tpu.memory_space<hbm>>) dst(%arg10 : memref<32x128xi32, #tpu.memory_space<vmem>>)
      tpu.yield
    }) : () -> ()
    %scan3A = arith.constant 0 : i32
    %scan3A_12 = arith.constant 8 : i32
    %scan3A_13 = arith.addi %scan3A, %scan3A_12 : i32
    %scan3A_14 = arith.constant 1 : i32
    scf.for %scan3A_92 = %scan3A to %scan3A_13 step %scan3A_14  : i32 {
      %mul3A_93 = arith.constant 1 : i32
      %mul3A_94 = arith.muli %scan3A_92, %mul3A_93 : i32
      %add3A_95 = arith.constant 0 : i32
      %add3A_96 = arith.addi %add3A_95, %mul3A_94 : i32
      %mul3A_97 = arith.constant 4096 : i32
      %mul3A_98 = arith.muli %arg1, %mul3A_97 : i32
      %mul3A_99 = arith.constant 512 : i32
      %mul3A_100 = arith.muli %add3A_96, %mul3A_99 : i32
      %add3A_101 = arith.addi %mul3A_98, %mul3A_100 : i32
      %run_scoped3A_102 = arith.constant 0 : i32
      "tpu.region"() ({
        %run_scoped3A_119 = tpu.sem_alloc : memref<!tpu.dma_semaphore, #tpu.memory_space<semaphore_mem>>
        %dma_start3A = tpu.memref_slice %arg2[%run_scoped3A_102, %add3A_101, %mul3A_0] : memref<4x65536x64xf32, #tpu.memory_space<hbm>> -> memref<1x512x32xf32, #tpu.memory_space<hbm>>
        %dma_start3A_120 = tpu.memref_squeeze %dma_start3A : memref<1x512x32xf32, #tpu.memory_space<hbm>> -> memref<512x32xf32, #tpu.memory_space<hbm>>
        %dma_start3A_121 = tpu.memref_slice %arg2[%run_scoped3A_102, %add3A_101, %mul3A_0] : memref<4x65536x64xf32, #tpu.memory_space<hbm>> -> memref<1x512x32xf32, #tpu.memory_space<hbm>>
        %dma_start3A_122 = tpu.memref_squeeze %dma_start3A_121 : memref<1x512x32xf32, #tpu.memory_space<hbm>> -> memref<512x32xf32, #tpu.memory_space<hbm>>
        tpu.enqueue_dma source(%dma_start3A_122 : memref<512x32xf32, #tpu.memory_space<hbm>>) target(%arg9 : memref<512x32xf32, #tpu.memory_space<vmem>>) target_semaphore(%run_scoped3A_119 : memref<!tpu.dma_semaphore, #tpu.memory_space<semaphore_mem>>)
        %dma_wait3A = tpu.memref_slice %arg2[%run_scoped3A_102, %add3A_101, %mul3A_0] : memref<4x65536x64xf32, #tpu.memory_space<hbm>> -> memref<1x512x32xf32, #tpu.memory_space<hbm>>
        %dma_wait3A_123 = tpu.memref_squeeze %dma_wait3A : memref<1x512x32xf32, #tpu.memory_space<hbm>> -> memref<512x32xf32, #tpu.memory_space<hbm>>
        %dma_wait3A_124 = tpu.memref_slice %arg2[%run_scoped3A_102, %add3A_101, %mul3A_0] : memref<4x65536x64xf32, #tpu.memory_space<hbm>> -> memref<1x512x32xf32, #tpu.memory_space<hbm>>
        %dma_wait3A_125 = tpu.memref_squeeze %dma_wait3A_124 : memref<1x512x32xf32, #tpu.memory_space<hbm>> -> memref<512x32xf32, #tpu.memory_space<hbm>>
        tpu.wait_dma2 semaphore(%run_scoped3A_119 : memref<!tpu.dma_semaphore, #tpu.memory_space<semaphore_mem>>) src(%dma_wait3A_125 : memref<512x32xf32, #tpu.memory_space<hbm>>) dst(%arg9 : memref<512x32xf32, #tpu.memory_space<vmem>>)
        tpu.yield
      }) : () -> ()
      %mul3A_103 = arith.constant 4 : i32
      %mul3A_104 = arith.muli %add3A_96, %mul3A_103 : i32
      %add3A_105 = arith.constant 0 : i32
      %add3A_106 = arith.addi %mul3A_104, %add3A_105 : i32
      "tpu.region"() ({
        %run_scoped3A_119 = tpu.sem_alloc : memref<!tpu.dma_semaphore, #tpu.memory_space<semaphore_mem>>
        %dma_start3A = arith.constant 0 : i32
        %dma_start3A_120 = arith.constant 0 : i32
        %dma_start3A_121 = tpu.memref_slice %arg9[%dma_start3A, %dma_start3A_120] : memref<512x32xf32, #tpu.memory_space<vmem>> -> memref<128x32xf32, #tpu.memory_space<vmem>>
        %dma_start3A_122 = arith.constant 0 : i32
        %dma_start3A_123 = tpu.memref_slice %arg10[%add3A_106, %dma_start3A_122] : memref<32x128xi32, #tpu.memory_space<vmem>> -> memref<1x128xi32, #tpu.memory_space<vmem>>
        %dma_start3A_124 = tpu.memref_squeeze %dma_start3A_123 : memref<1x128xi32, #tpu.memory_space<vmem>> -> memref<128xi32, #tpu.memory_space<vmem>>
        %dma_start3A_125 = arith.constant 0 : i32
        %dma_start3A_126 = arith.constant 0 : i32
        %dma_start3A_127 = tpu.memref_slice %arg14[%dma_start3A_125, %dma_start3A_126] : memref<32768x32xf32, #tpu.memory_space<vmem_shared>> -> memref<32768x32xf32, #tpu.memory_space<vmem_shared>>
        tpu.enqueue_indirect_dma source(%dma_start3A_121 : memref<128x32xf32, #tpu.memory_space<vmem>>) target(%dma_start3A_127 : memref<32768x32xf32, #tpu.memory_space<vmem_shared>>) offsets(%dma_start3A_124 : memref<128xi32, #tpu.memory_space<vmem>>) semaphore(%run_scoped3A_119 : memref<!tpu.dma_semaphore, #tpu.memory_space<semaphore_mem>>) {add = true}
        %dma_wait3A = arith.constant 0 : i32
        %dma_wait3A_128 = arith.constant 0 : i32
        %dma_wait3A_129 = tpu.memref_slice %arg9[%dma_wait3A, %dma_wait3A_128] : memref<512x32xf32, #tpu.memory_space<vmem>> -> memref<128x32xf32, #tpu.memory_space<vmem>>
        %dma_wait3A_130 = arith.constant 0 : i32
        %dma_wait3A_131 = tpu.memref_slice %arg10[%add3A_106, %dma_wait3A_130] : memref<32x128xi32, #tpu.memory_space<vmem>> -> memref<1x128xi32, #tpu.memory_space<vmem>>
        %dma_wait3A_132 = tpu.memref_squeeze %dma_wait3A_131 : memref<1x128xi32, #tpu.memory_space<vmem>> -> memref<128xi32, #tpu.memory_space<vmem>>
        %dma_wait3A_133 = arith.constant 0 : i32
        %dma_wait3A_134 = arith.constant 0 : i32
        %dma_wait3A_135 = tpu.memref_slice %arg14[%dma_wait3A_133, %dma_wait3A_134] : memref<32768x32xf32, #tpu.memory_space<vmem_shared>> -> memref<32768x32xf32, #tpu.memory_space<vmem_shared>>
        tpu.wait_indirect_dma semaphore(%run_scoped3A_119 : memref<!tpu.dma_semaphore, #tpu.memory_space<semaphore_mem>>) src(%dma_wait3A_129 : memref<128x32xf32, #tpu.memory_space<vmem>>) dst(%dma_wait3A_135 : memref<32768x32xf32, #tpu.memory_space<vmem_shared>>)
        tpu.yield
      }) : () -> ()
      "tpu.region"() ({
        %run_scoped3A_119 = tpu.sem_alloc : memref<!tpu.dma_semaphore, #tpu.memory_space<semaphore_mem>>
        %dma_start3A = arith.constant 0 : i32
        %dma_start3A_120 = tpu.memref_slice %arg10[%add3A_106, %dma_start3A] : memref<32x128xi32, #tpu.memory_space<vmem>> -> memref<1x128xi32, #tpu.memory_space<vmem>>
        %dma_start3A_121 = tpu.memref_squeeze %dma_start3A_120 : memref<1x128xi32, #tpu.memory_space<vmem>> -> memref<128xi32, #tpu.memory_space<vmem>>
        %dma_start3A_122 = arith.constant 0 : i32
        %dma_start3A_123 = tpu.memref_slice %arg15[%dma_start3A_122] : memref<32768xf32, #tpu.memory_space<vmem_shared>> -> memref<32768xf32, #tpu.memory_space<vmem_shared>>
        tpu.enqueue_indirect_dma source(%arg11 : memref<128xf32, #tpu.memory_space<vmem>>) target(%dma_start3A_123 : memref<32768xf32, #tpu.memory_space<vmem_shared>>) offsets(%dma_start3A_121 : memref<128xi32, #tpu.memory_space<vmem>>) semaphore(%run_scoped3A_119 : memref<!tpu.dma_semaphore, #tpu.memory_space<semaphore_mem>>) {add = true}
        %dma_wait3A = arith.constant 0 : i32
        %dma_wait3A_124 = tpu.memref_slice %arg10[%add3A_106, %dma_wait3A] : memref<32x128xi32, #tpu.memory_space<vmem>> -> memref<1x128xi32, #tpu.memory_space<vmem>>
        %dma_wait3A_125 = tpu.memref_squeeze %dma_wait3A_124 : memref<1x128xi32, #tpu.memory_space<vmem>> -> memref<128xi32, #tpu.memory_space<vmem>>
        %dma_wait3A_126 = arith.constant 0 : i32
        %dma_wait3A_127 = tpu.memref_slice %arg15[%dma_wait3A_126] : memref<32768xf32, #tpu.memory_space<vmem_shared>> -> memref<32768xf32, #tpu.memory_space<vmem_shared>>
        tpu.wait_indirect_dma semaphore(%run_scoped3A_119 : memref<!tpu.dma_semaphore, #tpu.memory_space<semaphore_mem>>) src(%arg11 : memref<128xf32, #tpu.memory_space<vmem>>) dst(%dma_wait3A_127 : memref<32768xf32, #tpu.memory_space<vmem_shared>>)
        tpu.yield
      }) : () -> ()
      %mul3A_107 = arith.constant 4 : i32
      %mul3A_108 = arith.muli %add3A_96, %mul3A_107 : i32
      %add3A_109 = arith.constant 1 : i32
      %add3A_110 = arith.addi %mul3A_108, %add3A_109 : i32
      "tpu.region"() ({
        %run_scoped3A_119 = tpu.sem_alloc : memref<!tpu.dma_semaphore, #tpu.memory_space<semaphore_mem>>
        %dma_start3A = arith.constant 128 : i32
        %dma_start3A_120 = arith.constant 0 : i32
        %dma_start3A_121 = tpu.memref_slice %arg9[%dma_start3A, %dma_start3A_120] : memref<512x32xf32, #tpu.memory_space<vmem>> -> memref<128x32xf32, #tpu.memory_space<vmem>>
        %dma_start3A_122 = arith.constant 0 : i32
        %dma_start3A_123 = tpu.memref_slice %arg10[%add3A_110, %dma_start3A_122] : memref<32x128xi32, #tpu.memory_space<vmem>> -> memref<1x128xi32, #tpu.memory_space<vmem>>
        %dma_start3A_124 = tpu.memref_squeeze %dma_start3A_123 : memref<1x128xi32, #tpu.memory_space<vmem>> -> memref<128xi32, #tpu.memory_space<vmem>>
        %dma_start3A_125 = arith.constant 0 : i32
        %dma_start3A_126 = arith.constant 0 : i32
        %dma_start3A_127 = tpu.memref_slice %arg14[%dma_start3A_125, %dma_start3A_126] : memref<32768x32xf32, #tpu.memory_space<vmem_shared>> -> memref<32768x32xf32, #tpu.memory_space<vmem_shared>>
        tpu.enqueue_indirect_dma source(%dma_start3A_121 : memref<128x32xf32, #tpu.memory_space<vmem>>) target(%dma_start3A_127 : memref<32768x32xf32, #tpu.memory_space<vmem_shared>>) offsets(%dma_start3A_124 : memref<128xi32, #tpu.memory_space<vmem>>) semaphore(%run_scoped3A_119 : memref<!tpu.dma_semaphore, #tpu.memory_space<semaphore_mem>>) {add = true}
        %dma_wait3A = arith.constant 128 : i32
        %dma_wait3A_128 = arith.constant 0 : i32
        %dma_wait3A_129 = tpu.memref_slice %arg9[%dma_wait3A, %dma_wait3A_128] : memref<512x32xf32, #tpu.memory_space<vmem>> -> memref<128x32xf32, #tpu.memory_space<vmem>>
        %dma_wait3A_130 = arith.constant 0 : i32
        %dma_wait3A_131 = tpu.memref_slice %arg10[%add3A_110, %dma_wait3A_130] : memref<32x128xi32, #tpu.memory_space<vmem>> -> memref<1x128xi32, #tpu.memory_space<vmem>>
        %dma_wait3A_132 = tpu.memref_squeeze %dma_wait3A_131 : memref<1x128xi32, #tpu.memory_space<vmem>> -> memref<128xi32, #tpu.memory_space<vmem>>
        %dma_wait3A_133 = arith.constant 0 : i32
        %dma_wait3A_134 = arith.constant 0 : i32
        %dma_wait3A_135 = tpu.memref_slice %arg14[%dma_wait3A_133, %dma_wait3A_134] : memref<32768x32xf32, #tpu.memory_space<vmem_shared>> -> memref<32768x32xf32, #tpu.memory_space<vmem_shared>>
        tpu.wait_indirect_dma semaphore(%run_scoped3A_119 : memref<!tpu.dma_semaphore, #tpu.memory_space<semaphore_mem>>) src(%dma_wait3A_129 : memref<128x32xf32, #tpu.memory_space<vmem>>) dst(%dma_wait3A_135 : memref<32768x32xf32, #tpu.memory_space<vmem_shared>>)
        tpu.yield
      }) : () -> ()
      "tpu.region"() ({
        %run_scoped3A_119 = tpu.sem_alloc : memref<!tpu.dma_semaphore, #tpu.memory_space<semaphore_mem>>
        %dma_start3A = arith.constant 0 : i32
        %dma_start3A_120 = tpu.memref_slice %arg10[%add3A_110, %dma_start3A] : memref<32x128xi32, #tpu.memory_space<vmem>> -> memref<1x128xi32, #tpu.memory_space<vmem>>
        %dma_start3A_121 = tpu.memref_squeeze %dma_start3A_120 : memref<1x128xi32, #tpu.memory_space<vmem>> -> memref<128xi32, #tpu.memory_space<vmem>>
        %dma_start3A_122 = arith.constant 0 : i32
        %dma_start3A_123 = tpu.memref_slice %arg15[%dma_start3A_122] : memref<32768xf32, #tpu.memory_space<vmem_shared>> -> memref<32768xf32, #tpu.memory_space<vmem_shared>>
        tpu.enqueue_indirect_dma source(%arg11 : memref<128xf32, #tpu.memory_space<vmem>>) target(%dma_start3A_123 : memref<32768xf32, #tpu.memory_space<vmem_shared>>) offsets(%dma_start3A_121 : memref<128xi32, #tpu.memory_space<vmem>>) semaphore(%run_scoped3A_119 : memref<!tpu.dma_semaphore, #tpu.memory_space<semaphore_mem>>) {add = true}
        %dma_wait3A = arith.constant 0 : i32
        %dma_wait3A_124 = tpu.memref_slice %arg10[%add3A_110, %dma_wait3A] : memref<32x128xi32, #tpu.memory_space<vmem>> -> memref<1x128xi32, #tpu.memory_space<vmem>>
        %dma_wait3A_125 = tpu.memref_squeeze %dma_wait3A_124 : memref<1x128xi32, #tpu.memory_space<vmem>> -> memref<128xi32, #tpu.memory_space<vmem>>
        %dma_wait3A_126 = arith.constant 0 : i32
        %dma_wait3A_127 = tpu.memref_slice %arg15[%dma_wait3A_126] : memref<32768xf32, #tpu.memory_space<vmem_shared>> -> memref<32768xf32, #tpu.memory_space<vmem_shared>>
        tpu.wait_indirect_dma semaphore(%run_scoped3A_119 : memref<!tpu.dma_semaphore, #tpu.memory_space<semaphore_mem>>) src(%arg11 : memref<128xf32, #tpu.memory_space<vmem>>) dst(%dma_wait3A_127 : memref<32768xf32, #tpu.memory_space<vmem_shared>>)
        tpu.yield
      }) : () -> ()
      %mul3A_111 = arith.constant 4 : i32
      %mul3A_112 = arith.muli %add3A_96, %mul3A_111 : i32
      %add3A_113 = arith.constant 2 : i32
      %add3A_114 = arith.addi %mul3A_112, %add3A_113 : i32
      "tpu.region"() ({
        %run_scoped3A_119 = tpu.sem_alloc : memref<!tpu.dma_semaphore, #tpu.memory_space<semaphore_mem>>
        %dma_start3A = arith.constant 256 : i32
        %dma_start3A_120 = arith.constant 0 : i32
        %dma_start3A_121 = tpu.memref_slice %arg9[%dma_start3A, %dma_start3A_120] : memref<512x32xf32, #tpu.memory_space<vmem>> -> memref<128x32xf32, #tpu.memory_space<vmem>>
        %dma_start3A_122 = arith.constant 0 : i32
        %dma_start3A_123 = tpu.memref_slice %arg10[%add3A_114, %dma_start3A_122] : memref<32x128xi32, #tpu.memory_space<vmem>> -> memref<1x128xi32, #tpu.memory_space<vmem>>
        %dma_start3A_124 = tpu.memref_squeeze %dma_start3A_123 : memref<1x128xi32, #tpu.memory_space<vmem>> -> memref<128xi32, #tpu.memory_space<vmem>>
        %dma_start3A_125 = arith.constant 0 : i32
        %dma_start3A_126 = arith.constant 0 : i32
        %dma_start3A_127 = tpu.memref_slice %arg14[%dma_start3A_125, %dma_start3A_126] : memref<32768x32xf32, #tpu.memory_space<vmem_shared>> -> memref<32768x32xf32, #tpu.memory_space<vmem_shared>>
        tpu.enqueue_indirect_dma source(%dma_start3A_121 : memref<128x32xf32, #tpu.memory_space<vmem>>) target(%dma_start3A_127 : memref<32768x32xf32, #tpu.memory_space<vmem_shared>>) offsets(%dma_start3A_124 : memref<128xi32, #tpu.memory_space<vmem>>) semaphore(%run_scoped3A_119 : memref<!tpu.dma_semaphore, #tpu.memory_space<semaphore_mem>>) {add = true}
        %dma_wait3A = arith.constant 256 : i32
        %dma_wait3A_128 = arith.constant 0 : i32
        %dma_wait3A_129 = tpu.memref_slice %arg9[%dma_wait3A, %dma_wait3A_128] : memref<512x32xf32, #tpu.memory_space<vmem>> -> memref<128x32xf32, #tpu.memory_space<vmem>>
        %dma_wait3A_130 = arith.constant 0 : i32
        %dma_wait3A_131 = tpu.memref_slice %arg10[%add3A_114, %dma_wait3A_130] : memref<32x128xi32, #tpu.memory_space<vmem>> -> memref<1x128xi32, #tpu.memory_space<vmem>>
        %dma_wait3A_132 = tpu.memref_squeeze %dma_wait3A_131 : memref<1x128xi32, #tpu.memory_space<vmem>> -> memref<128xi32, #tpu.memory_space<vmem>>
        %dma_wait3A_133 = arith.constant 0 : i32
        %dma_wait3A_134 = arith.constant 0 : i32
        %dma_wait3A_135 = tpu.memref_slice %arg14[%dma_wait3A_133, %dma_wait3A_134] : memref<32768x32xf32, #tpu.memory_space<vmem_shared>> -> memref<32768x32xf32, #tpu.memory_space<vmem_shared>>
        tpu.wait_indirect_dma semaphore(%run_scoped3A_119 : memref<!tpu.dma_semaphore, #tpu.memory_space<semaphore_mem>>) src(%dma_wait3A_129 : memref<128x32xf32, #tpu.memory_space<vmem>>) dst(%dma_wait3A_135 : memref<32768x32xf32, #tpu.memory_space<vmem_shared>>)
        tpu.yield
      }) : () -> ()
      "tpu.region"() ({
        %run_scoped3A_119 = tpu.sem_alloc : memref<!tpu.dma_semaphore, #tpu.memory_space<semaphore_mem>>
        %dma_start3A = arith.constant 0 : i32
        %dma_start3A_120 = tpu.memref_slice %arg10[%add3A_114, %dma_start3A] : memref<32x128xi32, #tpu.memory_space<vmem>> -> memref<1x128xi32, #tpu.memory_space<vmem>>
        %dma_start3A_121 = tpu.memref_squeeze %dma_start3A_120 : memref<1x128xi32, #tpu.memory_space<vmem>> -> memref<128xi32, #tpu.memory_space<vmem>>
        %dma_start3A_122 = arith.constant 0 : i32
        %dma_start3A_123 = tpu.memref_slice %arg15[%dma_start3A_122] : memref<32768xf32, #tpu.memory_space<vmem_shared>> -> memref<32768xf32, #tpu.memory_space<vmem_shared>>
        tpu.enqueue_indirect_dma source(%arg11 : memref<128xf32, #tpu.memory_space<vmem>>) target(%dma_start3A_123 : memref<32768xf32, #tpu.memory_space<vmem_shared>>) offsets(%dma_start3A_121 : memref<128xi32, #tpu.memory_space<vmem>>) semaphore(%run_scoped3A_119 : memref<!tpu.dma_semaphore, #tpu.memory_space<semaphore_mem>>) {add = true}
        %dma_wait3A = arith.constant 0 : i32
        %dma_wait3A_124 = tpu.memref_slice %arg10[%add3A_114, %dma_wait3A] : memref<32x128xi32, #tpu.memory_space<vmem>> -> memref<1x128xi32, #tpu.memory_space<vmem>>
        %dma_wait3A_125 = tpu.memref_squeeze %dma_wait3A_124 : memref<1x128xi32, #tpu.memory_space<vmem>> -> memref<128xi32, #tpu.memory_space<vmem>>
        %dma_wait3A_126 = arith.constant 0 : i32
        %dma_wait3A_127 = tpu.memref_slice %arg15[%dma_wait3A_126] : memref<32768xf32, #tpu.memory_space<vmem_shared>> -> memref<32768xf32, #tpu.memory_space<vmem_shared>>
        tpu.wait_indirect_dma semaphore(%run_scoped3A_119 : memref<!tpu.dma_semaphore, #tpu.memory_space<semaphore_mem>>) src(%arg11 : memref<128xf32, #tpu.memory_space<vmem>>) dst(%dma_wait3A_127 : memref<32768xf32, #tpu.memory_space<vmem_shared>>)
        tpu.yield
      }) : () -> ()
      %mul3A_115 = arith.constant 4 : i32
      %mul3A_116 = arith.muli %add3A_96, %mul3A_115 : i32
      %add3A_117 = arith.constant 3 : i32
      %add3A_118 = arith.addi %mul3A_116, %add3A_117 : i32
      "tpu.region"() ({
        %run_scoped3A_119 = tpu.sem_alloc : memref<!tpu.dma_semaphore, #tpu.memory_space<semaphore_mem>>
        %dma_start3A = arith.constant 384 : i32
        %dma_start3A_120 = arith.constant 0 : i32
        %dma_start3A_121 = tpu.memref_slice %arg9[%dma_start3A, %dma_start3A_120] : memref<512x32xf32, #tpu.memory_space<vmem>> -> memref<128x32xf32, #tpu.memory_space<vmem>>
        %dma_start3A_122 = arith.constant 0 : i32
        %dma_start3A_123 = tpu.memref_slice %arg10[%add3A_118, %dma_start3A_122] : memref<32x128xi32, #tpu.memory_space<vmem>> -> memref<1x128xi32, #tpu.memory_space<vmem>>
        %dma_start3A_124 = tpu.memref_squeeze %dma_start3A_123 : memref<1x128xi32, #tpu.memory_space<vmem>> -> memref<128xi32, #tpu.memory_space<vmem>>
        %dma_start3A_125 = arith.constant 0 : i32
        %dma_start3A_126 = arith.constant 0 : i32
        %dma_start3A_127 = tpu.memref_slice %arg14[%dma_start3A_125, %dma_start3A_126] : memref<32768x32xf32, #tpu.memory_space<vmem_shared>> -> memref<32768x32xf32, #tpu.memory_space<vmem_shared>>
        tpu.enqueue_indirect_dma source(%dma_start3A_121 : memref<128x32xf32, #tpu.memory_space<vmem>>) target(%dma_start3A_127 : memref<32768x32xf32, #tpu.memory_space<vmem_shared>>) offsets(%dma_start3A_124 : memref<128xi32, #tpu.memory_space<vmem>>) semaphore(%run_scoped3A_119 : memref<!tpu.dma_semaphore, #tpu.memory_space<semaphore_mem>>) {add = true}
        %dma_wait3A = arith.constant 384 : i32
        %dma_wait3A_128 = arith.constant 0 : i32
        %dma_wait3A_129 = tpu.memref_slice %arg9[%dma_wait3A, %dma_wait3A_128] : memref<512x32xf32, #tpu.memory_space<vmem>> -> memref<128x32xf32, #tpu.memory_space<vmem>>
        %dma_wait3A_130 = arith.constant 0 : i32
        %dma_wait3A_131 = tpu.memref_slice %arg10[%add3A_118, %dma_wait3A_130] : memref<32x128xi32, #tpu.memory_space<vmem>> -> memref<1x128xi32, #tpu.memory_space<vmem>>
        %dma_wait3A_132 = tpu.memref_squeeze %dma_wait3A_131 : memref<1x128xi32, #tpu.memory_space<vmem>> -> memref<128xi32, #tpu.memory_space<vmem>>
        %dma_wait3A_133 = arith.constant 0 : i32
        %dma_wait3A_134 = arith.constant 0 : i32
        %dma_wait3A_135 = tpu.memref_slice %arg14[%dma_wait3A_133, %dma_wait3A_134] : memref<32768x32xf32, #tpu.memory_space<vmem_shared>> -> memref<32768x32xf32, #tpu.memory_space<vmem_shared>>
        tpu.wait_indirect_dma semaphore(%run_scoped3A_119 : memref<!tpu.dma_semaphore, #tpu.memory_space<semaphore_mem>>) src(%dma_wait3A_129 : memref<128x32xf32, #tpu.memory_space<vmem>>) dst(%dma_wait3A_135 : memref<32768x32xf32, #tpu.memory_space<vmem_shared>>)
        tpu.yield
      }) : () -> ()
      "tpu.region"() ({
        %run_scoped3A_119 = tpu.sem_alloc : memref<!tpu.dma_semaphore, #tpu.memory_space<semaphore_mem>>
        %dma_start3A = arith.constant 0 : i32
        %dma_start3A_120 = tpu.memref_slice %arg10[%add3A_118, %dma_start3A] : memref<32x128xi32, #tpu.memory_space<vmem>> -> memref<1x128xi32, #tpu.memory_space<vmem>>
        %dma_start3A_121 = tpu.memref_squeeze %dma_start3A_120 : memref<1x128xi32, #tpu.memory_space<vmem>> -> memref<128xi32, #tpu.memory_space<vmem>>
        %dma_start3A_122 = arith.constant 0 : i32
        %dma_start3A_123 = tpu.memref_slice %arg15[%dma_start3A_122] : memref<32768xf32, #tpu.memory_space<vmem_shared>> -> memref<32768xf32, #tpu.memory_space<vmem_shared>>
        tpu.enqueue_indirect_dma source(%arg11 : memref<128xf32, #tpu.memory_space<vmem>>) target(%dma_start3A_123 : memref<32768xf32, #tpu.memory_space<vmem_shared>>) offsets(%dma_start3A_121 : memref<128xi32, #tpu.memory_space<vmem>>) semaphore(%run_scoped3A_119 : memref<!tpu.dma_semaphore, #tpu.memory_space<semaphore_mem>>) {add = true}
        %dma_wait3A = arith.constant 0 : i32
        %dma_wait3A_124 = tpu.memref_slice %arg10[%add3A_118, %dma_wait3A] : memref<32x128xi32, #tpu.memory_space<vmem>> -> memref<1x128xi32, #tpu.memory_space<vmem>>
        %dma_wait3A_125 = tpu.memref_squeeze %dma_wait3A_124 : memref<1x128xi32, #tpu.memory_space<vmem>> -> memref<128xi32, #tpu.memory_space<vmem>>
        %dma_wait3A_126 = arith.constant 0 : i32
        %dma_wait3A_127 = tpu.memref_slice %arg15[%dma_wait3A_126] : memref<32768xf32, #tpu.memory_space<vmem_shared>> -> memref<32768xf32, #tpu.memory_space<vmem_shared>>
        tpu.wait_indirect_dma semaphore(%run_scoped3A_119 : memref<!tpu.dma_semaphore, #tpu.memory_space<semaphore_mem>>) src(%arg11 : memref<128xf32, #tpu.memory_space<vmem>>) dst(%dma_wait3A_127 : memref<32768xf32, #tpu.memory_space<vmem_shared>>)
        tpu.yield
      }) : () -> ()
    }
    %scan3A_15 = arith.constant 8 : i32
    %barrier3A_16 = arith.constant 0 : index
    tpu.barrier barrier_id(%barrier3A_16)
    %run_scoped3A_17 = arith.constant 0 : i32
    "tpu.region"() ({
      %run_scoped3A_92 = tpu.sem_alloc : memref<!tpu.dma_semaphore, #tpu.memory_space<semaphore_mem>>
      %dma_start3A = tpu.memref_slice %arg7[%run_scoped3A_17, %mul3A_2, %mul3A_0] : memref<4x32768x64xf32, #tpu.memory_space<hbm>> -> memref<1x2048x32xf32, #tpu.memory_space<hbm>>
      %dma_start3A_93 = tpu.memref_squeeze %dma_start3A : memref<1x2048x32xf32, #tpu.memory_space<hbm>> -> memref<2048x32xf32, #tpu.memory_space<hbm>>
      %dma_start3A_94 = arith.constant 0 : i32
      %dma_start3A_95 = tpu.memref_slice %arg14[%mul3A_2, %dma_start3A_94] : memref<32768x32xf32, #tpu.memory_space<vmem_shared>> -> memref<2048x32xf32, #tpu.memory_space<vmem_shared>>
      tpu.enqueue_dma source(%dma_start3A_95 : memref<2048x32xf32, #tpu.memory_space<vmem_shared>>) target(%dma_start3A_93 : memref<2048x32xf32, #tpu.memory_space<hbm>>) target_semaphore(%run_scoped3A_92 : memref<!tpu.dma_semaphore, #tpu.memory_space<semaphore_mem>>)
      %dma_wait3A = tpu.memref_slice %arg7[%run_scoped3A_17, %mul3A_2, %mul3A_0] : memref<4x32768x64xf32, #tpu.memory_space<hbm>> -> memref<1x2048x32xf32, #tpu.memory_space<hbm>>
      %dma_wait3A_96 = tpu.memref_squeeze %dma_wait3A : memref<1x2048x32xf32, #tpu.memory_space<hbm>> -> memref<2048x32xf32, #tpu.memory_space<hbm>>
      %dma_wait3A_97 = arith.constant 0 : i32
      %dma_wait3A_98 = tpu.memref_slice %arg14[%mul3A_2, %dma_wait3A_97] : memref<32768x32xf32, #tpu.memory_space<vmem_shared>> -> memref<2048x32xf32, #tpu.memory_space<vmem_shared>>
      tpu.wait_dma2 semaphore(%run_scoped3A_92 : memref<!tpu.dma_semaphore, #tpu.memory_space<semaphore_mem>>) src(%dma_wait3A_98 : memref<2048x32xf32, #tpu.memory_space<vmem_shared>>) dst(%dma_wait3A_96 : memref<2048x32xf32, #tpu.memory_space<hbm>>)
      tpu.yield
    }) : () -> ()
    %eq3A = arith.constant 0 : i32
    %eq3A_18 = arith.cmpi eq, %arg0, %eq3A : i32
    %convert_element_type3A = arith.extui %eq3A_18 : i1 to i32
    %cond3A = arith.constant 0 : i32
    %cond3A_19 = arith.cmpi ne, %convert_element_type3A, %cond3A : i32
    scf.if %cond3A_19 {
      %run_scoped3A_92 = arith.constant 0 : i32
      "tpu.region"() ({
        %run_scoped3A_93 = tpu.sem_alloc : memref<!tpu.dma_semaphore, #tpu.memory_space<semaphore_mem>>
        %dma_start3A = tpu.memref_slice %arg8[%run_scoped3A_92, %mul3A_2] : memref<4x32768xf32, #tpu.memory_space<hbm>> -> memref<1x2048xf32, #tpu.memory_space<hbm>>
        %dma_start3A_94 = tpu.memref_squeeze %dma_start3A : memref<1x2048xf32, #tpu.memory_space<hbm>> -> memref<2048xf32, #tpu.memory_space<hbm>>
        %dma_start3A_95 = tpu.memref_slice %arg15[%mul3A_2] : memref<32768xf32, #tpu.memory_space<vmem_shared>> -> memref<2048xf32, #tpu.memory_space<vmem_shared>>
        tpu.enqueue_dma source(%dma_start3A_95 : memref<2048xf32, #tpu.memory_space<vmem_shared>>) target(%dma_start3A_94 : memref<2048xf32, #tpu.memory_space<hbm>>) target_semaphore(%run_scoped3A_93 : memref<!tpu.dma_semaphore, #tpu.memory_space<semaphore_mem>>)
        %dma_wait3A = tpu.memref_slice %arg8[%run_scoped3A_92, %mul3A_2] : memref<4x32768xf32, #tpu.memory_space<hbm>> -> memref<1x2048xf32, #tpu.memory_space<hbm>>
        %dma_wait3A_96 = tpu.memref_squeeze %dma_wait3A : memref<1x2048xf32, #tpu.memory_space<hbm>> -> memref<2048xf32, #tpu.memory_space<hbm>>
        %dma_wait3A_97 = tpu.memref_slice %arg15[%mul3A_2] : memref<32768xf32, #tpu.memory_space<vmem_shared>> -> memref<2048xf32, #tpu.memory_space<vmem_shared>>
        tpu.wait_dma2 semaphore(%run_scoped3A_93 : memref<!tpu.dma_semaphore, #tpu.memory_space<semaphore_mem>>) src(%dma_wait3A_97 : memref<2048xf32, #tpu.memory_space<vmem_shared>>) dst(%dma_wait3A_96 : memref<2048xf32, #tpu.memory_space<hbm>>)
        tpu.yield
      }) : () -> ()
    } else {
    }
    %add3A_20 = arith.constant 0 : i32
    %add3A_21 = arith.addi %mul3A_2, %add3A_20 : i32
    "tpu.region"() ({
      %run_scoped3A_92 = tpu.sem_alloc : memref<!tpu.dma_semaphore, #tpu.memory_space<semaphore_mem>>
      %dma_start3A = arith.constant 0 : i32
      %dma_start3A_93 = tpu.memref_slice %arg14[%add3A_21, %dma_start3A] : memref<32768x32xf32, #tpu.memory_space<vmem_shared>> -> memref<512x32xf32, #tpu.memory_space<vmem_shared>>
      %dma_start3A_94 = arith.constant 0 : i32
      %dma_start3A_95 = tpu.memref_slice %arg14[%add3A_21, %dma_start3A_94] : memref<32768x32xf32, #tpu.memory_space<vmem_shared>> -> memref<512x32xf32, #tpu.memory_space<vmem_shared>>
      tpu.enqueue_dma source(%arg12 : memref<512x32xf32, #tpu.memory_space<vmem>>) target(%dma_start3A_95 : memref<512x32xf32, #tpu.memory_space<vmem_shared>>) target_semaphore(%run_scoped3A_92 : memref<!tpu.dma_semaphore, #tpu.memory_space<semaphore_mem>>)
      %dma_wait3A = arith.constant 0 : i32
      %dma_wait3A_96 = tpu.memref_slice %arg14[%add3A_21, %dma_wait3A] : memref<32768x32xf32, #tpu.memory_space<vmem_shared>> -> memref<512x32xf32, #tpu.memory_space<vmem_shared>>
      %dma_wait3A_97 = arith.constant 0 : i32
      %dma_wait3A_98 = tpu.memref_slice %arg14[%add3A_21, %dma_wait3A_97] : memref<32768x32xf32, #tpu.memory_space<vmem_shared>> -> memref<512x32xf32, #tpu.memory_space<vmem_shared>>
      tpu.wait_dma2 semaphore(%run_scoped3A_92 : memref<!tpu.dma_semaphore, #tpu.memory_space<semaphore_mem>>) src(%arg12 : memref<512x32xf32, #tpu.memory_space<vmem>>) dst(%dma_wait3A_98 : memref<512x32xf32, #tpu.memory_space<vmem_shared>>)
      tpu.yield
    }) : () -> ()
    %add3A_22 = arith.constant 512 : i32
    %add3A_23 = arith.addi %mul3A_2, %add3A_22 : i32
    "tpu.region"() ({
      %run_scoped3A_92 = tpu.sem_alloc : memref<!tpu.dma_semaphore, #tpu.memory_space<semaphore_mem>>
      %dma_start3A = arith.constant 0 : i32
      %dma_start3A_93 = tpu.memref_slice %arg14[%add3A_23, %dma_start3A] : memref<32768x32xf32, #tpu.memory_space<vmem_shared>> -> memref<512x32xf32, #tpu.memory_space<vmem_shared>>
      %dma_start3A_94 = arith.constant 0 : i32
      %dma_start3A_95 = tpu.memref_slice %arg14[%add3A_23, %dma_start3A_94] : memref<32768x32xf32, #tpu.memory_space<vmem_shared>> -> memref<512x32xf32, #tpu.memory_space<vmem_shared>>
      tpu.enqueue_dma source(%arg12 : memref<512x32xf32, #tpu.memory_space<vmem>>) target(%dma_start3A_95 : memref<512x32xf32, #tpu.memory_space<vmem_shared>>) target_semaphore(%run_scoped3A_92 : memref<!tpu.dma_semaphore, #tpu.memory_space<semaphore_mem>>)
      %dma_wait3A = arith.constant 0 : i32
      %dma_wait3A_96 = tpu.memref_slice %arg14[%add3A_23, %dma_wait3A] : memref<32768x32xf32, #tpu.memory_space<vmem_shared>> -> memref<512x32xf32, #tpu.memory_space<vmem_shared>>
      %dma_wait3A_97 = arith.constant 0 : i32
      %dma_wait3A_98 = tpu.memref_slice %arg14[%add3A_23, %dma_wait3A_97] : memref<32768x32xf32, #tpu.memory_space<vmem_shared>> -> memref<512x32xf32, #tpu.memory_space<vmem_shared>>
      tpu.wait_dma2 semaphore(%run_scoped3A_92 : memref<!tpu.dma_semaphore, #tpu.memory_space<semaphore_mem>>) src(%arg12 : memref<512x32xf32, #tpu.memory_space<vmem>>) dst(%dma_wait3A_98 : memref<512x32xf32, #tpu.memory_space<vmem_shared>>)
      tpu.yield
    }) : () -> ()
    %add3A_24 = arith.constant 1024 : i32
    %add3A_25 = arith.addi %mul3A_2, %add3A_24 : i32
    "tpu.region"() ({
      %run_scoped3A_92 = tpu.sem_alloc : memref<!tpu.dma_semaphore, #tpu.memory_space<semaphore_mem>>
      %dma_start3A = arith.constant 0 : i32
      %dma_start3A_93 = tpu.memref_slice %arg14[%add3A_25, %dma_start3A] : memref<32768x32xf32, #tpu.memory_space<vmem_shared>> -> memref<512x32xf32, #tpu.memory_space<vmem_shared>>
      %dma_start3A_94 = arith.constant 0 : i32
      %dma_start3A_95 = tpu.memref_slice %arg14[%add3A_25, %dma_start3A_94] : memref<32768x32xf32, #tpu.memory_space<vmem_shared>> -> memref<512x32xf32, #tpu.memory_space<vmem_shared>>
      tpu.enqueue_dma source(%arg12 : memref<512x32xf32, #tpu.memory_space<vmem>>) target(%dma_start3A_95 : memref<512x32xf32, #tpu.memory_space<vmem_shared>>) target_semaphore(%run_scoped3A_92 : memref<!tpu.dma_semaphore, #tpu.memory_space<semaphore_mem>>)
      %dma_wait3A = arith.constant 0 : i32
      %dma_wait3A_96 = tpu.memref_slice %arg14[%add3A_25, %dma_wait3A] : memref<32768x32xf32, #tpu.memory_space<vmem_shared>> -> memref<512x32xf32, #tpu.memory_space<vmem_shared>>
      %dma_wait3A_97 = arith.constant 0 : i32
      %dma_wait3A_98 = tpu.memref_slice %arg14[%add3A_25, %dma_wait3A_97] : memref<32768x32xf32, #tpu.memory_space<vmem_shared>> -> memref<512x32xf32, #tpu.memory_space<vmem_shared>>
      tpu.wait_dma2 semaphore(%run_scoped3A_92 : memref<!tpu.dma_semaphore, #tpu.memory_space<semaphore_mem>>) src(%arg12 : memref<512x32xf32, #tpu.memory_space<vmem>>) dst(%dma_wait3A_98 : memref<512x32xf32, #tpu.memory_space<vmem_shared>>)
      tpu.yield
    }) : () -> ()
    %add3A_26 = arith.constant 1536 : i32
    %add3A_27 = arith.addi %mul3A_2, %add3A_26 : i32
    "tpu.region"() ({
      %run_scoped3A_92 = tpu.sem_alloc : memref<!tpu.dma_semaphore, #tpu.memory_space<semaphore_mem>>
      %dma_start3A = arith.constant 0 : i32
      %dma_start3A_93 = tpu.memref_slice %arg14[%add3A_27, %dma_start3A] : memref<32768x32xf32, #tpu.memory_space<vmem_shared>> -> memref<512x32xf32, #tpu.memory_space<vmem_shared>>
      %dma_start3A_94 = arith.constant 0 : i32
      %dma_start3A_95 = tpu.memref_slice %arg14[%add3A_27, %dma_start3A_94] : memref<32768x32xf32, #tpu.memory_space<vmem_shared>> -> memref<512x32xf32, #tpu.memory_space<vmem_shared>>
      tpu.enqueue_dma source(%arg12 : memref<512x32xf32, #tpu.memory_space<vmem>>) target(%dma_start3A_95 : memref<512x32xf32, #tpu.memory_space<vmem_shared>>) target_semaphore(%run_scoped3A_92 : memref<!tpu.dma_semaphore, #tpu.memory_space<semaphore_mem>>)
      %dma_wait3A = arith.constant 0 : i32
      %dma_wait3A_96 = tpu.memref_slice %arg14[%add3A_27, %dma_wait3A] : memref<32768x32xf32, #tpu.memory_space<vmem_shared>> -> memref<512x32xf32, #tpu.memory_space<vmem_shared>>
      %dma_wait3A_97 = arith.constant 0 : i32
      %dma_wait3A_98 = tpu.memref_slice %arg14[%add3A_27, %dma_wait3A_97] : memref<32768x32xf32, #tpu.memory_space<vmem_shared>> -> memref<512x32xf32, #tpu.memory_space<vmem_shared>>
      tpu.wait_dma2 semaphore(%run_scoped3A_92 : memref<!tpu.dma_semaphore, #tpu.memory_space<semaphore_mem>>) src(%arg12 : memref<512x32xf32, #tpu.memory_space<vmem>>) dst(%dma_wait3A_98 : memref<512x32xf32, #tpu.memory_space<vmem_shared>>)
      tpu.yield
    }) : () -> ()
    "tpu.region"() ({
      %run_scoped3A_92 = tpu.sem_alloc : memref<!tpu.dma_semaphore, #tpu.memory_space<semaphore_mem>>
      %dma_start3A = tpu.memref_slice %arg15[%mul3A_2] : memref<32768xf32, #tpu.memory_space<vmem_shared>> -> memref<2048xf32, #tpu.memory_space<vmem_shared>>
      %dma_start3A_93 = tpu.memref_slice %arg15[%mul3A_2] : memref<32768xf32, #tpu.memory_space<vmem_shared>> -> memref<2048xf32, #tpu.memory_space<vmem_shared>>
      tpu.enqueue_dma source(%arg13 : memref<2048xf32, #tpu.memory_space<vmem>>) target(%dma_start3A_93 : memref<2048xf32, #tpu.memory_space<vmem_shared>>) target_semaphore(%run_scoped3A_92 : memref<!tpu.dma_semaphore, #tpu.memory_space<semaphore_mem>>)
      %dma_wait3A = tpu.memref_slice %arg15[%mul3A_2] : memref<32768xf32, #tpu.memory_space<vmem_shared>> -> memref<2048xf32, #tpu.memory_space<vmem_shared>>
      %dma_wait3A_94 = tpu.memref_slice %arg15[%mul3A_2] : memref<32768xf32, #tpu.memory_space<vmem_shared>> -> memref<2048xf32, #tpu.memory_space<vmem_shared>>
      tpu.wait_dma2 semaphore(%run_scoped3A_92 : memref<!tpu.dma_semaphore, #tpu.memory_space<semaphore_mem>>) src(%arg13 : memref<2048xf32, #tpu.memory_space<vmem>>) dst(%dma_wait3A_94 : memref<2048xf32, #tpu.memory_space<vmem_shared>>)
      tpu.yield
    }) : () -> ()
    %barrier3A_28 = arith.constant 0 : index
    tpu.barrier barrier_id(%barrier3A_28)
    %mul3A_29 = arith.constant 32 : i32
    %mul3A_30 = arith.muli %arg1, %mul3A_29 : i32
    %run_scoped3A_31 = arith.constant 1 : i32
    "tpu.region"() ({
      %run_scoped3A_92 = tpu.sem_alloc : memref<!tpu.dma_semaphore, #tpu.memory_space<semaphore_mem>>
      %dma_start3A = arith.constant 0 : i32
      %dma_start3A_93 = tpu.memref_slice %arg3[%run_scoped3A_31, %mul3A_30, %dma_start3A] : memref<4x512x128xi32, #tpu.memory_space<hbm>> -> memref<1x32x128xi32, #tpu.memory_space<hbm>>
      %dma_start3A_94 = tpu.memref_squeeze %dma_start3A_93 : memref<1x32x128xi32, #tpu.memory_space<hbm>> -> memref<32x128xi32, #tpu.memory_space<hbm>>
      %dma_start3A_95 = arith.constant 0 : i32
      %dma_start3A_96 = tpu.memref_slice %arg3[%run_scoped3A_31, %mul3A_30, %dma_start3A_95] : memref<4x512x128xi32, #tpu.memory_space<hbm>> -> memref<1x32x128xi32, #tpu.memory_space<hbm>>
      %dma_start3A_97 = tpu.memref_squeeze %dma_start3A_96 : memref<1x32x128xi32, #tpu.memory_space<hbm>> -> memref<32x128xi32, #tpu.memory_space<hbm>>
      tpu.enqueue_dma source(%dma_start3A_97 : memref<32x128xi32, #tpu.memory_space<hbm>>) target(%arg10 : memref<32x128xi32, #tpu.memory_space<vmem>>) target_semaphore(%run_scoped3A_92 : memref<!tpu.dma_semaphore, #tpu.memory_space<semaphore_mem>>)
      %dma_wait3A = arith.constant 0 : i32
      %dma_wait3A_98 = tpu.memref_slice %arg3[%run_scoped3A_31, %mul3A_30, %dma_wait3A] : memref<4x512x128xi32, #tpu.memory_space<hbm>> -> memref<1x32x128xi32, #tpu.memory_space<hbm>>
      %dma_wait3A_99 = tpu.memref_squeeze %dma_wait3A_98 : memref<1x32x128xi32, #tpu.memory_space<hbm>> -> memref<32x128xi32, #tpu.memory_space<hbm>>
      %dma_wait3A_100 = arith.constant 0 : i32
      %dma_wait3A_101 = tpu.memref_slice %arg3[%run_scoped3A_31, %mul3A_30, %dma_wait3A_100] : memref<4x512x128xi32, #tpu.memory_space<hbm>> -> memref<1x32x128xi32, #tpu.memory_space<hbm>>
      %dma_wait3A_102 = tpu.memref_squeeze %dma_wait3A_101 : memref<1x32x128xi32, #tpu.memory_space<hbm>> -> memref<32x128xi32, #tpu.memory_space<hbm>>
      tpu.wait_dma2 semaphore(%run_scoped3A_92 : memref<!tpu.dma_semaphore, #tpu.memory_space<semaphore_mem>>) src(%dma_wait3A_102 : memref<32x128xi32, #tpu.memory_space<hbm>>) dst(%arg10 : memref<32x128xi32, #tpu.memory_space<vmem>>)
      tpu.yield
    }) : () -> ()
    %scan3A_32 = arith.constant 0 : i32
    %scan3A_33 = arith.constant 8 : i32
    %scan3A_34 = arith.addi %scan3A_32, %scan3A_33 : i32
    %scan3A_35 = arith.constant 1 : i32
    scf.for %scan3A_92 = %scan3A_32 to %scan3A_34 step %scan3A_35  : i32 {
      %mul3A_93 = arith.constant 1 : i32
      %mul3A_94 = arith.muli %scan3A_92, %mul3A_93 : i32
      %add3A_95 = arith.constant 0 : i32
      %add3A_96 = arith.addi %add3A_95, %mul3A_94 : i32
      %mul3A_97 = arith.constant 4096 : i32
      %mul3A_98 = arith.muli %arg1, %mul3A_97 : i32
      %mul3A_99 = arith.constant 512 : i32
      %mul3A_100 = arith.muli %add3A_96, %mul3A_99 : i32
      %add3A_101 = arith.addi %mul3A_98, %mul3A_100 : i32
      %run_scoped3A_102 = arith.constant 1 : i32
      "tpu.region"() ({
        %run_scoped3A_119 = tpu.sem_alloc : memref<!tpu.dma_semaphore, #tpu.memory_space<semaphore_mem>>
        %dma_start3A = tpu.memref_slice %arg2[%run_scoped3A_102, %add3A_101, %mul3A_0] : memref<4x65536x64xf32, #tpu.memory_space<hbm>> -> memref<1x512x32xf32, #tpu.memory_space<hbm>>
        %dma_start3A_120 = tpu.memref_squeeze %dma_start3A : memref<1x512x32xf32, #tpu.memory_space<hbm>> -> memref<512x32xf32, #tpu.memory_space<hbm>>
        %dma_start3A_121 = tpu.memref_slice %arg2[%run_scoped3A_102, %add3A_101, %mul3A_0] : memref<4x65536x64xf32, #tpu.memory_space<hbm>> -> memref<1x512x32xf32, #tpu.memory_space<hbm>>
        %dma_start3A_122 = tpu.memref_squeeze %dma_start3A_121 : memref<1x512x32xf32, #tpu.memory_space<hbm>> -> memref<512x32xf32, #tpu.memory_space<hbm>>
        tpu.enqueue_dma source(%dma_start3A_122 : memref<512x32xf32, #tpu.memory_space<hbm>>) target(%arg9 : memref<512x32xf32, #tpu.memory_space<vmem>>) target_semaphore(%run_scoped3A_119 : memref<!tpu.dma_semaphore, #tpu.memory_space<semaphore_mem>>)
        %dma_wait3A = tpu.memref_slice %arg2[%run_scoped3A_102, %add3A_101, %mul3A_0] : memref<4x65536x64xf32, #tpu.memory_space<hbm>> -> memref<1x512x32xf32, #tpu.memory_space<hbm>>
        %dma_wait3A_123 = tpu.memref_squeeze %dma_wait3A : memref<1x512x32xf32, #tpu.memory_space<hbm>> -> memref<512x32xf32, #tpu.memory_space<hbm>>
        %dma_wait3A_124 = tpu.memref_slice %arg2[%run_scoped3A_102, %add3A_101, %mul3A_0] : memref<4x65536x64xf32, #tpu.memory_space<hbm>> -> memref<1x512x32xf32, #tpu.memory_space<hbm>>
        %dma_wait3A_125 = tpu.memref_squeeze %dma_wait3A_124 : memref<1x512x32xf32, #tpu.memory_space<hbm>> -> memref<512x32xf32, #tpu.memory_space<hbm>>
        tpu.wait_dma2 semaphore(%run_scoped3A_119 : memref<!tpu.dma_semaphore, #tpu.memory_space<semaphore_mem>>) src(%dma_wait3A_125 : memref<512x32xf32, #tpu.memory_space<hbm>>) dst(%arg9 : memref<512x32xf32, #tpu.memory_space<vmem>>)
        tpu.yield
      }) : () -> ()
      %mul3A_103 = arith.constant 4 : i32
      %mul3A_104 = arith.muli %add3A_96, %mul3A_103 : i32
      %add3A_105 = arith.constant 0 : i32
      %add3A_106 = arith.addi %mul3A_104, %add3A_105 : i32
      "tpu.region"() ({
        %run_scoped3A_119 = tpu.sem_alloc : memref<!tpu.dma_semaphore, #tpu.memory_space<semaphore_mem>>
        %dma_start3A = arith.constant 0 : i32
        %dma_start3A_120 = arith.constant 0 : i32
        %dma_start3A_121 = tpu.memref_slice %arg9[%dma_start3A, %dma_start3A_120] : memref<512x32xf32, #tpu.memory_space<vmem>> -> memref<128x32xf32, #tpu.memory_space<vmem>>
        %dma_start3A_122 = arith.constant 0 : i32
        %dma_start3A_123 = tpu.memref_slice %arg10[%add3A_106, %dma_start3A_122] : memref<32x128xi32, #tpu.memory_space<vmem>> -> memref<1x128xi32, #tpu.memory_space<vmem>>
        %dma_start3A_124 = tpu.memref_squeeze %dma_start3A_123 : memref<1x128xi32, #tpu.memory_space<vmem>> -> memref<128xi32, #tpu.memory_space<vmem>>
        %dma_start3A_125 = arith.constant 0 : i32
        %dma_start3A_126 = arith.constant 0 : i32
        %dma_start3A_127 = tpu.memref_slice %arg14[%dma_start3A_125, %dma_start3A_126] : memref<32768x32xf32, #tpu.memory_space<vmem_shared>> -> memref<32768x32xf32, #tpu.memory_space<vmem_shared>>
        tpu.enqueue_indirect_dma source(%dma_start3A_121 : memref<128x32xf32, #tpu.memory_space<vmem>>) target(%dma_start3A_127 : memref<32768x32xf32, #tpu.memory_space<vmem_shared>>) offsets(%dma_start3A_124 : memref<128xi32, #tpu.memory_space<vmem>>) semaphore(%run_scoped3A_119 : memref<!tpu.dma_semaphore, #tpu.memory_space<semaphore_mem>>) {add = true}
        %dma_wait3A = arith.constant 0 : i32
        %dma_wait3A_128 = arith.constant 0 : i32
        %dma_wait3A_129 = tpu.memref_slice %arg9[%dma_wait3A, %dma_wait3A_128] : memref<512x32xf32, #tpu.memory_space<vmem>> -> memref<128x32xf32, #tpu.memory_space<vmem>>
        %dma_wait3A_130 = arith.constant 0 : i32
        %dma_wait3A_131 = tpu.memref_slice %arg10[%add3A_106, %dma_wait3A_130] : memref<32x128xi32, #tpu.memory_space<vmem>> -> memref<1x128xi32, #tpu.memory_space<vmem>>
        %dma_wait3A_132 = tpu.memref_squeeze %dma_wait3A_131 : memref<1x128xi32, #tpu.memory_space<vmem>> -> memref<128xi32, #tpu.memory_space<vmem>>
        %dma_wait3A_133 = arith.constant 0 : i32
        %dma_wait3A_134 = arith.constant 0 : i32
        %dma_wait3A_135 = tpu.memref_slice %arg14[%dma_wait3A_133, %dma_wait3A_134] : memref<32768x32xf32, #tpu.memory_space<vmem_shared>> -> memref<32768x32xf32, #tpu.memory_space<vmem_shared>>
        tpu.wait_indirect_dma semaphore(%run_scoped3A_119 : memref<!tpu.dma_semaphore, #tpu.memory_space<semaphore_mem>>) src(%dma_wait3A_129 : memref<128x32xf32, #tpu.memory_space<vmem>>) dst(%dma_wait3A_135 : memref<32768x32xf32, #tpu.memory_space<vmem_shared>>)
        tpu.yield
      }) : () -> ()
      "tpu.region"() ({
        %run_scoped3A_119 = tpu.sem_alloc : memref<!tpu.dma_semaphore, #tpu.memory_space<semaphore_mem>>
        %dma_start3A = arith.constant 0 : i32
        %dma_start3A_120 = tpu.memref_slice %arg10[%add3A_106, %dma_start3A] : memref<32x128xi32, #tpu.memory_space<vmem>> -> memref<1x128xi32, #tpu.memory_space<vmem>>
        %dma_start3A_121 = tpu.memref_squeeze %dma_start3A_120 : memref<1x128xi32, #tpu.memory_space<vmem>> -> memref<128xi32, #tpu.memory_space<vmem>>
        %dma_start3A_122 = arith.constant 0 : i32
        %dma_start3A_123 = tpu.memref_slice %arg15[%dma_start3A_122] : memref<32768xf32, #tpu.memory_space<vmem_shared>> -> memref<32768xf32, #tpu.memory_space<vmem_shared>>
        tpu.enqueue_indirect_dma source(%arg11 : memref<128xf32, #tpu.memory_space<vmem>>) target(%dma_start3A_123 : memref<32768xf32, #tpu.memory_space<vmem_shared>>) offsets(%dma_start3A_121 : memref<128xi32, #tpu.memory_space<vmem>>) semaphore(%run_scoped3A_119 : memref<!tpu.dma_semaphore, #tpu.memory_space<semaphore_mem>>) {add = true}
        %dma_wait3A = arith.constant 0 : i32
        %dma_wait3A_124 = tpu.memref_slice %arg10[%add3A_106, %dma_wait3A] : memref<32x128xi32, #tpu.memory_space<vmem>> -> memref<1x128xi32, #tpu.memory_space<vmem>>
        %dma_wait3A_125 = tpu.memref_squeeze %dma_wait3A_124 : memref<1x128xi32, #tpu.memory_space<vmem>> -> memref<128xi32, #tpu.memory_space<vmem>>
        %dma_wait3A_126 = arith.constant 0 : i32
        %dma_wait3A_127 = tpu.memref_slice %arg15[%dma_wait3A_126] : memref<32768xf32, #tpu.memory_space<vmem_shared>> -> memref<32768xf32, #tpu.memory_space<vmem_shared>>
        tpu.wait_indirect_dma semaphore(%run_scoped3A_119 : memref<!tpu.dma_semaphore, #tpu.memory_space<semaphore_mem>>) src(%arg11 : memref<128xf32, #tpu.memory_space<vmem>>) dst(%dma_wait3A_127 : memref<32768xf32, #tpu.memory_space<vmem_shared>>)
        tpu.yield
      }) : () -> ()
      %mul3A_107 = arith.constant 4 : i32
      %mul3A_108 = arith.muli %add3A_96, %mul3A_107 : i32
      %add3A_109 = arith.constant 1 : i32
      %add3A_110 = arith.addi %mul3A_108, %add3A_109 : i32
      "tpu.region"() ({
        %run_scoped3A_119 = tpu.sem_alloc : memref<!tpu.dma_semaphore, #tpu.memory_space<semaphore_mem>>
        %dma_start3A = arith.constant 128 : i32
        %dma_start3A_120 = arith.constant 0 : i32
        %dma_start3A_121 = tpu.memref_slice %arg9[%dma_start3A, %dma_start3A_120] : memref<512x32xf32, #tpu.memory_space<vmem>> -> memref<128x32xf32, #tpu.memory_space<vmem>>
        %dma_start3A_122 = arith.constant 0 : i32
        %dma_start3A_123 = tpu.memref_slice %arg10[%add3A_110, %dma_start3A_122] : memref<32x128xi32, #tpu.memory_space<vmem>> -> memref<1x128xi32, #tpu.memory_space<vmem>>
        %dma_start3A_124 = tpu.memref_squeeze %dma_start3A_123 : memref<1x128xi32, #tpu.memory_space<vmem>> -> memref<128xi32, #tpu.memory_space<vmem>>
        %dma_start3A_125 = arith.constant 0 : i32
        %dma_start3A_126 = arith.constant 0 : i32
        %dma_start3A_127 = tpu.memref_slice %arg14[%dma_start3A_125, %dma_start3A_126] : memref<32768x32xf32, #tpu.memory_space<vmem_shared>> -> memref<32768x32xf32, #tpu.memory_space<vmem_shared>>
        tpu.enqueue_indirect_dma source(%dma_start3A_121 : memref<128x32xf32, #tpu.memory_space<vmem>>) target(%dma_start3A_127 : memref<32768x32xf32, #tpu.memory_space<vmem_shared>>) offsets(%dma_start3A_124 : memref<128xi32, #tpu.memory_space<vmem>>) semaphore(%run_scoped3A_119 : memref<!tpu.dma_semaphore, #tpu.memory_space<semaphore_mem>>) {add = true}
        %dma_wait3A = arith.constant 128 : i32
        %dma_wait3A_128 = arith.constant 0 : i32
        %dma_wait3A_129 = tpu.memref_slice %arg9[%dma_wait3A, %dma_wait3A_128] : memref<512x32xf32, #tpu.memory_space<vmem>> -> memref<128x32xf32, #tpu.memory_space<vmem>>
        %dma_wait3A_130 = arith.constant 0 : i32
        %dma_wait3A_131 = tpu.memref_slice %arg10[%add3A_110, %dma_wait3A_130] : memref<32x128xi32, #tpu.memory_space<vmem>> -> memref<1x128xi32, #tpu.memory_space<vmem>>
        %dma_wait3A_132 = tpu.memref_squeeze %dma_wait3A_131 : memref<1x128xi32, #tpu.memory_space<vmem>> -> memref<128xi32, #tpu.memory_space<vmem>>
        %dma_wait3A_133 = arith.constant 0 : i32
        %dma_wait3A_134 = arith.constant 0 : i32
        %dma_wait3A_135 = tpu.memref_slice %arg14[%dma_wait3A_133, %dma_wait3A_134] : memref<32768x32xf32, #tpu.memory_space<vmem_shared>> -> memref<32768x32xf32, #tpu.memory_space<vmem_shared>>
        tpu.wait_indirect_dma semaphore(%run_scoped3A_119 : memref<!tpu.dma_semaphore, #tpu.memory_space<semaphore_mem>>) src(%dma_wait3A_129 : memref<128x32xf32, #tpu.memory_space<vmem>>) dst(%dma_wait3A_135 : memref<32768x32xf32, #tpu.memory_space<vmem_shared>>)
        tpu.yield
      }) : () -> ()
      "tpu.region"() ({
        %run_scoped3A_119 = tpu.sem_alloc : memref<!tpu.dma_semaphore, #tpu.memory_space<semaphore_mem>>
        %dma_start3A = arith.constant 0 : i32
        %dma_start3A_120 = tpu.memref_slice %arg10[%add3A_110, %dma_start3A] : memref<32x128xi32, #tpu.memory_space<vmem>> -> memref<1x128xi32, #tpu.memory_space<vmem>>
        %dma_start3A_121 = tpu.memref_squeeze %dma_start3A_120 : memref<1x128xi32, #tpu.memory_space<vmem>> -> memref<128xi32, #tpu.memory_space<vmem>>
        %dma_start3A_122 = arith.constant 0 : i32
        %dma_start3A_123 = tpu.memref_slice %arg15[%dma_start3A_122] : memref<32768xf32, #tpu.memory_space<vmem_shared>> -> memref<32768xf32, #tpu.memory_space<vmem_shared>>
        tpu.enqueue_indirect_dma source(%arg11 : memref<128xf32, #tpu.memory_space<vmem>>) target(%dma_start3A_123 : memref<32768xf32, #tpu.memory_space<vmem_shared>>) offsets(%dma_start3A_121 : memref<128xi32, #tpu.memory_space<vmem>>) semaphore(%run_scoped3A_119 : memref<!tpu.dma_semaphore, #tpu.memory_space<semaphore_mem>>) {add = true}
        %dma_wait3A = arith.constant 0 : i32
        %dma_wait3A_124 = tpu.memref_slice %arg10[%add3A_110, %dma_wait3A] : memref<32x128xi32, #tpu.memory_space<vmem>> -> memref<1x128xi32, #tpu.memory_space<vmem>>
        %dma_wait3A_125 = tpu.memref_squeeze %dma_wait3A_124 : memref<1x128xi32, #tpu.memory_space<vmem>> -> memref<128xi32, #tpu.memory_space<vmem>>
        %dma_wait3A_126 = arith.constant 0 : i32
        %dma_wait3A_127 = tpu.memref_slice %arg15[%dma_wait3A_126] : memref<32768xf32, #tpu.memory_space<vmem_shared>> -> memref<32768xf32, #tpu.memory_space<vmem_shared>>
        tpu.wait_indirect_dma semaphore(%run_scoped3A_119 : memref<!tpu.dma_semaphore, #tpu.memory_space<semaphore_mem>>) src(%arg11 : memref<128xf32, #tpu.memory_space<vmem>>) dst(%dma_wait3A_127 : memref<32768xf32, #tpu.memory_space<vmem_shared>>)
        tpu.yield
      }) : () -> ()
      %mul3A_111 = arith.constant 4 : i32
      %mul3A_112 = arith.muli %add3A_96, %mul3A_111 : i32
      %add3A_113 = arith.constant 2 : i32
      %add3A_114 = arith.addi %mul3A_112, %add3A_113 : i32
      "tpu.region"() ({
        %run_scoped3A_119 = tpu.sem_alloc : memref<!tpu.dma_semaphore, #tpu.memory_space<semaphore_mem>>
        %dma_start3A = arith.constant 256 : i32
        %dma_start3A_120 = arith.constant 0 : i32
        %dma_start3A_121 = tpu.memref_slice %arg9[%dma_start3A, %dma_start3A_120] : memref<512x32xf32, #tpu.memory_space<vmem>> -> memref<128x32xf32, #tpu.memory_space<vmem>>
        %dma_start3A_122 = arith.constant 0 : i32
        %dma_start3A_123 = tpu.memref_slice %arg10[%add3A_114, %dma_start3A_122] : memref<32x128xi32, #tpu.memory_space<vmem>> -> memref<1x128xi32, #tpu.memory_space<vmem>>
        %dma_start3A_124 = tpu.memref_squeeze %dma_start3A_123 : memref<1x128xi32, #tpu.memory_space<vmem>> -> memref<128xi32, #tpu.memory_space<vmem>>
        %dma_start3A_125 = arith.constant 0 : i32
        %dma_start3A_126 = arith.constant 0 : i32
        %dma_start3A_127 = tpu.memref_slice %arg14[%dma_start3A_125, %dma_start3A_126] : memref<32768x32xf32, #tpu.memory_space<vmem_shared>> -> memref<32768x32xf32, #tpu.memory_space<vmem_shared>>
        tpu.enqueue_indirect_dma source(%dma_start3A_121 : memref<128x32xf32, #tpu.memory_space<vmem>>) target(%dma_start3A_127 : memref<32768x32xf32, #tpu.memory_space<vmem_shared>>) offsets(%dma_start3A_124 : memref<128xi32, #tpu.memory_space<vmem>>) semaphore(%run_scoped3A_119 : memref<!tpu.dma_semaphore, #tpu.memory_space<semaphore_mem>>) {add = true}
        %dma_wait3A = arith.constant 256 : i32
        %dma_wait3A_128 = arith.constant 0 : i32
        %dma_wait3A_129 = tpu.memref_slice %arg9[%dma_wait3A, %dma_wait3A_128] : memref<512x32xf32, #tpu.memory_space<vmem>> -> memref<128x32xf32, #tpu.memory_space<vmem>>
        %dma_wait3A_130 = arith.constant 0 : i32
        %dma_wait3A_131 = tpu.memref_slice %arg10[%add3A_114, %dma_wait3A_130] : memref<32x128xi32, #tpu.memory_space<vmem>> -> memref<1x128xi32, #tpu.memory_space<vmem>>
        %dma_wait3A_132 = tpu.memref_squeeze %dma_wait3A_131 : memref<1x128xi32, #tpu.memory_space<vmem>> -> memref<128xi32, #tpu.memory_space<vmem>>
        %dma_wait3A_133 = arith.constant 0 : i32
        %dma_wait3A_134 = arith.constant 0 : i32
        %dma_wait3A_135 = tpu.memref_slice %arg14[%dma_wait3A_133, %dma_wait3A_134] : memref<32768x32xf32, #tpu.memory_space<vmem_shared>> -> memref<32768x32xf32, #tpu.memory_space<vmem_shared>>
        tpu.wait_indirect_dma semaphore(%run_scoped3A_119 : memref<!tpu.dma_semaphore, #tpu.memory_space<semaphore_mem>>) src(%dma_wait3A_129 : memref<128x32xf32, #tpu.memory_space<vmem>>) dst(%dma_wait3A_135 : memref<32768x32xf32, #tpu.memory_space<vmem_shared>>)
        tpu.yield
      }) : () -> ()
      "tpu.region"() ({
        %run_scoped3A_119 = tpu.sem_alloc : memref<!tpu.dma_semaphore, #tpu.memory_space<semaphore_mem>>
        %dma_start3A = arith.constant 0 : i32
        %dma_start3A_120 = tpu.memref_slice %arg10[%add3A_114, %dma_start3A] : memref<32x128xi32, #tpu.memory_space<vmem>> -> memref<1x128xi32, #tpu.memory_space<vmem>>
        %dma_start3A_121 = tpu.memref_squeeze %dma_start3A_120 : memref<1x128xi32, #tpu.memory_space<vmem>> -> memref<128xi32, #tpu.memory_space<vmem>>
        %dma_start3A_122 = arith.constant 0 : i32
        %dma_start3A_123 = tpu.memref_slice %arg15[%dma_start3A_122] : memref<32768xf32, #tpu.memory_space<vmem_shared>> -> memref<32768xf32, #tpu.memory_space<vmem_shared>>
        tpu.enqueue_indirect_dma source(%arg11 : memref<128xf32, #tpu.memory_space<vmem>>) target(%dma_start3A_123 : memref<32768xf32, #tpu.memory_space<vmem_shared>>) offsets(%dma_start3A_121 : memref<128xi32, #tpu.memory_space<vmem>>) semaphore(%run_scoped3A_119 : memref<!tpu.dma_semaphore, #tpu.memory_space<semaphore_mem>>) {add = true}
        %dma_wait3A = arith.constant 0 : i32
        %dma_wait3A_124 = tpu.memref_slice %arg10[%add3A_114, %dma_wait3A] : memref<32x128xi32, #tpu.memory_space<vmem>> -> memref<1x128xi32, #tpu.memory_space<vmem>>
        %dma_wait3A_125 = tpu.memref_squeeze %dma_wait3A_124 : memref<1x128xi32, #tpu.memory_space<vmem>> -> memref<128xi32, #tpu.memory_space<vmem>>
        %dma_wait3A_126 = arith.constant 0 : i32
        %dma_wait3A_127 = tpu.memref_slice %arg15[%dma_wait3A_126] : memref<32768xf32, #tpu.memory_space<vmem_shared>> -> memref<32768xf32, #tpu.memory_space<vmem_shared>>
        tpu.wait_indirect_dma semaphore(%run_scoped3A_119 : memref<!tpu.dma_semaphore, #tpu.memory_space<semaphore_mem>>) src(%arg11 : memref<128xf32, #tpu.memory_space<vmem>>) dst(%dma_wait3A_127 : memref<32768xf32, #tpu.memory_space<vmem_shared>>)
        tpu.yield
      }) : () -> ()
      %mul3A_115 = arith.constant 4 : i32
      %mul3A_116 = arith.muli %add3A_96, %mul3A_115 : i32
      %add3A_117 = arith.constant 3 : i32
      %add3A_118 = arith.addi %mul3A_116, %add3A_117 : i32
      "tpu.region"() ({
        %run_scoped3A_119 = tpu.sem_alloc : memref<!tpu.dma_semaphore, #tpu.memory_space<semaphore_mem>>
        %dma_start3A = arith.constant 384 : i32
        %dma_start3A_120 = arith.constant 0 : i32
        %dma_start3A_121 = tpu.memref_slice %arg9[%dma_start3A, %dma_start3A_120] : memref<512x32xf32, #tpu.memory_space<vmem>> -> memref<128x32xf32, #tpu.memory_space<vmem>>
        %dma_start3A_122 = arith.constant 0 : i32
        %dma_start3A_123 = tpu.memref_slice %arg10[%add3A_118, %dma_start3A_122] : memref<32x128xi32, #tpu.memory_space<vmem>> -> memref<1x128xi32, #tpu.memory_space<vmem>>
        %dma_start3A_124 = tpu.memref_squeeze %dma_start3A_123 : memref<1x128xi32, #tpu.memory_space<vmem>> -> memref<128xi32, #tpu.memory_space<vmem>>
        %dma_start3A_125 = arith.constant 0 : i32
        %dma_start3A_126 = arith.constant 0 : i32
        %dma_start3A_127 = tpu.memref_slice %arg14[%dma_start3A_125, %dma_start3A_126] : memref<32768x32xf32, #tpu.memory_space<vmem_shared>> -> memref<32768x32xf32, #tpu.memory_space<vmem_shared>>
        tpu.enqueue_indirect_dma source(%dma_start3A_121 : memref<128x32xf32, #tpu.memory_space<vmem>>) target(%dma_start3A_127 : memref<32768x32xf32, #tpu.memory_space<vmem_shared>>) offsets(%dma_start3A_124 : memref<128xi32, #tpu.memory_space<vmem>>) semaphore(%run_scoped3A_119 : memref<!tpu.dma_semaphore, #tpu.memory_space<semaphore_mem>>) {add = true}
        %dma_wait3A = arith.constant 384 : i32
        %dma_wait3A_128 = arith.constant 0 : i32
        %dma_wait3A_129 = tpu.memref_slice %arg9[%dma_wait3A, %dma_wait3A_128] : memref<512x32xf32, #tpu.memory_space<vmem>> -> memref<128x32xf32, #tpu.memory_space<vmem>>
        %dma_wait3A_130 = arith.constant 0 : i32
        %dma_wait3A_131 = tpu.memref_slice %arg10[%add3A_118, %dma_wait3A_130] : memref<32x128xi32, #tpu.memory_space<vmem>> -> memref<1x128xi32, #tpu.memory_space<vmem>>
        %dma_wait3A_132 = tpu.memref_squeeze %dma_wait3A_131 : memref<1x128xi32, #tpu.memory_space<vmem>> -> memref<128xi32, #tpu.memory_space<vmem>>
        %dma_wait3A_133 = arith.constant 0 : i32
        %dma_wait3A_134 = arith.constant 0 : i32
        %dma_wait3A_135 = tpu.memref_slice %arg14[%dma_wait3A_133, %dma_wait3A_134] : memref<32768x32xf32, #tpu.memory_space<vmem_shared>> -> memref<32768x32xf32, #tpu.memory_space<vmem_shared>>
        tpu.wait_indirect_dma semaphore(%run_scoped3A_119 : memref<!tpu.dma_semaphore, #tpu.memory_space<semaphore_mem>>) src(%dma_wait3A_129 : memref<128x32xf32, #tpu.memory_space<vmem>>) dst(%dma_wait3A_135 : memref<32768x32xf32, #tpu.memory_space<vmem_shared>>)
        tpu.yield
      }) : () -> ()
      "tpu.region"() ({
        %run_scoped3A_119 = tpu.sem_alloc : memref<!tpu.dma_semaphore, #tpu.memory_space<semaphore_mem>>
        %dma_start3A = arith.constant 0 : i32
        %dma_start3A_120 = tpu.memref_slice %arg10[%add3A_118, %dma_start3A] : memref<32x128xi32, #tpu.memory_space<vmem>> -> memref<1x128xi32, #tpu.memory_space<vmem>>
        %dma_start3A_121 = tpu.memref_squeeze %dma_start3A_120 : memref<1x128xi32, #tpu.memory_space<vmem>> -> memref<128xi32, #tpu.memory_space<vmem>>
        %dma_start3A_122 = arith.constant 0 : i32
        %dma_start3A_123 = tpu.memref_slice %arg15[%dma_start3A_122] : memref<32768xf32, #tpu.memory_space<vmem_shared>> -> memref<32768xf32, #tpu.memory_space<vmem_shared>>
        tpu.enqueue_indirect_dma source(%arg11 : memref<128xf32, #tpu.memory_space<vmem>>) target(%dma_start3A_123 : memref<32768xf32, #tpu.memory_space<vmem_shared>>) offsets(%dma_start3A_121 : memref<128xi32, #tpu.memory_space<vmem>>) semaphore(%run_scoped3A_119 : memref<!tpu.dma_semaphore, #tpu.memory_space<semaphore_mem>>) {add = true}
        %dma_wait3A = arith.constant 0 : i32
        %dma_wait3A_124 = tpu.memref_slice %arg10[%add3A_118, %dma_wait3A] : memref<32x128xi32, #tpu.memory_space<vmem>> -> memref<1x128xi32, #tpu.memory_space<vmem>>
        %dma_wait3A_125 = tpu.memref_squeeze %dma_wait3A_124 : memref<1x128xi32, #tpu.memory_space<vmem>> -> memref<128xi32, #tpu.memory_space<vmem>>
        %dma_wait3A_126 = arith.constant 0 : i32
        %dma_wait3A_127 = tpu.memref_slice %arg15[%dma_wait3A_126] : memref<32768xf32, #tpu.memory_space<vmem_shared>> -> memref<32768xf32, #tpu.memory_space<vmem_shared>>
        tpu.wait_indirect_dma semaphore(%run_scoped3A_119 : memref<!tpu.dma_semaphore, #tpu.memory_space<semaphore_mem>>) src(%arg11 : memref<128xf32, #tpu.memory_space<vmem>>) dst(%dma_wait3A_127 : memref<32768xf32, #tpu.memory_space<vmem_shared>>)
        tpu.yield
      }) : () -> ()
    }
    %scan3A_36 = arith.constant 8 : i32
    %barrier3A_37 = arith.constant 0 : index
    tpu.barrier barrier_id(%barrier3A_37)
    %run_scoped3A_38 = arith.constant 1 : i32
    "tpu.region"() ({
      %run_scoped3A_92 = tpu.sem_alloc : memref<!tpu.dma_semaphore, #tpu.memory_space<semaphore_mem>>
      %dma_start3A = tpu.memref_slice %arg7[%run_scoped3A_38, %mul3A_2, %mul3A_0] : memref<4x32768x64xf32, #tpu.memory_space<hbm>> -> memref<1x2048x32xf32, #tpu.memory_space<hbm>>
      %dma_start3A_93 = tpu.memref_squeeze %dma_start3A : memref<1x2048x32xf32, #tpu.memory_space<hbm>> -> memref<2048x32xf32, #tpu.memory_space<hbm>>
      %dma_start3A_94 = arith.constant 0 : i32
      %dma_start3A_95 = tpu.memref_slice %arg14[%mul3A_2, %dma_start3A_94] : memref<32768x32xf32, #tpu.memory_space<vmem_shared>> -> memref<2048x32xf32, #tpu.memory_space<vmem_shared>>
      tpu.enqueue_dma source(%dma_start3A_95 : memref<2048x32xf32, #tpu.memory_space<vmem_shared>>) target(%dma_start3A_93 : memref<2048x32xf32, #tpu.memory_space<hbm>>) target_semaphore(%run_scoped3A_92 : memref<!tpu.dma_semaphore, #tpu.memory_space<semaphore_mem>>)
      %dma_wait3A = tpu.memref_slice %arg7[%run_scoped3A_38, %mul3A_2, %mul3A_0] : memref<4x32768x64xf32, #tpu.memory_space<hbm>> -> memref<1x2048x32xf32, #tpu.memory_space<hbm>>
      %dma_wait3A_96 = tpu.memref_squeeze %dma_wait3A : memref<1x2048x32xf32, #tpu.memory_space<hbm>> -> memref<2048x32xf32, #tpu.memory_space<hbm>>
      %dma_wait3A_97 = arith.constant 0 : i32
      %dma_wait3A_98 = tpu.memref_slice %arg14[%mul3A_2, %dma_wait3A_97] : memref<32768x32xf32, #tpu.memory_space<vmem_shared>> -> memref<2048x32xf32, #tpu.memory_space<vmem_shared>>
      tpu.wait_dma2 semaphore(%run_scoped3A_92 : memref<!tpu.dma_semaphore, #tpu.memory_space<semaphore_mem>>) src(%dma_wait3A_98 : memref<2048x32xf32, #tpu.memory_space<vmem_shared>>) dst(%dma_wait3A_96 : memref<2048x32xf32, #tpu.memory_space<hbm>>)
      tpu.yield
    }) : () -> ()
    %eq3A_39 = arith.constant 0 : i32
    %eq3A_40 = arith.cmpi eq, %arg0, %eq3A_39 : i32
    %convert_element_type3A_41 = arith.extui %eq3A_40 : i1 to i32
    %cond3A_42 = arith.constant 0 : i32
    %cond3A_43 = arith.cmpi ne, %convert_element_type3A_41, %cond3A_42 : i32
    scf.if %cond3A_43 {
      %run_scoped3A_92 = arith.constant 1 : i32
      "tpu.region"() ({
        %run_scoped3A_93 = tpu.sem_alloc : memref<!tpu.dma_semaphore, #tpu.memory_space<semaphore_mem>>
        %dma_start3A = tpu.memref_slice %arg8[%run_scoped3A_92, %mul3A_2] : memref<4x32768xf32, #tpu.memory_space<hbm>> -> memref<1x2048xf32, #tpu.memory_space<hbm>>
        %dma_start3A_94 = tpu.memref_squeeze %dma_start3A : memref<1x2048xf32, #tpu.memory_space<hbm>> -> memref<2048xf32, #tpu.memory_space<hbm>>
        %dma_start3A_95 = tpu.memref_slice %arg15[%mul3A_2] : memref<32768xf32, #tpu.memory_space<vmem_shared>> -> memref<2048xf32, #tpu.memory_space<vmem_shared>>
        tpu.enqueue_dma source(%dma_start3A_95 : memref<2048xf32, #tpu.memory_space<vmem_shared>>) target(%dma_start3A_94 : memref<2048xf32, #tpu.memory_space<hbm>>) target_semaphore(%run_scoped3A_93 : memref<!tpu.dma_semaphore, #tpu.memory_space<semaphore_mem>>)
        %dma_wait3A = tpu.memref_slice %arg8[%run_scoped3A_92, %mul3A_2] : memref<4x32768xf32, #tpu.memory_space<hbm>> -> memref<1x2048xf32, #tpu.memory_space<hbm>>
        %dma_wait3A_96 = tpu.memref_squeeze %dma_wait3A : memref<1x2048xf32, #tpu.memory_space<hbm>> -> memref<2048xf32, #tpu.memory_space<hbm>>
        %dma_wait3A_97 = tpu.memref_slice %arg15[%mul3A_2] : memref<32768xf32, #tpu.memory_space<vmem_shared>> -> memref<2048xf32, #tpu.memory_space<vmem_shared>>
        tpu.wait_dma2 semaphore(%run_scoped3A_93 : memref<!tpu.dma_semaphore, #tpu.memory_space<semaphore_mem>>) src(%dma_wait3A_97 : memref<2048xf32, #tpu.memory_space<vmem_shared>>) dst(%dma_wait3A_96 : memref<2048xf32, #tpu.memory_space<hbm>>)
        tpu.yield
      }) : () -> ()
    } else {
    }
    %add3A_44 = arith.constant 0 : i32
    %add3A_45 = arith.addi %mul3A_2, %add3A_44 : i32
    "tpu.region"() ({
      %run_scoped3A_92 = tpu.sem_alloc : memref<!tpu.dma_semaphore, #tpu.memory_space<semaphore_mem>>
      %dma_start3A = arith.constant 0 : i32
      %dma_start3A_93 = tpu.memref_slice %arg14[%add3A_45, %dma_start3A] : memref<32768x32xf32, #tpu.memory_space<vmem_shared>> -> memref<512x32xf32, #tpu.memory_space<vmem_shared>>
      %dma_start3A_94 = arith.constant 0 : i32
      %dma_start3A_95 = tpu.memref_slice %arg14[%add3A_45, %dma_start3A_94] : memref<32768x32xf32, #tpu.memory_space<vmem_shared>> -> memref<512x32xf32, #tpu.memory_space<vmem_shared>>
      tpu.enqueue_dma source(%arg12 : memref<512x32xf32, #tpu.memory_space<vmem>>) target(%dma_start3A_95 : memref<512x32xf32, #tpu.memory_space<vmem_shared>>) target_semaphore(%run_scoped3A_92 : memref<!tpu.dma_semaphore, #tpu.memory_space<semaphore_mem>>)
      %dma_wait3A = arith.constant 0 : i32
      %dma_wait3A_96 = tpu.memref_slice %arg14[%add3A_45, %dma_wait3A] : memref<32768x32xf32, #tpu.memory_space<vmem_shared>> -> memref<512x32xf32, #tpu.memory_space<vmem_shared>>
      %dma_wait3A_97 = arith.constant 0 : i32
      %dma_wait3A_98 = tpu.memref_slice %arg14[%add3A_45, %dma_wait3A_97] : memref<32768x32xf32, #tpu.memory_space<vmem_shared>> -> memref<512x32xf32, #tpu.memory_space<vmem_shared>>
      tpu.wait_dma2 semaphore(%run_scoped3A_92 : memref<!tpu.dma_semaphore, #tpu.memory_space<semaphore_mem>>) src(%arg12 : memref<512x32xf32, #tpu.memory_space<vmem>>) dst(%dma_wait3A_98 : memref<512x32xf32, #tpu.memory_space<vmem_shared>>)
      tpu.yield
    }) : () -> ()
    %add3A_46 = arith.constant 512 : i32
    %add3A_47 = arith.addi %mul3A_2, %add3A_46 : i32
    "tpu.region"() ({
      %run_scoped3A_92 = tpu.sem_alloc : memref<!tpu.dma_semaphore, #tpu.memory_space<semaphore_mem>>
      %dma_start3A = arith.constant 0 : i32
      %dma_start3A_93 = tpu.memref_slice %arg14[%add3A_47, %dma_start3A] : memref<32768x32xf32, #tpu.memory_space<vmem_shared>> -> memref<512x32xf32, #tpu.memory_space<vmem_shared>>
      %dma_start3A_94 = arith.constant 0 : i32
      %dma_start3A_95 = tpu.memref_slice %arg14[%add3A_47, %dma_start3A_94] : memref<32768x32xf32, #tpu.memory_space<vmem_shared>> -> memref<512x32xf32, #tpu.memory_space<vmem_shared>>
      tpu.enqueue_dma source(%arg12 : memref<512x32xf32, #tpu.memory_space<vmem>>) target(%dma_start3A_95 : memref<512x32xf32, #tpu.memory_space<vmem_shared>>) target_semaphore(%run_scoped3A_92 : memref<!tpu.dma_semaphore, #tpu.memory_space<semaphore_mem>>)
      %dma_wait3A = arith.constant 0 : i32
      %dma_wait3A_96 = tpu.memref_slice %arg14[%add3A_47, %dma_wait3A] : memref<32768x32xf32, #tpu.memory_space<vmem_shared>> -> memref<512x32xf32, #tpu.memory_space<vmem_shared>>
      %dma_wait3A_97 = arith.constant 0 : i32
      %dma_wait3A_98 = tpu.memref_slice %arg14[%add3A_47, %dma_wait3A_97] : memref<32768x32xf32, #tpu.memory_space<vmem_shared>> -> memref<512x32xf32, #tpu.memory_space<vmem_shared>>
      tpu.wait_dma2 semaphore(%run_scoped3A_92 : memref<!tpu.dma_semaphore, #tpu.memory_space<semaphore_mem>>) src(%arg12 : memref<512x32xf32, #tpu.memory_space<vmem>>) dst(%dma_wait3A_98 : memref<512x32xf32, #tpu.memory_space<vmem_shared>>)
      tpu.yield
    }) : () -> ()
    %add3A_48 = arith.constant 1024 : i32
    %add3A_49 = arith.addi %mul3A_2, %add3A_48 : i32
    "tpu.region"() ({
      %run_scoped3A_92 = tpu.sem_alloc : memref<!tpu.dma_semaphore, #tpu.memory_space<semaphore_mem>>
      %dma_start3A = arith.constant 0 : i32
      %dma_start3A_93 = tpu.memref_slice %arg14[%add3A_49, %dma_start3A] : memref<32768x32xf32, #tpu.memory_space<vmem_shared>> -> memref<512x32xf32, #tpu.memory_space<vmem_shared>>
      %dma_start3A_94 = arith.constant 0 : i32
      %dma_start3A_95 = tpu.memref_slice %arg14[%add3A_49, %dma_start3A_94] : memref<32768x32xf32, #tpu.memory_space<vmem_shared>> -> memref<512x32xf32, #tpu.memory_space<vmem_shared>>
      tpu.enqueue_dma source(%arg12 : memref<512x32xf32, #tpu.memory_space<vmem>>) target(%dma_start3A_95 : memref<512x32xf32, #tpu.memory_space<vmem_shared>>) target_semaphore(%run_scoped3A_92 : memref<!tpu.dma_semaphore, #tpu.memory_space<semaphore_mem>>)
      %dma_wait3A = arith.constant 0 : i32
      %dma_wait3A_96 = tpu.memref_slice %arg14[%add3A_49, %dma_wait3A] : memref<32768x32xf32, #tpu.memory_space<vmem_shared>> -> memref<512x32xf32, #tpu.memory_space<vmem_shared>>
      %dma_wait3A_97 = arith.constant 0 : i32
      %dma_wait3A_98 = tpu.memref_slice %arg14[%add3A_49, %dma_wait3A_97] : memref<32768x32xf32, #tpu.memory_space<vmem_shared>> -> memref<512x32xf32, #tpu.memory_space<vmem_shared>>
      tpu.wait_dma2 semaphore(%run_scoped3A_92 : memref<!tpu.dma_semaphore, #tpu.memory_space<semaphore_mem>>) src(%arg12 : memref<512x32xf32, #tpu.memory_space<vmem>>) dst(%dma_wait3A_98 : memref<512x32xf32, #tpu.memory_space<vmem_shared>>)
      tpu.yield
    }) : () -> ()
    %add3A_50 = arith.constant 1536 : i32
    %add3A_51 = arith.addi %mul3A_2, %add3A_50 : i32
    "tpu.region"() ({
      %run_scoped3A_92 = tpu.sem_alloc : memref<!tpu.dma_semaphore, #tpu.memory_space<semaphore_mem>>
      %dma_start3A = arith.constant 0 : i32
      %dma_start3A_93 = tpu.memref_slice %arg14[%add3A_51, %dma_start3A] : memref<32768x32xf32, #tpu.memory_space<vmem_shared>> -> memref<512x32xf32, #tpu.memory_space<vmem_shared>>
      %dma_start3A_94 = arith.constant 0 : i32
      %dma_start3A_95 = tpu.memref_slice %arg14[%add3A_51, %dma_start3A_94] : memref<32768x32xf32, #tpu.memory_space<vmem_shared>> -> memref<512x32xf32, #tpu.memory_space<vmem_shared>>
      tpu.enqueue_dma source(%arg12 : memref<512x32xf32, #tpu.memory_space<vmem>>) target(%dma_start3A_95 : memref<512x32xf32, #tpu.memory_space<vmem_shared>>) target_semaphore(%run_scoped3A_92 : memref<!tpu.dma_semaphore, #tpu.memory_space<semaphore_mem>>)
      %dma_wait3A = arith.constant 0 : i32
      %dma_wait3A_96 = tpu.memref_slice %arg14[%add3A_51, %dma_wait3A] : memref<32768x32xf32, #tpu.memory_space<vmem_shared>> -> memref<512x32xf32, #tpu.memory_space<vmem_shared>>
      %dma_wait3A_97 = arith.constant 0 : i32
      %dma_wait3A_98 = tpu.memref_slice %arg14[%add3A_51, %dma_wait3A_97] : memref<32768x32xf32, #tpu.memory_space<vmem_shared>> -> memref<512x32xf32, #tpu.memory_space<vmem_shared>>
      tpu.wait_dma2 semaphore(%run_scoped3A_92 : memref<!tpu.dma_semaphore, #tpu.memory_space<semaphore_mem>>) src(%arg12 : memref<512x32xf32, #tpu.memory_space<vmem>>) dst(%dma_wait3A_98 : memref<512x32xf32, #tpu.memory_space<vmem_shared>>)
      tpu.yield
    }) : () -> ()
    "tpu.region"() ({
      %run_scoped3A_92 = tpu.sem_alloc : memref<!tpu.dma_semaphore, #tpu.memory_space<semaphore_mem>>
      %dma_start3A = tpu.memref_slice %arg15[%mul3A_2] : memref<32768xf32, #tpu.memory_space<vmem_shared>> -> memref<2048xf32, #tpu.memory_space<vmem_shared>>
      %dma_start3A_93 = tpu.memref_slice %arg15[%mul3A_2] : memref<32768xf32, #tpu.memory_space<vmem_shared>> -> memref<2048xf32, #tpu.memory_space<vmem_shared>>
      tpu.enqueue_dma source(%arg13 : memref<2048xf32, #tpu.memory_space<vmem>>) target(%dma_start3A_93 : memref<2048xf32, #tpu.memory_space<vmem_shared>>) target_semaphore(%run_scoped3A_92 : memref<!tpu.dma_semaphore, #tpu.memory_space<semaphore_mem>>)
      %dma_wait3A = tpu.memref_slice %arg15[%mul3A_2] : memref<32768xf32, #tpu.memory_space<vmem_shared>> -> memref<2048xf32, #tpu.memory_space<vmem_shared>>
      %dma_wait3A_94 = tpu.memref_slice %arg15[%mul3A_2] : memref<32768xf32, #tpu.memory_space<vmem_shared>> -> memref<2048xf32, #tpu.memory_space<vmem_shared>>
      tpu.wait_dma2 semaphore(%run_scoped3A_92 : memref<!tpu.dma_semaphore, #tpu.memory_space<semaphore_mem>>) src(%arg13 : memref<2048xf32, #tpu.memory_space<vmem>>) dst(%dma_wait3A_94 : memref<2048xf32, #tpu.memory_space<vmem_shared>>)
      tpu.yield
    }) : () -> ()
    %barrier3A_52 = arith.constant 0 : index
    tpu.barrier barrier_id(%barrier3A_52)
    %mul3A_53 = arith.constant 32 : i32
    %mul3A_54 = arith.muli %arg1, %mul3A_53 : i32
    %run_scoped3A_55 = arith.constant 2 : i32
    "tpu.region"() ({
      %run_scoped3A_92 = tpu.sem_alloc : memref<!tpu.dma_semaphore, #tpu.memory_space<semaphore_mem>>
      %dma_start3A = arith.constant 0 : i32
      %dma_start3A_93 = tpu.memref_slice %arg3[%run_scoped3A_55, %mul3A_54, %dma_start3A] : memref<4x512x128xi32, #tpu.memory_space<hbm>> -> memref<1x32x128xi32, #tpu.memory_space<hbm>>
      %dma_start3A_94 = tpu.memref_squeeze %dma_start3A_93 : memref<1x32x128xi32, #tpu.memory_space<hbm>> -> memref<32x128xi32, #tpu.memory_space<hbm>>
      %dma_start3A_95 = arith.constant 0 : i32
      %dma_start3A_96 = tpu.memref_slice %arg3[%run_scoped3A_55, %mul3A_54, %dma_start3A_95] : memref<4x512x128xi32, #tpu.memory_space<hbm>> -> memref<1x32x128xi32, #tpu.memory_space<hbm>>
      %dma_start3A_97 = tpu.memref_squeeze %dma_start3A_96 : memref<1x32x128xi32, #tpu.memory_space<hbm>> -> memref<32x128xi32, #tpu.memory_space<hbm>>
      tpu.enqueue_dma source(%dma_start3A_97 : memref<32x128xi32, #tpu.memory_space<hbm>>) target(%arg10 : memref<32x128xi32, #tpu.memory_space<vmem>>) target_semaphore(%run_scoped3A_92 : memref<!tpu.dma_semaphore, #tpu.memory_space<semaphore_mem>>)
      %dma_wait3A = arith.constant 0 : i32
      %dma_wait3A_98 = tpu.memref_slice %arg3[%run_scoped3A_55, %mul3A_54, %dma_wait3A] : memref<4x512x128xi32, #tpu.memory_space<hbm>> -> memref<1x32x128xi32, #tpu.memory_space<hbm>>
      %dma_wait3A_99 = tpu.memref_squeeze %dma_wait3A_98 : memref<1x32x128xi32, #tpu.memory_space<hbm>> -> memref<32x128xi32, #tpu.memory_space<hbm>>
      %dma_wait3A_100 = arith.constant 0 : i32
      %dma_wait3A_101 = tpu.memref_slice %arg3[%run_scoped3A_55, %mul3A_54, %dma_wait3A_100] : memref<4x512x128xi32, #tpu.memory_space<hbm>> -> memref<1x32x128xi32, #tpu.memory_space<hbm>>
      %dma_wait3A_102 = tpu.memref_squeeze %dma_wait3A_101 : memref<1x32x128xi32, #tpu.memory_space<hbm>> -> memref<32x128xi32, #tpu.memory_space<hbm>>
      tpu.wait_dma2 semaphore(%run_scoped3A_92 : memref<!tpu.dma_semaphore, #tpu.memory_space<semaphore_mem>>) src(%dma_wait3A_102 : memref<32x128xi32, #tpu.memory_space<hbm>>) dst(%arg10 : memref<32x128xi32, #tpu.memory_space<vmem>>)
      tpu.yield
    }) : () -> ()
    %scan3A_56 = arith.constant 0 : i32
    %scan3A_57 = arith.constant 8 : i32
    %scan3A_58 = arith.addi %scan3A_56, %scan3A_57 : i32
    %scan3A_59 = arith.constant 1 : i32
    scf.for %scan3A_92 = %scan3A_56 to %scan3A_58 step %scan3A_59  : i32 {
      %mul3A_93 = arith.constant 1 : i32
      %mul3A_94 = arith.muli %scan3A_92, %mul3A_93 : i32
      %add3A_95 = arith.constant 0 : i32
      %add3A_96 = arith.addi %add3A_95, %mul3A_94 : i32
      %mul3A_97 = arith.constant 4096 : i32
      %mul3A_98 = arith.muli %arg1, %mul3A_97 : i32
      %mul3A_99 = arith.constant 512 : i32
      %mul3A_100 = arith.muli %add3A_96, %mul3A_99 : i32
      %add3A_101 = arith.addi %mul3A_98, %mul3A_100 : i32
      %run_scoped3A_102 = arith.constant 2 : i32
      "tpu.region"() ({
        %run_scoped3A_119 = tpu.sem_alloc : memref<!tpu.dma_semaphore, #tpu.memory_space<semaphore_mem>>
        %dma_start3A = tpu.memref_slice %arg2[%run_scoped3A_102, %add3A_101, %mul3A_0] : memref<4x65536x64xf32, #tpu.memory_space<hbm>> -> memref<1x512x32xf32, #tpu.memory_space<hbm>>
        %dma_start3A_120 = tpu.memref_squeeze %dma_start3A : memref<1x512x32xf32, #tpu.memory_space<hbm>> -> memref<512x32xf32, #tpu.memory_space<hbm>>
        %dma_start3A_121 = tpu.memref_slice %arg2[%run_scoped3A_102, %add3A_101, %mul3A_0] : memref<4x65536x64xf32, #tpu.memory_space<hbm>> -> memref<1x512x32xf32, #tpu.memory_space<hbm>>
        %dma_start3A_122 = tpu.memref_squeeze %dma_start3A_121 : memref<1x512x32xf32, #tpu.memory_space<hbm>> -> memref<512x32xf32, #tpu.memory_space<hbm>>
        tpu.enqueue_dma source(%dma_start3A_122 : memref<512x32xf32, #tpu.memory_space<hbm>>) target(%arg9 : memref<512x32xf32, #tpu.memory_space<vmem>>) target_semaphore(%run_scoped3A_119 : memref<!tpu.dma_semaphore, #tpu.memory_space<semaphore_mem>>)
        %dma_wait3A = tpu.memref_slice %arg2[%run_scoped3A_102, %add3A_101, %mul3A_0] : memref<4x65536x64xf32, #tpu.memory_space<hbm>> -> memref<1x512x32xf32, #tpu.memory_space<hbm>>
        %dma_wait3A_123 = tpu.memref_squeeze %dma_wait3A : memref<1x512x32xf32, #tpu.memory_space<hbm>> -> memref<512x32xf32, #tpu.memory_space<hbm>>
        %dma_wait3A_124 = tpu.memref_slice %arg2[%run_scoped3A_102, %add3A_101, %mul3A_0] : memref<4x65536x64xf32, #tpu.memory_space<hbm>> -> memref<1x512x32xf32, #tpu.memory_space<hbm>>
        %dma_wait3A_125 = tpu.memref_squeeze %dma_wait3A_124 : memref<1x512x32xf32, #tpu.memory_space<hbm>> -> memref<512x32xf32, #tpu.memory_space<hbm>>
        tpu.wait_dma2 semaphore(%run_scoped3A_119 : memref<!tpu.dma_semaphore, #tpu.memory_space<semaphore_mem>>) src(%dma_wait3A_125 : memref<512x32xf32, #tpu.memory_space<hbm>>) dst(%arg9 : memref<512x32xf32, #tpu.memory_space<vmem>>)
        tpu.yield
      }) : () -> ()
      %mul3A_103 = arith.constant 4 : i32
      %mul3A_104 = arith.muli %add3A_96, %mul3A_103 : i32
      %add3A_105 = arith.constant 0 : i32
      %add3A_106 = arith.addi %mul3A_104, %add3A_105 : i32
      "tpu.region"() ({
        %run_scoped3A_119 = tpu.sem_alloc : memref<!tpu.dma_semaphore, #tpu.memory_space<semaphore_mem>>
        %dma_start3A = arith.constant 0 : i32
        %dma_start3A_120 = arith.constant 0 : i32
        %dma_start3A_121 = tpu.memref_slice %arg9[%dma_start3A, %dma_start3A_120] : memref<512x32xf32, #tpu.memory_space<vmem>> -> memref<128x32xf32, #tpu.memory_space<vmem>>
        %dma_start3A_122 = arith.constant 0 : i32
        %dma_start3A_123 = tpu.memref_slice %arg10[%add3A_106, %dma_start3A_122] : memref<32x128xi32, #tpu.memory_space<vmem>> -> memref<1x128xi32, #tpu.memory_space<vmem>>
        %dma_start3A_124 = tpu.memref_squeeze %dma_start3A_123 : memref<1x128xi32, #tpu.memory_space<vmem>> -> memref<128xi32, #tpu.memory_space<vmem>>
        %dma_start3A_125 = arith.constant 0 : i32
        %dma_start3A_126 = arith.constant 0 : i32
        %dma_start3A_127 = tpu.memref_slice %arg14[%dma_start3A_125, %dma_start3A_126] : memref<32768x32xf32, #tpu.memory_space<vmem_shared>> -> memref<32768x32xf32, #tpu.memory_space<vmem_shared>>
        tpu.enqueue_indirect_dma source(%dma_start3A_121 : memref<128x32xf32, #tpu.memory_space<vmem>>) target(%dma_start3A_127 : memref<32768x32xf32, #tpu.memory_space<vmem_shared>>) offsets(%dma_start3A_124 : memref<128xi32, #tpu.memory_space<vmem>>) semaphore(%run_scoped3A_119 : memref<!tpu.dma_semaphore, #tpu.memory_space<semaphore_mem>>) {add = true}
        %dma_wait3A = arith.constant 0 : i32
        %dma_wait3A_128 = arith.constant 0 : i32
        %dma_wait3A_129 = tpu.memref_slice %arg9[%dma_wait3A, %dma_wait3A_128] : memref<512x32xf32, #tpu.memory_space<vmem>> -> memref<128x32xf32, #tpu.memory_space<vmem>>
        %dma_wait3A_130 = arith.constant 0 : i32
        %dma_wait3A_131 = tpu.memref_slice %arg10[%add3A_106, %dma_wait3A_130] : memref<32x128xi32, #tpu.memory_space<vmem>> -> memref<1x128xi32, #tpu.memory_space<vmem>>
        %dma_wait3A_132 = tpu.memref_squeeze %dma_wait3A_131 : memref<1x128xi32, #tpu.memory_space<vmem>> -> memref<128xi32, #tpu.memory_space<vmem>>
        %dma_wait3A_133 = arith.constant 0 : i32
        %dma_wait3A_134 = arith.constant 0 : i32
        %dma_wait3A_135 = tpu.memref_slice %arg14[%dma_wait3A_133, %dma_wait3A_134] : memref<32768x32xf32, #tpu.memory_space<vmem_shared>> -> memref<32768x32xf32, #tpu.memory_space<vmem_shared>>
        tpu.wait_indirect_dma semaphore(%run_scoped3A_119 : memref<!tpu.dma_semaphore, #tpu.memory_space<semaphore_mem>>) src(%dma_wait3A_129 : memref<128x32xf32, #tpu.memory_space<vmem>>) dst(%dma_wait3A_135 : memref<32768x32xf32, #tpu.memory_space<vmem_shared>>)
        tpu.yield
      }) : () -> ()
      "tpu.region"() ({
        %run_scoped3A_119 = tpu.sem_alloc : memref<!tpu.dma_semaphore, #tpu.memory_space<semaphore_mem>>
        %dma_start3A = arith.constant 0 : i32
        %dma_start3A_120 = tpu.memref_slice %arg10[%add3A_106, %dma_start3A] : memref<32x128xi32, #tpu.memory_space<vmem>> -> memref<1x128xi32, #tpu.memory_space<vmem>>
        %dma_start3A_121 = tpu.memref_squeeze %dma_start3A_120 : memref<1x128xi32, #tpu.memory_space<vmem>> -> memref<128xi32, #tpu.memory_space<vmem>>
        %dma_start3A_122 = arith.constant 0 : i32
        %dma_start3A_123 = tpu.memref_slice %arg15[%dma_start3A_122] : memref<32768xf32, #tpu.memory_space<vmem_shared>> -> memref<32768xf32, #tpu.memory_space<vmem_shared>>
        tpu.enqueue_indirect_dma source(%arg11 : memref<128xf32, #tpu.memory_space<vmem>>) target(%dma_start3A_123 : memref<32768xf32, #tpu.memory_space<vmem_shared>>) offsets(%dma_start3A_121 : memref<128xi32, #tpu.memory_space<vmem>>) semaphore(%run_scoped3A_119 : memref<!tpu.dma_semaphore, #tpu.memory_space<semaphore_mem>>) {add = true}
        %dma_wait3A = arith.constant 0 : i32
        %dma_wait3A_124 = tpu.memref_slice %arg10[%add3A_106, %dma_wait3A] : memref<32x128xi32, #tpu.memory_space<vmem>> -> memref<1x128xi32, #tpu.memory_space<vmem>>
        %dma_wait3A_125 = tpu.memref_squeeze %dma_wait3A_124 : memref<1x128xi32, #tpu.memory_space<vmem>> -> memref<128xi32, #tpu.memory_space<vmem>>
        %dma_wait3A_126 = arith.constant 0 : i32
        %dma_wait3A_127 = tpu.memref_slice %arg15[%dma_wait3A_126] : memref<32768xf32, #tpu.memory_space<vmem_shared>> -> memref<32768xf32, #tpu.memory_space<vmem_shared>>
        tpu.wait_indirect_dma semaphore(%run_scoped3A_119 : memref<!tpu.dma_semaphore, #tpu.memory_space<semaphore_mem>>) src(%arg11 : memref<128xf32, #tpu.memory_space<vmem>>) dst(%dma_wait3A_127 : memref<32768xf32, #tpu.memory_space<vmem_shared>>)
        tpu.yield
      }) : () -> ()
      %mul3A_107 = arith.constant 4 : i32
      %mul3A_108 = arith.muli %add3A_96, %mul3A_107 : i32
      %add3A_109 = arith.constant 1 : i32
      %add3A_110 = arith.addi %mul3A_108, %add3A_109 : i32
      "tpu.region"() ({
        %run_scoped3A_119 = tpu.sem_alloc : memref<!tpu.dma_semaphore, #tpu.memory_space<semaphore_mem>>
        %dma_start3A = arith.constant 128 : i32
        %dma_start3A_120 = arith.constant 0 : i32
        %dma_start3A_121 = tpu.memref_slice %arg9[%dma_start3A, %dma_start3A_120] : memref<512x32xf32, #tpu.memory_space<vmem>> -> memref<128x32xf32, #tpu.memory_space<vmem>>
        %dma_start3A_122 = arith.constant 0 : i32
        %dma_start3A_123 = tpu.memref_slice %arg10[%add3A_110, %dma_start3A_122] : memref<32x128xi32, #tpu.memory_space<vmem>> -> memref<1x128xi32, #tpu.memory_space<vmem>>
        %dma_start3A_124 = tpu.memref_squeeze %dma_start3A_123 : memref<1x128xi32, #tpu.memory_space<vmem>> -> memref<128xi32, #tpu.memory_space<vmem>>
        %dma_start3A_125 = arith.constant 0 : i32
        %dma_start3A_126 = arith.constant 0 : i32
        %dma_start3A_127 = tpu.memref_slice %arg14[%dma_start3A_125, %dma_start3A_126] : memref<32768x32xf32, #tpu.memory_space<vmem_shared>> -> memref<32768x32xf32, #tpu.memory_space<vmem_shared>>
        tpu.enqueue_indirect_dma source(%dma_start3A_121 : memref<128x32xf32, #tpu.memory_space<vmem>>) target(%dma_start3A_127 : memref<32768x32xf32, #tpu.memory_space<vmem_shared>>) offsets(%dma_start3A_124 : memref<128xi32, #tpu.memory_space<vmem>>) semaphore(%run_scoped3A_119 : memref<!tpu.dma_semaphore, #tpu.memory_space<semaphore_mem>>) {add = true}
        %dma_wait3A = arith.constant 128 : i32
        %dma_wait3A_128 = arith.constant 0 : i32
        %dma_wait3A_129 = tpu.memref_slice %arg9[%dma_wait3A, %dma_wait3A_128] : memref<512x32xf32, #tpu.memory_space<vmem>> -> memref<128x32xf32, #tpu.memory_space<vmem>>
        %dma_wait3A_130 = arith.constant 0 : i32
        %dma_wait3A_131 = tpu.memref_slice %arg10[%add3A_110, %dma_wait3A_130] : memref<32x128xi32, #tpu.memory_space<vmem>> -> memref<1x128xi32, #tpu.memory_space<vmem>>
        %dma_wait3A_132 = tpu.memref_squeeze %dma_wait3A_131 : memref<1x128xi32, #tpu.memory_space<vmem>> -> memref<128xi32, #tpu.memory_space<vmem>>
        %dma_wait3A_133 = arith.constant 0 : i32
        %dma_wait3A_134 = arith.constant 0 : i32
        %dma_wait3A_135 = tpu.memref_slice %arg14[%dma_wait3A_133, %dma_wait3A_134] : memref<32768x32xf32, #tpu.memory_space<vmem_shared>> -> memref<32768x32xf32, #tpu.memory_space<vmem_shared>>
        tpu.wait_indirect_dma semaphore(%run_scoped3A_119 : memref<!tpu.dma_semaphore, #tpu.memory_space<semaphore_mem>>) src(%dma_wait3A_129 : memref<128x32xf32, #tpu.memory_space<vmem>>) dst(%dma_wait3A_135 : memref<32768x32xf32, #tpu.memory_space<vmem_shared>>)
        tpu.yield
      }) : () -> ()
      "tpu.region"() ({
        %run_scoped3A_119 = tpu.sem_alloc : memref<!tpu.dma_semaphore, #tpu.memory_space<semaphore_mem>>
        %dma_start3A = arith.constant 0 : i32
        %dma_start3A_120 = tpu.memref_slice %arg10[%add3A_110, %dma_start3A] : memref<32x128xi32, #tpu.memory_space<vmem>> -> memref<1x128xi32, #tpu.memory_space<vmem>>
        %dma_start3A_121 = tpu.memref_squeeze %dma_start3A_120 : memref<1x128xi32, #tpu.memory_space<vmem>> -> memref<128xi32, #tpu.memory_space<vmem>>
        %dma_start3A_122 = arith.constant 0 : i32
        %dma_start3A_123 = tpu.memref_slice %arg15[%dma_start3A_122] : memref<32768xf32, #tpu.memory_space<vmem_shared>> -> memref<32768xf32, #tpu.memory_space<vmem_shared>>
        tpu.enqueue_indirect_dma source(%arg11 : memref<128xf32, #tpu.memory_space<vmem>>) target(%dma_start3A_123 : memref<32768xf32, #tpu.memory_space<vmem_shared>>) offsets(%dma_start3A_121 : memref<128xi32, #tpu.memory_space<vmem>>) semaphore(%run_scoped3A_119 : memref<!tpu.dma_semaphore, #tpu.memory_space<semaphore_mem>>) {add = true}
        %dma_wait3A = arith.constant 0 : i32
        %dma_wait3A_124 = tpu.memref_slice %arg10[%add3A_110, %dma_wait3A] : memref<32x128xi32, #tpu.memory_space<vmem>> -> memref<1x128xi32, #tpu.memory_space<vmem>>
        %dma_wait3A_125 = tpu.memref_squeeze %dma_wait3A_124 : memref<1x128xi32, #tpu.memory_space<vmem>> -> memref<128xi32, #tpu.memory_space<vmem>>
        %dma_wait3A_126 = arith.constant 0 : i32
        %dma_wait3A_127 = tpu.memref_slice %arg15[%dma_wait3A_126] : memref<32768xf32, #tpu.memory_space<vmem_shared>> -> memref<32768xf32, #tpu.memory_space<vmem_shared>>
        tpu.wait_indirect_dma semaphore(%run_scoped3A_119 : memref<!tpu.dma_semaphore, #tpu.memory_space<semaphore_mem>>) src(%arg11 : memref<128xf32, #tpu.memory_space<vmem>>) dst(%dma_wait3A_127 : memref<32768xf32, #tpu.memory_space<vmem_shared>>)
        tpu.yield
      }) : () -> ()
      %mul3A_111 = arith.constant 4 : i32
      %mul3A_112 = arith.muli %add3A_96, %mul3A_111 : i32
      %add3A_113 = arith.constant 2 : i32
      %add3A_114 = arith.addi %mul3A_112, %add3A_113 : i32
      "tpu.region"() ({
        %run_scoped3A_119 = tpu.sem_alloc : memref<!tpu.dma_semaphore, #tpu.memory_space<semaphore_mem>>
        %dma_start3A = arith.constant 256 : i32
        %dma_start3A_120 = arith.constant 0 : i32
        %dma_start3A_121 = tpu.memref_slice %arg9[%dma_start3A, %dma_start3A_120] : memref<512x32xf32, #tpu.memory_space<vmem>> -> memref<128x32xf32, #tpu.memory_space<vmem>>
        %dma_start3A_122 = arith.constant 0 : i32
        %dma_start3A_123 = tpu.memref_slice %arg10[%add3A_114, %dma_start3A_122] : memref<32x128xi32, #tpu.memory_space<vmem>> -> memref<1x128xi32, #tpu.memory_space<vmem>>
        %dma_start3A_124 = tpu.memref_squeeze %dma_start3A_123 : memref<1x128xi32, #tpu.memory_space<vmem>> -> memref<128xi32, #tpu.memory_space<vmem>>
        %dma_start3A_125 = arith.constant 0 : i32
        %dma_start3A_126 = arith.constant 0 : i32
        %dma_start3A_127 = tpu.memref_slice %arg14[%dma_start3A_125, %dma_start3A_126] : memref<32768x32xf32, #tpu.memory_space<vmem_shared>> -> memref<32768x32xf32, #tpu.memory_space<vmem_shared>>
        tpu.enqueue_indirect_dma source(%dma_start3A_121 : memref<128x32xf32, #tpu.memory_space<vmem>>) target(%dma_start3A_127 : memref<32768x32xf32, #tpu.memory_space<vmem_shared>>) offsets(%dma_start3A_124 : memref<128xi32, #tpu.memory_space<vmem>>) semaphore(%run_scoped3A_119 : memref<!tpu.dma_semaphore, #tpu.memory_space<semaphore_mem>>) {add = true}
        %dma_wait3A = arith.constant 256 : i32
        %dma_wait3A_128 = arith.constant 0 : i32
        %dma_wait3A_129 = tpu.memref_slice %arg9[%dma_wait3A, %dma_wait3A_128] : memref<512x32xf32, #tpu.memory_space<vmem>> -> memref<128x32xf32, #tpu.memory_space<vmem>>
        %dma_wait3A_130 = arith.constant 0 : i32
        %dma_wait3A_131 = tpu.memref_slice %arg10[%add3A_114, %dma_wait3A_130] : memref<32x128xi32, #tpu.memory_space<vmem>> -> memref<1x128xi32, #tpu.memory_space<vmem>>
        %dma_wait3A_132 = tpu.memref_squeeze %dma_wait3A_131 : memref<1x128xi32, #tpu.memory_space<vmem>> -> memref<128xi32, #tpu.memory_space<vmem>>
        %dma_wait3A_133 = arith.constant 0 : i32
        %dma_wait3A_134 = arith.constant 0 : i32
        %dma_wait3A_135 = tpu.memref_slice %arg14[%dma_wait3A_133, %dma_wait3A_134] : memref<32768x32xf32, #tpu.memory_space<vmem_shared>> -> memref<32768x32xf32, #tpu.memory_space<vmem_shared>>
        tpu.wait_indirect_dma semaphore(%run_scoped3A_119 : memref<!tpu.dma_semaphore, #tpu.memory_space<semaphore_mem>>) src(%dma_wait3A_129 : memref<128x32xf32, #tpu.memory_space<vmem>>) dst(%dma_wait3A_135 : memref<32768x32xf32, #tpu.memory_space<vmem_shared>>)
        tpu.yield
      }) : () -> ()
      "tpu.region"() ({
        %run_scoped3A_119 = tpu.sem_alloc : memref<!tpu.dma_semaphore, #tpu.memory_space<semaphore_mem>>
        %dma_start3A = arith.constant 0 : i32
        %dma_start3A_120 = tpu.memref_slice %arg10[%add3A_114, %dma_start3A] : memref<32x128xi32, #tpu.memory_space<vmem>> -> memref<1x128xi32, #tpu.memory_space<vmem>>
        %dma_start3A_121 = tpu.memref_squeeze %dma_start3A_120 : memref<1x128xi32, #tpu.memory_space<vmem>> -> memref<128xi32, #tpu.memory_space<vmem>>
        %dma_start3A_122 = arith.constant 0 : i32
        %dma_start3A_123 = tpu.memref_slice %arg15[%dma_start3A_122] : memref<32768xf32, #tpu.memory_space<vmem_shared>> -> memref<32768xf32, #tpu.memory_space<vmem_shared>>
        tpu.enqueue_indirect_dma source(%arg11 : memref<128xf32, #tpu.memory_space<vmem>>) target(%dma_start3A_123 : memref<32768xf32, #tpu.memory_space<vmem_shared>>) offsets(%dma_start3A_121 : memref<128xi32, #tpu.memory_space<vmem>>) semaphore(%run_scoped3A_119 : memref<!tpu.dma_semaphore, #tpu.memory_space<semaphore_mem>>) {add = true}
        %dma_wait3A = arith.constant 0 : i32
        %dma_wait3A_124 = tpu.memref_slice %arg10[%add3A_114, %dma_wait3A] : memref<32x128xi32, #tpu.memory_space<vmem>> -> memref<1x128xi32, #tpu.memory_space<vmem>>
        %dma_wait3A_125 = tpu.memref_squeeze %dma_wait3A_124 : memref<1x128xi32, #tpu.memory_space<vmem>> -> memref<128xi32, #tpu.memory_space<vmem>>
        %dma_wait3A_126 = arith.constant 0 : i32
        %dma_wait3A_127 = tpu.memref_slice %arg15[%dma_wait3A_126] : memref<32768xf32, #tpu.memory_space<vmem_shared>> -> memref<32768xf32, #tpu.memory_space<vmem_shared>>
        tpu.wait_indirect_dma semaphore(%run_scoped3A_119 : memref<!tpu.dma_semaphore, #tpu.memory_space<semaphore_mem>>) src(%arg11 : memref<128xf32, #tpu.memory_space<vmem>>) dst(%dma_wait3A_127 : memref<32768xf32, #tpu.memory_space<vmem_shared>>)
        tpu.yield
      }) : () -> ()
      %mul3A_115 = arith.constant 4 : i32
      %mul3A_116 = arith.muli %add3A_96, %mul3A_115 : i32
      %add3A_117 = arith.constant 3 : i32
      %add3A_118 = arith.addi %mul3A_116, %add3A_117 : i32
      "tpu.region"() ({
        %run_scoped3A_119 = tpu.sem_alloc : memref<!tpu.dma_semaphore, #tpu.memory_space<semaphore_mem>>
        %dma_start3A = arith.constant 384 : i32
        %dma_start3A_120 = arith.constant 0 : i32
        %dma_start3A_121 = tpu.memref_slice %arg9[%dma_start3A, %dma_start3A_120] : memref<512x32xf32, #tpu.memory_space<vmem>> -> memref<128x32xf32, #tpu.memory_space<vmem>>
        %dma_start3A_122 = arith.constant 0 : i32
        %dma_start3A_123 = tpu.memref_slice %arg10[%add3A_118, %dma_start3A_122] : memref<32x128xi32, #tpu.memory_space<vmem>> -> memref<1x128xi32, #tpu.memory_space<vmem>>
        %dma_start3A_124 = tpu.memref_squeeze %dma_start3A_123 : memref<1x128xi32, #tpu.memory_space<vmem>> -> memref<128xi32, #tpu.memory_space<vmem>>
        %dma_start3A_125 = arith.constant 0 : i32
        %dma_start3A_126 = arith.constant 0 : i32
        %dma_start3A_127 = tpu.memref_slice %arg14[%dma_start3A_125, %dma_start3A_126] : memref<32768x32xf32, #tpu.memory_space<vmem_shared>> -> memref<32768x32xf32, #tpu.memory_space<vmem_shared>>
        tpu.enqueue_indirect_dma source(%dma_start3A_121 : memref<128x32xf32, #tpu.memory_space<vmem>>) target(%dma_start3A_127 : memref<32768x32xf32, #tpu.memory_space<vmem_shared>>) offsets(%dma_start3A_124 : memref<128xi32, #tpu.memory_space<vmem>>) semaphore(%run_scoped3A_119 : memref<!tpu.dma_semaphore, #tpu.memory_space<semaphore_mem>>) {add = true}
        %dma_wait3A = arith.constant 384 : i32
        %dma_wait3A_128 = arith.constant 0 : i32
        %dma_wait3A_129 = tpu.memref_slice %arg9[%dma_wait3A, %dma_wait3A_128] : memref<512x32xf32, #tpu.memory_space<vmem>> -> memref<128x32xf32, #tpu.memory_space<vmem>>
        %dma_wait3A_130 = arith.constant 0 : i32
        %dma_wait3A_131 = tpu.memref_slice %arg10[%add3A_118, %dma_wait3A_130] : memref<32x128xi32, #tpu.memory_space<vmem>> -> memref<1x128xi32, #tpu.memory_space<vmem>>
        %dma_wait3A_132 = tpu.memref_squeeze %dma_wait3A_131 : memref<1x128xi32, #tpu.memory_space<vmem>> -> memref<128xi32, #tpu.memory_space<vmem>>
        %dma_wait3A_133 = arith.constant 0 : i32
        %dma_wait3A_134 = arith.constant 0 : i32
        %dma_wait3A_135 = tpu.memref_slice %arg14[%dma_wait3A_133, %dma_wait3A_134] : memref<32768x32xf32, #tpu.memory_space<vmem_shared>> -> memref<32768x32xf32, #tpu.memory_space<vmem_shared>>
        tpu.wait_indirect_dma semaphore(%run_scoped3A_119 : memref<!tpu.dma_semaphore, #tpu.memory_space<semaphore_mem>>) src(%dma_wait3A_129 : memref<128x32xf32, #tpu.memory_space<vmem>>) dst(%dma_wait3A_135 : memref<32768x32xf32, #tpu.memory_space<vmem_shared>>)
        tpu.yield
      }) : () -> ()
      "tpu.region"() ({
        %run_scoped3A_119 = tpu.sem_alloc : memref<!tpu.dma_semaphore, #tpu.memory_space<semaphore_mem>>
        %dma_start3A = arith.constant 0 : i32
        %dma_start3A_120 = tpu.memref_slice %arg10[%add3A_118, %dma_start3A] : memref<32x128xi32, #tpu.memory_space<vmem>> -> memref<1x128xi32, #tpu.memory_space<vmem>>
        %dma_start3A_121 = tpu.memref_squeeze %dma_start3A_120 : memref<1x128xi32, #tpu.memory_space<vmem>> -> memref<128xi32, #tpu.memory_space<vmem>>
        %dma_start3A_122 = arith.constant 0 : i32
        %dma_start3A_123 = tpu.memref_slice %arg15[%dma_start3A_122] : memref<32768xf32, #tpu.memory_space<vmem_shared>> -> memref<32768xf32, #tpu.memory_space<vmem_shared>>
        tpu.enqueue_indirect_dma source(%arg11 : memref<128xf32, #tpu.memory_space<vmem>>) target(%dma_start3A_123 : memref<32768xf32, #tpu.memory_space<vmem_shared>>) offsets(%dma_start3A_121 : memref<128xi32, #tpu.memory_space<vmem>>) semaphore(%run_scoped3A_119 : memref<!tpu.dma_semaphore, #tpu.memory_space<semaphore_mem>>) {add = true}
        %dma_wait3A = arith.constant 0 : i32
        %dma_wait3A_124 = tpu.memref_slice %arg10[%add3A_118, %dma_wait3A] : memref<32x128xi32, #tpu.memory_space<vmem>> -> memref<1x128xi32, #tpu.memory_space<vmem>>
        %dma_wait3A_125 = tpu.memref_squeeze %dma_wait3A_124 : memref<1x128xi32, #tpu.memory_space<vmem>> -> memref<128xi32, #tpu.memory_space<vmem>>
        %dma_wait3A_126 = arith.constant 0 : i32
        %dma_wait3A_127 = tpu.memref_slice %arg15[%dma_wait3A_126] : memref<32768xf32, #tpu.memory_space<vmem_shared>> -> memref<32768xf32, #tpu.memory_space<vmem_shared>>
        tpu.wait_indirect_dma semaphore(%run_scoped3A_119 : memref<!tpu.dma_semaphore, #tpu.memory_space<semaphore_mem>>) src(%arg11 : memref<128xf32, #tpu.memory_space<vmem>>) dst(%dma_wait3A_127 : memref<32768xf32, #tpu.memory_space<vmem_shared>>)
        tpu.yield
      }) : () -> ()
    }
    %scan3A_60 = arith.constant 8 : i32
    %barrier3A_61 = arith.constant 0 : index
    tpu.barrier barrier_id(%barrier3A_61)
    %run_scoped3A_62 = arith.constant 2 : i32
    "tpu.region"() ({
      %run_scoped3A_92 = tpu.sem_alloc : memref<!tpu.dma_semaphore, #tpu.memory_space<semaphore_mem>>
      %dma_start3A = tpu.memref_slice %arg7[%run_scoped3A_62, %mul3A_2, %mul3A_0] : memref<4x32768x64xf32, #tpu.memory_space<hbm>> -> memref<1x2048x32xf32, #tpu.memory_space<hbm>>
      %dma_start3A_93 = tpu.memref_squeeze %dma_start3A : memref<1x2048x32xf32, #tpu.memory_space<hbm>> -> memref<2048x32xf32, #tpu.memory_space<hbm>>
      %dma_start3A_94 = arith.constant 0 : i32
      %dma_start3A_95 = tpu.memref_slice %arg14[%mul3A_2, %dma_start3A_94] : memref<32768x32xf32, #tpu.memory_space<vmem_shared>> -> memref<2048x32xf32, #tpu.memory_space<vmem_shared>>
      tpu.enqueue_dma source(%dma_start3A_95 : memref<2048x32xf32, #tpu.memory_space<vmem_shared>>) target(%dma_start3A_93 : memref<2048x32xf32, #tpu.memory_space<hbm>>) target_semaphore(%run_scoped3A_92 : memref<!tpu.dma_semaphore, #tpu.memory_space<semaphore_mem>>)
      %dma_wait3A = tpu.memref_slice %arg7[%run_scoped3A_62, %mul3A_2, %mul3A_0] : memref<4x32768x64xf32, #tpu.memory_space<hbm>> -> memref<1x2048x32xf32, #tpu.memory_space<hbm>>
      %dma_wait3A_96 = tpu.memref_squeeze %dma_wait3A : memref<1x2048x32xf32, #tpu.memory_space<hbm>> -> memref<2048x32xf32, #tpu.memory_space<hbm>>
      %dma_wait3A_97 = arith.constant 0 : i32
      %dma_wait3A_98 = tpu.memref_slice %arg14[%mul3A_2, %dma_wait3A_97] : memref<32768x32xf32, #tpu.memory_space<vmem_shared>> -> memref<2048x32xf32, #tpu.memory_space<vmem_shared>>
      tpu.wait_dma2 semaphore(%run_scoped3A_92 : memref<!tpu.dma_semaphore, #tpu.memory_space<semaphore_mem>>) src(%dma_wait3A_98 : memref<2048x32xf32, #tpu.memory_space<vmem_shared>>) dst(%dma_wait3A_96 : memref<2048x32xf32, #tpu.memory_space<hbm>>)
      tpu.yield
    }) : () -> ()
    %eq3A_63 = arith.constant 0 : i32
    %eq3A_64 = arith.cmpi eq, %arg0, %eq3A_63 : i32
    %convert_element_type3A_65 = arith.extui %eq3A_64 : i1 to i32
    %cond3A_66 = arith.constant 0 : i32
    %cond3A_67 = arith.cmpi ne, %convert_element_type3A_65, %cond3A_66 : i32
    scf.if %cond3A_67 {
      %run_scoped3A_92 = arith.constant 2 : i32
      "tpu.region"() ({
        %run_scoped3A_93 = tpu.sem_alloc : memref<!tpu.dma_semaphore, #tpu.memory_space<semaphore_mem>>
        %dma_start3A = tpu.memref_slice %arg8[%run_scoped3A_92, %mul3A_2] : memref<4x32768xf32, #tpu.memory_space<hbm>> -> memref<1x2048xf32, #tpu.memory_space<hbm>>
        %dma_start3A_94 = tpu.memref_squeeze %dma_start3A : memref<1x2048xf32, #tpu.memory_space<hbm>> -> memref<2048xf32, #tpu.memory_space<hbm>>
        %dma_start3A_95 = tpu.memref_slice %arg15[%mul3A_2] : memref<32768xf32, #tpu.memory_space<vmem_shared>> -> memref<2048xf32, #tpu.memory_space<vmem_shared>>
        tpu.enqueue_dma source(%dma_start3A_95 : memref<2048xf32, #tpu.memory_space<vmem_shared>>) target(%dma_start3A_94 : memref<2048xf32, #tpu.memory_space<hbm>>) target_semaphore(%run_scoped3A_93 : memref<!tpu.dma_semaphore, #tpu.memory_space<semaphore_mem>>)
        %dma_wait3A = tpu.memref_slice %arg8[%run_scoped3A_92, %mul3A_2] : memref<4x32768xf32, #tpu.memory_space<hbm>> -> memref<1x2048xf32, #tpu.memory_space<hbm>>
        %dma_wait3A_96 = tpu.memref_squeeze %dma_wait3A : memref<1x2048xf32, #tpu.memory_space<hbm>> -> memref<2048xf32, #tpu.memory_space<hbm>>
        %dma_wait3A_97 = tpu.memref_slice %arg15[%mul3A_2] : memref<32768xf32, #tpu.memory_space<vmem_shared>> -> memref<2048xf32, #tpu.memory_space<vmem_shared>>
        tpu.wait_dma2 semaphore(%run_scoped3A_93 : memref<!tpu.dma_semaphore, #tpu.memory_space<semaphore_mem>>) src(%dma_wait3A_97 : memref<2048xf32, #tpu.memory_space<vmem_shared>>) dst(%dma_wait3A_96 : memref<2048xf32, #tpu.memory_space<hbm>>)
        tpu.yield
      }) : () -> ()
    } else {
    }
    %add3A_68 = arith.constant 0 : i32
    %add3A_69 = arith.addi %mul3A_2, %add3A_68 : i32
    "tpu.region"() ({
      %run_scoped3A_92 = tpu.sem_alloc : memref<!tpu.dma_semaphore, #tpu.memory_space<semaphore_mem>>
      %dma_start3A = arith.constant 0 : i32
      %dma_start3A_93 = tpu.memref_slice %arg14[%add3A_69, %dma_start3A] : memref<32768x32xf32, #tpu.memory_space<vmem_shared>> -> memref<512x32xf32, #tpu.memory_space<vmem_shared>>
      %dma_start3A_94 = arith.constant 0 : i32
      %dma_start3A_95 = tpu.memref_slice %arg14[%add3A_69, %dma_start3A_94] : memref<32768x32xf32, #tpu.memory_space<vmem_shared>> -> memref<512x32xf32, #tpu.memory_space<vmem_shared>>
      tpu.enqueue_dma source(%arg12 : memref<512x32xf32, #tpu.memory_space<vmem>>) target(%dma_start3A_95 : memref<512x32xf32, #tpu.memory_space<vmem_shared>>) target_semaphore(%run_scoped3A_92 : memref<!tpu.dma_semaphore, #tpu.memory_space<semaphore_mem>>)
      %dma_wait3A = arith.constant 0 : i32
      %dma_wait3A_96 = tpu.memref_slice %arg14[%add3A_69, %dma_wait3A] : memref<32768x32xf32, #tpu.memory_space<vmem_shared>> -> memref<512x32xf32, #tpu.memory_space<vmem_shared>>
      %dma_wait3A_97 = arith.constant 0 : i32
      %dma_wait3A_98 = tpu.memref_slice %arg14[%add3A_69, %dma_wait3A_97] : memref<32768x32xf32, #tpu.memory_space<vmem_shared>> -> memref<512x32xf32, #tpu.memory_space<vmem_shared>>
      tpu.wait_dma2 semaphore(%run_scoped3A_92 : memref<!tpu.dma_semaphore, #tpu.memory_space<semaphore_mem>>) src(%arg12 : memref<512x32xf32, #tpu.memory_space<vmem>>) dst(%dma_wait3A_98 : memref<512x32xf32, #tpu.memory_space<vmem_shared>>)
      tpu.yield
    }) : () -> ()
    %add3A_70 = arith.constant 512 : i32
    %add3A_71 = arith.addi %mul3A_2, %add3A_70 : i32
    "tpu.region"() ({
      %run_scoped3A_92 = tpu.sem_alloc : memref<!tpu.dma_semaphore, #tpu.memory_space<semaphore_mem>>
      %dma_start3A = arith.constant 0 : i32
      %dma_start3A_93 = tpu.memref_slice %arg14[%add3A_71, %dma_start3A] : memref<32768x32xf32, #tpu.memory_space<vmem_shared>> -> memref<512x32xf32, #tpu.memory_space<vmem_shared>>
      %dma_start3A_94 = arith.constant 0 : i32
      %dma_start3A_95 = tpu.memref_slice %arg14[%add3A_71, %dma_start3A_94] : memref<32768x32xf32, #tpu.memory_space<vmem_shared>> -> memref<512x32xf32, #tpu.memory_space<vmem_shared>>
      tpu.enqueue_dma source(%arg12 : memref<512x32xf32, #tpu.memory_space<vmem>>) target(%dma_start3A_95 : memref<512x32xf32, #tpu.memory_space<vmem_shared>>) target_semaphore(%run_scoped3A_92 : memref<!tpu.dma_semaphore, #tpu.memory_space<semaphore_mem>>)
      %dma_wait3A = arith.constant 0 : i32
      %dma_wait3A_96 = tpu.memref_slice %arg14[%add3A_71, %dma_wait3A] : memref<32768x32xf32, #tpu.memory_space<vmem_shared>> -> memref<512x32xf32, #tpu.memory_space<vmem_shared>>
      %dma_wait3A_97 = arith.constant 0 : i32
      %dma_wait3A_98 = tpu.memref_slice %arg14[%add3A_71, %dma_wait3A_97] : memref<32768x32xf32, #tpu.memory_space<vmem_shared>> -> memref<512x32xf32, #tpu.memory_space<vmem_shared>>
      tpu.wait_dma2 semaphore(%run_scoped3A_92 : memref<!tpu.dma_semaphore, #tpu.memory_space<semaphore_mem>>) src(%arg12 : memref<512x32xf32, #tpu.memory_space<vmem>>) dst(%dma_wait3A_98 : memref<512x32xf32, #tpu.memory_space<vmem_shared>>)
      tpu.yield
    }) : () -> ()
    %add3A_72 = arith.constant 1024 : i32
    %add3A_73 = arith.addi %mul3A_2, %add3A_72 : i32
    "tpu.region"() ({
      %run_scoped3A_92 = tpu.sem_alloc : memref<!tpu.dma_semaphore, #tpu.memory_space<semaphore_mem>>
      %dma_start3A = arith.constant 0 : i32
      %dma_start3A_93 = tpu.memref_slice %arg14[%add3A_73, %dma_start3A] : memref<32768x32xf32, #tpu.memory_space<vmem_shared>> -> memref<512x32xf32, #tpu.memory_space<vmem_shared>>
      %dma_start3A_94 = arith.constant 0 : i32
      %dma_start3A_95 = tpu.memref_slice %arg14[%add3A_73, %dma_start3A_94] : memref<32768x32xf32, #tpu.memory_space<vmem_shared>> -> memref<512x32xf32, #tpu.memory_space<vmem_shared>>
      tpu.enqueue_dma source(%arg12 : memref<512x32xf32, #tpu.memory_space<vmem>>) target(%dma_start3A_95 : memref<512x32xf32, #tpu.memory_space<vmem_shared>>) target_semaphore(%run_scoped3A_92 : memref<!tpu.dma_semaphore, #tpu.memory_space<semaphore_mem>>)
      %dma_wait3A = arith.constant 0 : i32
      %dma_wait3A_96 = tpu.memref_slice %arg14[%add3A_73, %dma_wait3A] : memref<32768x32xf32, #tpu.memory_space<vmem_shared>> -> memref<512x32xf32, #tpu.memory_space<vmem_shared>>
      %dma_wait3A_97 = arith.constant 0 : i32
      %dma_wait3A_98 = tpu.memref_slice %arg14[%add3A_73, %dma_wait3A_97] : memref<32768x32xf32, #tpu.memory_space<vmem_shared>> -> memref<512x32xf32, #tpu.memory_space<vmem_shared>>
      tpu.wait_dma2 semaphore(%run_scoped3A_92 : memref<!tpu.dma_semaphore, #tpu.memory_space<semaphore_mem>>) src(%arg12 : memref<512x32xf32, #tpu.memory_space<vmem>>) dst(%dma_wait3A_98 : memref<512x32xf32, #tpu.memory_space<vmem_shared>>)
      tpu.yield
    }) : () -> ()
    %add3A_74 = arith.constant 1536 : i32
    %add3A_75 = arith.addi %mul3A_2, %add3A_74 : i32
    "tpu.region"() ({
      %run_scoped3A_92 = tpu.sem_alloc : memref<!tpu.dma_semaphore, #tpu.memory_space<semaphore_mem>>
      %dma_start3A = arith.constant 0 : i32
      %dma_start3A_93 = tpu.memref_slice %arg14[%add3A_75, %dma_start3A] : memref<32768x32xf32, #tpu.memory_space<vmem_shared>> -> memref<512x32xf32, #tpu.memory_space<vmem_shared>>
      %dma_start3A_94 = arith.constant 0 : i32
      %dma_start3A_95 = tpu.memref_slice %arg14[%add3A_75, %dma_start3A_94] : memref<32768x32xf32, #tpu.memory_space<vmem_shared>> -> memref<512x32xf32, #tpu.memory_space<vmem_shared>>
      tpu.enqueue_dma source(%arg12 : memref<512x32xf32, #tpu.memory_space<vmem>>) target(%dma_start3A_95 : memref<512x32xf32, #tpu.memory_space<vmem_shared>>) target_semaphore(%run_scoped3A_92 : memref<!tpu.dma_semaphore, #tpu.memory_space<semaphore_mem>>)
      %dma_wait3A = arith.constant 0 : i32
      %dma_wait3A_96 = tpu.memref_slice %arg14[%add3A_75, %dma_wait3A] : memref<32768x32xf32, #tpu.memory_space<vmem_shared>> -> memref<512x32xf32, #tpu.memory_space<vmem_shared>>
      %dma_wait3A_97 = arith.constant 0 : i32
      %dma_wait3A_98 = tpu.memref_slice %arg14[%add3A_75, %dma_wait3A_97] : memref<32768x32xf32, #tpu.memory_space<vmem_shared>> -> memref<512x32xf32, #tpu.memory_space<vmem_shared>>
      tpu.wait_dma2 semaphore(%run_scoped3A_92 : memref<!tpu.dma_semaphore, #tpu.memory_space<semaphore_mem>>) src(%arg12 : memref<512x32xf32, #tpu.memory_space<vmem>>) dst(%dma_wait3A_98 : memref<512x32xf32, #tpu.memory_space<vmem_shared>>)
      tpu.yield
    }) : () -> ()
    "tpu.region"() ({
      %run_scoped3A_92 = tpu.sem_alloc : memref<!tpu.dma_semaphore, #tpu.memory_space<semaphore_mem>>
      %dma_start3A = tpu.memref_slice %arg15[%mul3A_2] : memref<32768xf32, #tpu.memory_space<vmem_shared>> -> memref<2048xf32, #tpu.memory_space<vmem_shared>>
      %dma_start3A_93 = tpu.memref_slice %arg15[%mul3A_2] : memref<32768xf32, #tpu.memory_space<vmem_shared>> -> memref<2048xf32, #tpu.memory_space<vmem_shared>>
      tpu.enqueue_dma source(%arg13 : memref<2048xf32, #tpu.memory_space<vmem>>) target(%dma_start3A_93 : memref<2048xf32, #tpu.memory_space<vmem_shared>>) target_semaphore(%run_scoped3A_92 : memref<!tpu.dma_semaphore, #tpu.memory_space<semaphore_mem>>)
      %dma_wait3A = tpu.memref_slice %arg15[%mul3A_2] : memref<32768xf32, #tpu.memory_space<vmem_shared>> -> memref<2048xf32, #tpu.memory_space<vmem_shared>>
      %dma_wait3A_94 = tpu.memref_slice %arg15[%mul3A_2] : memref<32768xf32, #tpu.memory_space<vmem_shared>> -> memref<2048xf32, #tpu.memory_space<vmem_shared>>
      tpu.wait_dma2 semaphore(%run_scoped3A_92 : memref<!tpu.dma_semaphore, #tpu.memory_space<semaphore_mem>>) src(%arg13 : memref<2048xf32, #tpu.memory_space<vmem>>) dst(%dma_wait3A_94 : memref<2048xf32, #tpu.memory_space<vmem_shared>>)
      tpu.yield
    }) : () -> ()
    %barrier3A_76 = arith.constant 0 : index
    tpu.barrier barrier_id(%barrier3A_76)
    %mul3A_77 = arith.constant 32 : i32
    %mul3A_78 = arith.muli %arg1, %mul3A_77 : i32
    %run_scoped3A_79 = arith.constant 3 : i32
    "tpu.region"() ({
      %run_scoped3A_92 = tpu.sem_alloc : memref<!tpu.dma_semaphore, #tpu.memory_space<semaphore_mem>>
      %dma_start3A = arith.constant 0 : i32
      %dma_start3A_93 = tpu.memref_slice %arg3[%run_scoped3A_79, %mul3A_78, %dma_start3A] : memref<4x512x128xi32, #tpu.memory_space<hbm>> -> memref<1x32x128xi32, #tpu.memory_space<hbm>>
      %dma_start3A_94 = tpu.memref_squeeze %dma_start3A_93 : memref<1x32x128xi32, #tpu.memory_space<hbm>> -> memref<32x128xi32, #tpu.memory_space<hbm>>
      %dma_start3A_95 = arith.constant 0 : i32
      %dma_start3A_96 = tpu.memref_slice %arg3[%run_scoped3A_79, %mul3A_78, %dma_start3A_95] : memref<4x512x128xi32, #tpu.memory_space<hbm>> -> memref<1x32x128xi32, #tpu.memory_space<hbm>>
      %dma_start3A_97 = tpu.memref_squeeze %dma_start3A_96 : memref<1x32x128xi32, #tpu.memory_space<hbm>> -> memref<32x128xi32, #tpu.memory_space<hbm>>
      tpu.enqueue_dma source(%dma_start3A_97 : memref<32x128xi32, #tpu.memory_space<hbm>>) target(%arg10 : memref<32x128xi32, #tpu.memory_space<vmem>>) target_semaphore(%run_scoped3A_92 : memref<!tpu.dma_semaphore, #tpu.memory_space<semaphore_mem>>)
      %dma_wait3A = arith.constant 0 : i32
      %dma_wait3A_98 = tpu.memref_slice %arg3[%run_scoped3A_79, %mul3A_78, %dma_wait3A] : memref<4x512x128xi32, #tpu.memory_space<hbm>> -> memref<1x32x128xi32, #tpu.memory_space<hbm>>
      %dma_wait3A_99 = tpu.memref_squeeze %dma_wait3A_98 : memref<1x32x128xi32, #tpu.memory_space<hbm>> -> memref<32x128xi32, #tpu.memory_space<hbm>>
      %dma_wait3A_100 = arith.constant 0 : i32
      %dma_wait3A_101 = tpu.memref_slice %arg3[%run_scoped3A_79, %mul3A_78, %dma_wait3A_100] : memref<4x512x128xi32, #tpu.memory_space<hbm>> -> memref<1x32x128xi32, #tpu.memory_space<hbm>>
      %dma_wait3A_102 = tpu.memref_squeeze %dma_wait3A_101 : memref<1x32x128xi32, #tpu.memory_space<hbm>> -> memref<32x128xi32, #tpu.memory_space<hbm>>
      tpu.wait_dma2 semaphore(%run_scoped3A_92 : memref<!tpu.dma_semaphore, #tpu.memory_space<semaphore_mem>>) src(%dma_wait3A_102 : memref<32x128xi32, #tpu.memory_space<hbm>>) dst(%arg10 : memref<32x128xi32, #tpu.memory_space<vmem>>)
      tpu.yield
    }) : () -> ()
    %scan3A_80 = arith.constant 0 : i32
    %scan3A_81 = arith.constant 8 : i32
    %scan3A_82 = arith.addi %scan3A_80, %scan3A_81 : i32
    %scan3A_83 = arith.constant 1 : i32
    scf.for %scan3A_92 = %scan3A_80 to %scan3A_82 step %scan3A_83  : i32 {
      %mul3A_93 = arith.constant 1 : i32
      %mul3A_94 = arith.muli %scan3A_92, %mul3A_93 : i32
      %add3A_95 = arith.constant 0 : i32
      %add3A_96 = arith.addi %add3A_95, %mul3A_94 : i32
      %mul3A_97 = arith.constant 4096 : i32
      %mul3A_98 = arith.muli %arg1, %mul3A_97 : i32
      %mul3A_99 = arith.constant 512 : i32
      %mul3A_100 = arith.muli %add3A_96, %mul3A_99 : i32
      %add3A_101 = arith.addi %mul3A_98, %mul3A_100 : i32
      %run_scoped3A_102 = arith.constant 3 : i32
      "tpu.region"() ({
        %run_scoped3A_119 = tpu.sem_alloc : memref<!tpu.dma_semaphore, #tpu.memory_space<semaphore_mem>>
        %dma_start3A = tpu.memref_slice %arg2[%run_scoped3A_102, %add3A_101, %mul3A_0] : memref<4x65536x64xf32, #tpu.memory_space<hbm>> -> memref<1x512x32xf32, #tpu.memory_space<hbm>>
        %dma_start3A_120 = tpu.memref_squeeze %dma_start3A : memref<1x512x32xf32, #tpu.memory_space<hbm>> -> memref<512x32xf32, #tpu.memory_space<hbm>>
        %dma_start3A_121 = tpu.memref_slice %arg2[%run_scoped3A_102, %add3A_101, %mul3A_0] : memref<4x65536x64xf32, #tpu.memory_space<hbm>> -> memref<1x512x32xf32, #tpu.memory_space<hbm>>
        %dma_start3A_122 = tpu.memref_squeeze %dma_start3A_121 : memref<1x512x32xf32, #tpu.memory_space<hbm>> -> memref<512x32xf32, #tpu.memory_space<hbm>>
        tpu.enqueue_dma source(%dma_start3A_122 : memref<512x32xf32, #tpu.memory_space<hbm>>) target(%arg9 : memref<512x32xf32, #tpu.memory_space<vmem>>) target_semaphore(%run_scoped3A_119 : memref<!tpu.dma_semaphore, #tpu.memory_space<semaphore_mem>>)
        %dma_wait3A = tpu.memref_slice %arg2[%run_scoped3A_102, %add3A_101, %mul3A_0] : memref<4x65536x64xf32, #tpu.memory_space<hbm>> -> memref<1x512x32xf32, #tpu.memory_space<hbm>>
        %dma_wait3A_123 = tpu.memref_squeeze %dma_wait3A : memref<1x512x32xf32, #tpu.memory_space<hbm>> -> memref<512x32xf32, #tpu.memory_space<hbm>>
        %dma_wait3A_124 = tpu.memref_slice %arg2[%run_scoped3A_102, %add3A_101, %mul3A_0] : memref<4x65536x64xf32, #tpu.memory_space<hbm>> -> memref<1x512x32xf32, #tpu.memory_space<hbm>>
        %dma_wait3A_125 = tpu.memref_squeeze %dma_wait3A_124 : memref<1x512x32xf32, #tpu.memory_space<hbm>> -> memref<512x32xf32, #tpu.memory_space<hbm>>
        tpu.wait_dma2 semaphore(%run_scoped3A_119 : memref<!tpu.dma_semaphore, #tpu.memory_space<semaphore_mem>>) src(%dma_wait3A_125 : memref<512x32xf32, #tpu.memory_space<hbm>>) dst(%arg9 : memref<512x32xf32, #tpu.memory_space<vmem>>)
        tpu.yield
      }) : () -> ()
      %mul3A_103 = arith.constant 4 : i32
      %mul3A_104 = arith.muli %add3A_96, %mul3A_103 : i32
      %add3A_105 = arith.constant 0 : i32
      %add3A_106 = arith.addi %mul3A_104, %add3A_105 : i32
      "tpu.region"() ({
        %run_scoped3A_119 = tpu.sem_alloc : memref<!tpu.dma_semaphore, #tpu.memory_space<semaphore_mem>>
        %dma_start3A = arith.constant 0 : i32
        %dma_start3A_120 = arith.constant 0 : i32
        %dma_start3A_121 = tpu.memref_slice %arg9[%dma_start3A, %dma_start3A_120] : memref<512x32xf32, #tpu.memory_space<vmem>> -> memref<128x32xf32, #tpu.memory_space<vmem>>
        %dma_start3A_122 = arith.constant 0 : i32
        %dma_start3A_123 = tpu.memref_slice %arg10[%add3A_106, %dma_start3A_122] : memref<32x128xi32, #tpu.memory_space<vmem>> -> memref<1x128xi32, #tpu.memory_space<vmem>>
        %dma_start3A_124 = tpu.memref_squeeze %dma_start3A_123 : memref<1x128xi32, #tpu.memory_space<vmem>> -> memref<128xi32, #tpu.memory_space<vmem>>
        %dma_start3A_125 = arith.constant 0 : i32
        %dma_start3A_126 = arith.constant 0 : i32
        %dma_start3A_127 = tpu.memref_slice %arg14[%dma_start3A_125, %dma_start3A_126] : memref<32768x32xf32, #tpu.memory_space<vmem_shared>> -> memref<32768x32xf32, #tpu.memory_space<vmem_shared>>
        tpu.enqueue_indirect_dma source(%dma_start3A_121 : memref<128x32xf32, #tpu.memory_space<vmem>>) target(%dma_start3A_127 : memref<32768x32xf32, #tpu.memory_space<vmem_shared>>) offsets(%dma_start3A_124 : memref<128xi32, #tpu.memory_space<vmem>>) semaphore(%run_scoped3A_119 : memref<!tpu.dma_semaphore, #tpu.memory_space<semaphore_mem>>) {add = true}
        %dma_wait3A = arith.constant 0 : i32
        %dma_wait3A_128 = arith.constant 0 : i32
        %dma_wait3A_129 = tpu.memref_slice %arg9[%dma_wait3A, %dma_wait3A_128] : memref<512x32xf32, #tpu.memory_space<vmem>> -> memref<128x32xf32, #tpu.memory_space<vmem>>
        %dma_wait3A_130 = arith.constant 0 : i32
        %dma_wait3A_131 = tpu.memref_slice %arg10[%add3A_106, %dma_wait3A_130] : memref<32x128xi32, #tpu.memory_space<vmem>> -> memref<1x128xi32, #tpu.memory_space<vmem>>
        %dma_wait3A_132 = tpu.memref_squeeze %dma_wait3A_131 : memref<1x128xi32, #tpu.memory_space<vmem>> -> memref<128xi32, #tpu.memory_space<vmem>>
        %dma_wait3A_133 = arith.constant 0 : i32
        %dma_wait3A_134 = arith.constant 0 : i32
        %dma_wait3A_135 = tpu.memref_slice %arg14[%dma_wait3A_133, %dma_wait3A_134] : memref<32768x32xf32, #tpu.memory_space<vmem_shared>> -> memref<32768x32xf32, #tpu.memory_space<vmem_shared>>
        tpu.wait_indirect_dma semaphore(%run_scoped3A_119 : memref<!tpu.dma_semaphore, #tpu.memory_space<semaphore_mem>>) src(%dma_wait3A_129 : memref<128x32xf32, #tpu.memory_space<vmem>>) dst(%dma_wait3A_135 : memref<32768x32xf32, #tpu.memory_space<vmem_shared>>)
        tpu.yield
      }) : () -> ()
      "tpu.region"() ({
        %run_scoped3A_119 = tpu.sem_alloc : memref<!tpu.dma_semaphore, #tpu.memory_space<semaphore_mem>>
        %dma_start3A = arith.constant 0 : i32
        %dma_start3A_120 = tpu.memref_slice %arg10[%add3A_106, %dma_start3A] : memref<32x128xi32, #tpu.memory_space<vmem>> -> memref<1x128xi32, #tpu.memory_space<vmem>>
        %dma_start3A_121 = tpu.memref_squeeze %dma_start3A_120 : memref<1x128xi32, #tpu.memory_space<vmem>> -> memref<128xi32, #tpu.memory_space<vmem>>
        %dma_start3A_122 = arith.constant 0 : i32
        %dma_start3A_123 = tpu.memref_slice %arg15[%dma_start3A_122] : memref<32768xf32, #tpu.memory_space<vmem_shared>> -> memref<32768xf32, #tpu.memory_space<vmem_shared>>
        tpu.enqueue_indirect_dma source(%arg11 : memref<128xf32, #tpu.memory_space<vmem>>) target(%dma_start3A_123 : memref<32768xf32, #tpu.memory_space<vmem_shared>>) offsets(%dma_start3A_121 : memref<128xi32, #tpu.memory_space<vmem>>) semaphore(%run_scoped3A_119 : memref<!tpu.dma_semaphore, #tpu.memory_space<semaphore_mem>>) {add = true}
        %dma_wait3A = arith.constant 0 : i32
        %dma_wait3A_124 = tpu.memref_slice %arg10[%add3A_106, %dma_wait3A] : memref<32x128xi32, #tpu.memory_space<vmem>> -> memref<1x128xi32, #tpu.memory_space<vmem>>
        %dma_wait3A_125 = tpu.memref_squeeze %dma_wait3A_124 : memref<1x128xi32, #tpu.memory_space<vmem>> -> memref<128xi32, #tpu.memory_space<vmem>>
        %dma_wait3A_126 = arith.constant 0 : i32
        %dma_wait3A_127 = tpu.memref_slice %arg15[%dma_wait3A_126] : memref<32768xf32, #tpu.memory_space<vmem_shared>> -> memref<32768xf32, #tpu.memory_space<vmem_shared>>
        tpu.wait_indirect_dma semaphore(%run_scoped3A_119 : memref<!tpu.dma_semaphore, #tpu.memory_space<semaphore_mem>>) src(%arg11 : memref<128xf32, #tpu.memory_space<vmem>>) dst(%dma_wait3A_127 : memref<32768xf32, #tpu.memory_space<vmem_shared>>)
        tpu.yield
      }) : () -> ()
      %mul3A_107 = arith.constant 4 : i32
      %mul3A_108 = arith.muli %add3A_96, %mul3A_107 : i32
      %add3A_109 = arith.constant 1 : i32
      %add3A_110 = arith.addi %mul3A_108, %add3A_109 : i32
      "tpu.region"() ({
        %run_scoped3A_119 = tpu.sem_alloc : memref<!tpu.dma_semaphore, #tpu.memory_space<semaphore_mem>>
        %dma_start3A = arith.constant 128 : i32
        %dma_start3A_120 = arith.constant 0 : i32
        %dma_start3A_121 = tpu.memref_slice %arg9[%dma_start3A, %dma_start3A_120] : memref<512x32xf32, #tpu.memory_space<vmem>> -> memref<128x32xf32, #tpu.memory_space<vmem>>
        %dma_start3A_122 = arith.constant 0 : i32
        %dma_start3A_123 = tpu.memref_slice %arg10[%add3A_110, %dma_start3A_122] : memref<32x128xi32, #tpu.memory_space<vmem>> -> memref<1x128xi32, #tpu.memory_space<vmem>>
        %dma_start3A_124 = tpu.memref_squeeze %dma_start3A_123 : memref<1x128xi32, #tpu.memory_space<vmem>> -> memref<128xi32, #tpu.memory_space<vmem>>
        %dma_start3A_125 = arith.constant 0 : i32
        %dma_start3A_126 = arith.constant 0 : i32
        %dma_start3A_127 = tpu.memref_slice %arg14[%dma_start3A_125, %dma_start3A_126] : memref<32768x32xf32, #tpu.memory_space<vmem_shared>> -> memref<32768x32xf32, #tpu.memory_space<vmem_shared>>
        tpu.enqueue_indirect_dma source(%dma_start3A_121 : memref<128x32xf32, #tpu.memory_space<vmem>>) target(%dma_start3A_127 : memref<32768x32xf32, #tpu.memory_space<vmem_shared>>) offsets(%dma_start3A_124 : memref<128xi32, #tpu.memory_space<vmem>>) semaphore(%run_scoped3A_119 : memref<!tpu.dma_semaphore, #tpu.memory_space<semaphore_mem>>) {add = true}
        %dma_wait3A = arith.constant 128 : i32
        %dma_wait3A_128 = arith.constant 0 : i32
        %dma_wait3A_129 = tpu.memref_slice %arg9[%dma_wait3A, %dma_wait3A_128] : memref<512x32xf32, #tpu.memory_space<vmem>> -> memref<128x32xf32, #tpu.memory_space<vmem>>
        %dma_wait3A_130 = arith.constant 0 : i32
        %dma_wait3A_131 = tpu.memref_slice %arg10[%add3A_110, %dma_wait3A_130] : memref<32x128xi32, #tpu.memory_space<vmem>> -> memref<1x128xi32, #tpu.memory_space<vmem>>
        %dma_wait3A_132 = tpu.memref_squeeze %dma_wait3A_131 : memref<1x128xi32, #tpu.memory_space<vmem>> -> memref<128xi32, #tpu.memory_space<vmem>>
        %dma_wait3A_133 = arith.constant 0 : i32
        %dma_wait3A_134 = arith.constant 0 : i32
        %dma_wait3A_135 = tpu.memref_slice %arg14[%dma_wait3A_133, %dma_wait3A_134] : memref<32768x32xf32, #tpu.memory_space<vmem_shared>> -> memref<32768x32xf32, #tpu.memory_space<vmem_shared>>
        tpu.wait_indirect_dma semaphore(%run_scoped3A_119 : memref<!tpu.dma_semaphore, #tpu.memory_space<semaphore_mem>>) src(%dma_wait3A_129 : memref<128x32xf32, #tpu.memory_space<vmem>>) dst(%dma_wait3A_135 : memref<32768x32xf32, #tpu.memory_space<vmem_shared>>)
        tpu.yield
      }) : () -> ()
      "tpu.region"() ({
        %run_scoped3A_119 = tpu.sem_alloc : memref<!tpu.dma_semaphore, #tpu.memory_space<semaphore_mem>>
        %dma_start3A = arith.constant 0 : i32
        %dma_start3A_120 = tpu.memref_slice %arg10[%add3A_110, %dma_start3A] : memref<32x128xi32, #tpu.memory_space<vmem>> -> memref<1x128xi32, #tpu.memory_space<vmem>>
        %dma_start3A_121 = tpu.memref_squeeze %dma_start3A_120 : memref<1x128xi32, #tpu.memory_space<vmem>> -> memref<128xi32, #tpu.memory_space<vmem>>
        %dma_start3A_122 = arith.constant 0 : i32
        %dma_start3A_123 = tpu.memref_slice %arg15[%dma_start3A_122] : memref<32768xf32, #tpu.memory_space<vmem_shared>> -> memref<32768xf32, #tpu.memory_space<vmem_shared>>
        tpu.enqueue_indirect_dma source(%arg11 : memref<128xf32, #tpu.memory_space<vmem>>) target(%dma_start3A_123 : memref<32768xf32, #tpu.memory_space<vmem_shared>>) offsets(%dma_start3A_121 : memref<128xi32, #tpu.memory_space<vmem>>) semaphore(%run_scoped3A_119 : memref<!tpu.dma_semaphore, #tpu.memory_space<semaphore_mem>>) {add = true}
        %dma_wait3A = arith.constant 0 : i32
        %dma_wait3A_124 = tpu.memref_slice %arg10[%add3A_110, %dma_wait3A] : memref<32x128xi32, #tpu.memory_space<vmem>> -> memref<1x128xi32, #tpu.memory_space<vmem>>
        %dma_wait3A_125 = tpu.memref_squeeze %dma_wait3A_124 : memref<1x128xi32, #tpu.memory_space<vmem>> -> memref<128xi32, #tpu.memory_space<vmem>>
        %dma_wait3A_126 = arith.constant 0 : i32
        %dma_wait3A_127 = tpu.memref_slice %arg15[%dma_wait3A_126] : memref<32768xf32, #tpu.memory_space<vmem_shared>> -> memref<32768xf32, #tpu.memory_space<vmem_shared>>
        tpu.wait_indirect_dma semaphore(%run_scoped3A_119 : memref<!tpu.dma_semaphore, #tpu.memory_space<semaphore_mem>>) src(%arg11 : memref<128xf32, #tpu.memory_space<vmem>>) dst(%dma_wait3A_127 : memref<32768xf32, #tpu.memory_space<vmem_shared>>)
        tpu.yield
      }) : () -> ()
      %mul3A_111 = arith.constant 4 : i32
      %mul3A_112 = arith.muli %add3A_96, %mul3A_111 : i32
      %add3A_113 = arith.constant 2 : i32
      %add3A_114 = arith.addi %mul3A_112, %add3A_113 : i32
      "tpu.region"() ({
        %run_scoped3A_119 = tpu.sem_alloc : memref<!tpu.dma_semaphore, #tpu.memory_space<semaphore_mem>>
        %dma_start3A = arith.constant 256 : i32
        %dma_start3A_120 = arith.constant 0 : i32
        %dma_start3A_121 = tpu.memref_slice %arg9[%dma_start3A, %dma_start3A_120] : memref<512x32xf32, #tpu.memory_space<vmem>> -> memref<128x32xf32, #tpu.memory_space<vmem>>
        %dma_start3A_122 = arith.constant 0 : i32
        %dma_start3A_123 = tpu.memref_slice %arg10[%add3A_114, %dma_start3A_122] : memref<32x128xi32, #tpu.memory_space<vmem>> -> memref<1x128xi32, #tpu.memory_space<vmem>>
        %dma_start3A_124 = tpu.memref_squeeze %dma_start3A_123 : memref<1x128xi32, #tpu.memory_space<vmem>> -> memref<128xi32, #tpu.memory_space<vmem>>
        %dma_start3A_125 = arith.constant 0 : i32
        %dma_start3A_126 = arith.constant 0 : i32
        %dma_start3A_127 = tpu.memref_slice %arg14[%dma_start3A_125, %dma_start3A_126] : memref<32768x32xf32, #tpu.memory_space<vmem_shared>> -> memref<32768x32xf32, #tpu.memory_space<vmem_shared>>
        tpu.enqueue_indirect_dma source(%dma_start3A_121 : memref<128x32xf32, #tpu.memory_space<vmem>>) target(%dma_start3A_127 : memref<32768x32xf32, #tpu.memory_space<vmem_shared>>) offsets(%dma_start3A_124 : memref<128xi32, #tpu.memory_space<vmem>>) semaphore(%run_scoped3A_119 : memref<!tpu.dma_semaphore, #tpu.memory_space<semaphore_mem>>) {add = true}
        %dma_wait3A = arith.constant 256 : i32
        %dma_wait3A_128 = arith.constant 0 : i32
        %dma_wait3A_129 = tpu.memref_slice %arg9[%dma_wait3A, %dma_wait3A_128] : memref<512x32xf32, #tpu.memory_space<vmem>> -> memref<128x32xf32, #tpu.memory_space<vmem>>
        %dma_wait3A_130 = arith.constant 0 : i32
        %dma_wait3A_131 = tpu.memref_slice %arg10[%add3A_114, %dma_wait3A_130] : memref<32x128xi32, #tpu.memory_space<vmem>> -> memref<1x128xi32, #tpu.memory_space<vmem>>
        %dma_wait3A_132 = tpu.memref_squeeze %dma_wait3A_131 : memref<1x128xi32, #tpu.memory_space<vmem>> -> memref<128xi32, #tpu.memory_space<vmem>>
        %dma_wait3A_133 = arith.constant 0 : i32
        %dma_wait3A_134 = arith.constant 0 : i32
        %dma_wait3A_135 = tpu.memref_slice %arg14[%dma_wait3A_133, %dma_wait3A_134] : memref<32768x32xf32, #tpu.memory_space<vmem_shared>> -> memref<32768x32xf32, #tpu.memory_space<vmem_shared>>
        tpu.wait_indirect_dma semaphore(%run_scoped3A_119 : memref<!tpu.dma_semaphore, #tpu.memory_space<semaphore_mem>>) src(%dma_wait3A_129 : memref<128x32xf32, #tpu.memory_space<vmem>>) dst(%dma_wait3A_135 : memref<32768x32xf32, #tpu.memory_space<vmem_shared>>)
        tpu.yield
      }) : () -> ()
      "tpu.region"() ({
        %run_scoped3A_119 = tpu.sem_alloc : memref<!tpu.dma_semaphore, #tpu.memory_space<semaphore_mem>>
        %dma_start3A = arith.constant 0 : i32
        %dma_start3A_120 = tpu.memref_slice %arg10[%add3A_114, %dma_start3A] : memref<32x128xi32, #tpu.memory_space<vmem>> -> memref<1x128xi32, #tpu.memory_space<vmem>>
        %dma_start3A_121 = tpu.memref_squeeze %dma_start3A_120 : memref<1x128xi32, #tpu.memory_space<vmem>> -> memref<128xi32, #tpu.memory_space<vmem>>
        %dma_start3A_122 = arith.constant 0 : i32
        %dma_start3A_123 = tpu.memref_slice %arg15[%dma_start3A_122] : memref<32768xf32, #tpu.memory_space<vmem_shared>> -> memref<32768xf32, #tpu.memory_space<vmem_shared>>
        tpu.enqueue_indirect_dma source(%arg11 : memref<128xf32, #tpu.memory_space<vmem>>) target(%dma_start3A_123 : memref<32768xf32, #tpu.memory_space<vmem_shared>>) offsets(%dma_start3A_121 : memref<128xi32, #tpu.memory_space<vmem>>) semaphore(%run_scoped3A_119 : memref<!tpu.dma_semaphore, #tpu.memory_space<semaphore_mem>>) {add = true}
        %dma_wait3A = arith.constant 0 : i32
        %dma_wait3A_124 = tpu.memref_slice %arg10[%add3A_114, %dma_wait3A] : memref<32x128xi32, #tpu.memory_space<vmem>> -> memref<1x128xi32, #tpu.memory_space<vmem>>
        %dma_wait3A_125 = tpu.memref_squeeze %dma_wait3A_124 : memref<1x128xi32, #tpu.memory_space<vmem>> -> memref<128xi32, #tpu.memory_space<vmem>>
        %dma_wait3A_126 = arith.constant 0 : i32
        %dma_wait3A_127 = tpu.memref_slice %arg15[%dma_wait3A_126] : memref<32768xf32, #tpu.memory_space<vmem_shared>> -> memref<32768xf32, #tpu.memory_space<vmem_shared>>
        tpu.wait_indirect_dma semaphore(%run_scoped3A_119 : memref<!tpu.dma_semaphore, #tpu.memory_space<semaphore_mem>>) src(%arg11 : memref<128xf32, #tpu.memory_space<vmem>>) dst(%dma_wait3A_127 : memref<32768xf32, #tpu.memory_space<vmem_shared>>)
        tpu.yield
      }) : () -> ()
      %mul3A_115 = arith.constant 4 : i32
      %mul3A_116 = arith.muli %add3A_96, %mul3A_115 : i32
      %add3A_117 = arith.constant 3 : i32
      %add3A_118 = arith.addi %mul3A_116, %add3A_117 : i32
      "tpu.region"() ({
        %run_scoped3A_119 = tpu.sem_alloc : memref<!tpu.dma_semaphore, #tpu.memory_space<semaphore_mem>>
        %dma_start3A = arith.constant 384 : i32
        %dma_start3A_120 = arith.constant 0 : i32
        %dma_start3A_121 = tpu.memref_slice %arg9[%dma_start3A, %dma_start3A_120] : memref<512x32xf32, #tpu.memory_space<vmem>> -> memref<128x32xf32, #tpu.memory_space<vmem>>
        %dma_start3A_122 = arith.constant 0 : i32
        %dma_start3A_123 = tpu.memref_slice %arg10[%add3A_118, %dma_start3A_122] : memref<32x128xi32, #tpu.memory_space<vmem>> -> memref<1x128xi32, #tpu.memory_space<vmem>>
        %dma_start3A_124 = tpu.memref_squeeze %dma_start3A_123 : memref<1x128xi32, #tpu.memory_space<vmem>> -> memref<128xi32, #tpu.memory_space<vmem>>
        %dma_start3A_125 = arith.constant 0 : i32
        %dma_start3A_126 = arith.constant 0 : i32
        %dma_start3A_127 = tpu.memref_slice %arg14[%dma_start3A_125, %dma_start3A_126] : memref<32768x32xf32, #tpu.memory_space<vmem_shared>> -> memref<32768x32xf32, #tpu.memory_space<vmem_shared>>
        tpu.enqueue_indirect_dma source(%dma_start3A_121 : memref<128x32xf32, #tpu.memory_space<vmem>>) target(%dma_start3A_127 : memref<32768x32xf32, #tpu.memory_space<vmem_shared>>) offsets(%dma_start3A_124 : memref<128xi32, #tpu.memory_space<vmem>>) semaphore(%run_scoped3A_119 : memref<!tpu.dma_semaphore, #tpu.memory_space<semaphore_mem>>) {add = true}
        %dma_wait3A = arith.constant 384 : i32
        %dma_wait3A_128 = arith.constant 0 : i32
        %dma_wait3A_129 = tpu.memref_slice %arg9[%dma_wait3A, %dma_wait3A_128] : memref<512x32xf32, #tpu.memory_space<vmem>> -> memref<128x32xf32, #tpu.memory_space<vmem>>
        %dma_wait3A_130 = arith.constant 0 : i32
        %dma_wait3A_131 = tpu.memref_slice %arg10[%add3A_118, %dma_wait3A_130] : memref<32x128xi32, #tpu.memory_space<vmem>> -> memref<1x128xi32, #tpu.memory_space<vmem>>
        %dma_wait3A_132 = tpu.memref_squeeze %dma_wait3A_131 : memref<1x128xi32, #tpu.memory_space<vmem>> -> memref<128xi32, #tpu.memory_space<vmem>>
        %dma_wait3A_133 = arith.constant 0 : i32
        %dma_wait3A_134 = arith.constant 0 : i32
        %dma_wait3A_135 = tpu.memref_slice %arg14[%dma_wait3A_133, %dma_wait3A_134] : memref<32768x32xf32, #tpu.memory_space<vmem_shared>> -> memref<32768x32xf32, #tpu.memory_space<vmem_shared>>
        tpu.wait_indirect_dma semaphore(%run_scoped3A_119 : memref<!tpu.dma_semaphore, #tpu.memory_space<semaphore_mem>>) src(%dma_wait3A_129 : memref<128x32xf32, #tpu.memory_space<vmem>>) dst(%dma_wait3A_135 : memref<32768x32xf32, #tpu.memory_space<vmem_shared>>)
        tpu.yield
      }) : () -> ()
      "tpu.region"() ({
        %run_scoped3A_119 = tpu.sem_alloc : memref<!tpu.dma_semaphore, #tpu.memory_space<semaphore_mem>>
        %dma_start3A = arith.constant 0 : i32
        %dma_start3A_120 = tpu.memref_slice %arg10[%add3A_118, %dma_start3A] : memref<32x128xi32, #tpu.memory_space<vmem>> -> memref<1x128xi32, #tpu.memory_space<vmem>>
        %dma_start3A_121 = tpu.memref_squeeze %dma_start3A_120 : memref<1x128xi32, #tpu.memory_space<vmem>> -> memref<128xi32, #tpu.memory_space<vmem>>
        %dma_start3A_122 = arith.constant 0 : i32
        %dma_start3A_123 = tpu.memref_slice %arg15[%dma_start3A_122] : memref<32768xf32, #tpu.memory_space<vmem_shared>> -> memref<32768xf32, #tpu.memory_space<vmem_shared>>
        tpu.enqueue_indirect_dma source(%arg11 : memref<128xf32, #tpu.memory_space<vmem>>) target(%dma_start3A_123 : memref<32768xf32, #tpu.memory_space<vmem_shared>>) offsets(%dma_start3A_121 : memref<128xi32, #tpu.memory_space<vmem>>) semaphore(%run_scoped3A_119 : memref<!tpu.dma_semaphore, #tpu.memory_space<semaphore_mem>>) {add = true}
        %dma_wait3A = arith.constant 0 : i32
        %dma_wait3A_124 = tpu.memref_slice %arg10[%add3A_118, %dma_wait3A] : memref<32x128xi32, #tpu.memory_space<vmem>> -> memref<1x128xi32, #tpu.memory_space<vmem>>
        %dma_wait3A_125 = tpu.memref_squeeze %dma_wait3A_124 : memref<1x128xi32, #tpu.memory_space<vmem>> -> memref<128xi32, #tpu.memory_space<vmem>>
        %dma_wait3A_126 = arith.constant 0 : i32
        %dma_wait3A_127 = tpu.memref_slice %arg15[%dma_wait3A_126] : memref<32768xf32, #tpu.memory_space<vmem_shared>> -> memref<32768xf32, #tpu.memory_space<vmem_shared>>
        tpu.wait_indirect_dma semaphore(%run_scoped3A_119 : memref<!tpu.dma_semaphore, #tpu.memory_space<semaphore_mem>>) src(%arg11 : memref<128xf32, #tpu.memory_space<vmem>>) dst(%dma_wait3A_127 : memref<32768xf32, #tpu.memory_space<vmem_shared>>)
        tpu.yield
      }) : () -> ()
    }
    %scan3A_84 = arith.constant 8 : i32
    %barrier3A_85 = arith.constant 0 : index
    tpu.barrier barrier_id(%barrier3A_85)
    %run_scoped3A_86 = arith.constant 3 : i32
    "tpu.region"() ({
      %run_scoped3A_92 = tpu.sem_alloc : memref<!tpu.dma_semaphore, #tpu.memory_space<semaphore_mem>>
      %dma_start3A = tpu.memref_slice %arg7[%run_scoped3A_86, %mul3A_2, %mul3A_0] : memref<4x32768x64xf32, #tpu.memory_space<hbm>> -> memref<1x2048x32xf32, #tpu.memory_space<hbm>>
      %dma_start3A_93 = tpu.memref_squeeze %dma_start3A : memref<1x2048x32xf32, #tpu.memory_space<hbm>> -> memref<2048x32xf32, #tpu.memory_space<hbm>>
      %dma_start3A_94 = arith.constant 0 : i32
      %dma_start3A_95 = tpu.memref_slice %arg14[%mul3A_2, %dma_start3A_94] : memref<32768x32xf32, #tpu.memory_space<vmem_shared>> -> memref<2048x32xf32, #tpu.memory_space<vmem_shared>>
      tpu.enqueue_dma source(%dma_start3A_95 : memref<2048x32xf32, #tpu.memory_space<vmem_shared>>) target(%dma_start3A_93 : memref<2048x32xf32, #tpu.memory_space<hbm>>) target_semaphore(%run_scoped3A_92 : memref<!tpu.dma_semaphore, #tpu.memory_space<semaphore_mem>>)
      %dma_wait3A = tpu.memref_slice %arg7[%run_scoped3A_86, %mul3A_2, %mul3A_0] : memref<4x32768x64xf32, #tpu.memory_space<hbm>> -> memref<1x2048x32xf32, #tpu.memory_space<hbm>>
      %dma_wait3A_96 = tpu.memref_squeeze %dma_wait3A : memref<1x2048x32xf32, #tpu.memory_space<hbm>> -> memref<2048x32xf32, #tpu.memory_space<hbm>>
      %dma_wait3A_97 = arith.constant 0 : i32
      %dma_wait3A_98 = tpu.memref_slice %arg14[%mul3A_2, %dma_wait3A_97] : memref<32768x32xf32, #tpu.memory_space<vmem_shared>> -> memref<2048x32xf32, #tpu.memory_space<vmem_shared>>
      tpu.wait_dma2 semaphore(%run_scoped3A_92 : memref<!tpu.dma_semaphore, #tpu.memory_space<semaphore_mem>>) src(%dma_wait3A_98 : memref<2048x32xf32, #tpu.memory_space<vmem_shared>>) dst(%dma_wait3A_96 : memref<2048x32xf32, #tpu.memory_space<hbm>>)
      tpu.yield
    }) : () -> ()
    %eq3A_87 = arith.constant 0 : i32
    %eq3A_88 = arith.cmpi eq, %arg0, %eq3A_87 : i32
    %convert_element_type3A_89 = arith.extui %eq3A_88 : i1 to i32
    %cond3A_90 = arith.constant 0 : i32
    %cond3A_91 = arith.cmpi ne, %convert_element_type3A_89, %cond3A_90 : i32
    scf.if %cond3A_91 {
      %run_scoped3A_92 = arith.constant 3 : i32
      "tpu.region"() ({
        %run_scoped3A_93 = tpu.sem_alloc : memref<!tpu.dma_semaphore, #tpu.memory_space<semaphore_mem>>
        %dma_start3A = tpu.memref_slice %arg8[%run_scoped3A_92, %mul3A_2] : memref<4x32768xf32, #tpu.memory_space<hbm>> -> memref<1x2048xf32, #tpu.memory_space<hbm>>
        %dma_start3A_94 = tpu.memref_squeeze %dma_start3A : memref<1x2048xf32, #tpu.memory_space<hbm>> -> memref<2048xf32, #tpu.memory_space<hbm>>
        %dma_start3A_95 = tpu.memref_slice %arg15[%mul3A_2] : memref<32768xf32, #tpu.memory_space<vmem_shared>> -> memref<2048xf32, #tpu.memory_space<vmem_shared>>
        tpu.enqueue_dma source(%dma_start3A_95 : memref<2048xf32, #tpu.memory_space<vmem_shared>>) target(%dma_start3A_94 : memref<2048xf32, #tpu.memory_space<hbm>>) target_semaphore(%run_scoped3A_93 : memref<!tpu.dma_semaphore, #tpu.memory_space<semaphore_mem>>)
        %dma_wait3A = tpu.memref_slice %arg8[%run_scoped3A_92, %mul3A_2] : memref<4x32768xf32, #tpu.memory_space<hbm>> -> memref<1x2048xf32, #tpu.memory_space<hbm>>
        %dma_wait3A_96 = tpu.memref_squeeze %dma_wait3A : memref<1x2048xf32, #tpu.memory_space<hbm>> -> memref<2048xf32, #tpu.memory_space<hbm>>
        %dma_wait3A_97 = tpu.memref_slice %arg15[%mul3A_2] : memref<32768xf32, #tpu.memory_space<vmem_shared>> -> memref<2048xf32, #tpu.memory_space<vmem_shared>>
        tpu.wait_dma2 semaphore(%run_scoped3A_93 : memref<!tpu.dma_semaphore, #tpu.memory_space<semaphore_mem>>) src(%dma_wait3A_97 : memref<2048xf32, #tpu.memory_space<vmem_shared>>) dst(%dma_wait3A_96 : memref<2048xf32, #tpu.memory_space<hbm>>)
        tpu.yield
      }) : () -> ()
    } else {
    }
    return
  }
}

module attributes {stable_mosaic.version = 14 : i64} {
  func.func @_coords_body(%arg0: i32, %arg1: memref<1x3x65536xf32, #tpu.memory_space<vmem>>, %arg2: memref<1x3x65536xf32, #tpu.memory_space<vmem>>, %arg3: memref<1x1x65536xi32, #tpu.memory_space<vmem>>) attributes {dimension_semantics = [#tpu.dimension_semantics<arbitrary>], iteration_bounds = array<i64: 4>, scalar_prefetch = 0 : i64, scratch_operands = 0 : i64, tpu.core_type = #tpu.core_type<tc>, window_params = [{transform_indices = @transform_0, window_bounds = array<i64: 1, 3, 65536>}, {transform_indices = @transform_1, window_bounds = array<i64: 1, 3, 65536>}, {transform_indices = @transform_2, window_bounds = array<i64: 1, 1, 65536>}]} {
    %get3A = arith.constant 0 : index
    %get3A_0 = arith.constant 0 : index
    %get3A_1 = arith.constant 0 : index
    %get3A_2 = vector.load %arg1[%get3A, %get3A_0, %get3A_1] : memref<1x3x65536xf32, #tpu.memory_space<vmem>>, vector<1x3x65536xf32>
    %get3A_3 = vector.shape_cast %get3A_2 : vector<1x3x65536xf32> to vector<3x65536xf32>
    %reduce_sum3A = arith.constant dense<0.000000e+00> : vector<3xf32>
    %reduce_sum3A_4 = vector.multi_reduction <add>, %get3A_3, %reduce_sum3A [1] : vector<3x65536xf32> to vector<3xf32>
    %broadcast_in_dim3A = vector.shape_cast %reduce_sum3A_4 : vector<3xf32> to vector<3x1xf32>
    %div3A = arith.constant 6.553600e+04 : f32
    %div3A_5 = vector.broadcast %div3A : f32 to vector<3x1xf32>
    %div3A_6 = arith.divf %broadcast_in_dim3A, %div3A_5 : vector<3x1xf32>
    %sub3A = vector.broadcast %div3A_6 : vector<3x1xf32> to vector<3x65536xf32>
    %sub3A_7 = arith.subf %get3A_3, %sub3A : vector<3x65536xf32>
    %mul3A = arith.mulf %sub3A_7, %sub3A_7 : vector<3x65536xf32>
    %reduce_sum3A_8 = arith.constant dense<0.000000e+00> : vector<65536xf32>
    %reduce_sum3A_9 = vector.multi_reduction <add>, %mul3A, %reduce_sum3A_8 [0] : vector<3x65536xf32> to vector<65536xf32>
    %broadcast_in_dim3A_10 = vector.shape_cast %reduce_sum3A_9 : vector<65536xf32> to vector<1x65536xf32>
    %reduce_max3A = vector.shape_cast %broadcast_in_dim3A_10 : vector<1x65536xf32> to vector<1x1x65536xf32>
    %reduce_max3A_11 = arith.constant dense<0xFF800000> : vector<1xf32>
    %reduce_max3A_12 = vector.multi_reduction <maximumf>, %reduce_max3A, %reduce_max3A_11 [1, 2] : vector<1x1x65536xf32> to vector<1xf32>
    %reduce_max3A_13 = vector.shape_cast %reduce_max3A_12 : vector<1xf32> to vector<1x1x1xf32>
    %reduce_max3A_14 = vector.extract %reduce_max3A_13[0, 0, 0] : f32 from vector<1x1x1xf32>
    %sqrt3A = math.sqrt %reduce_max3A_14 : f32
    %mul3A_15 = arith.constant 2.000000e+00 : f32
    %mul3A_16 = arith.mulf %sqrt3A, %mul3A_15 : f32
    %div3A_17 = vector.broadcast %mul3A_16 : f32 to vector<3x65536xf32>
    %div3A_18 = arith.divf %sub3A_7, %div3A_17 : vector<3x65536xf32>
    %add3A = arith.constant 5.000000e-01 : f32
    %add3A_19 = vector.broadcast %add3A : f32 to vector<3x65536xf32>
    %add3A_20 = arith.addf %div3A_18, %add3A_19 : vector<3x65536xf32>
    %mul3A_21 = arith.constant 3.200000e+01 : f32
    %mul3A_22 = vector.broadcast %mul3A_21 : f32 to vector<3x65536xf32>
    %mul3A_23 = arith.mulf %add3A_20, %mul3A_22 : vector<3x65536xf32>
    %jit3A = arith.constant 0.000000e+00 : f32
    %jit3A_24 = arith.constant 3.100000e+01 : f32
    %max3A = vector.broadcast %jit3A : f32 to vector<3x65536xf32>
    %max3A_25 = arith.maximumf %max3A, %mul3A_23 : vector<3x65536xf32>
    %min3A = vector.broadcast %jit3A_24 : f32 to vector<3x65536xf32>
    %min3A_26 = arith.minimumf %min3A, %max3A_25 : vector<3x65536xf32>
    %swap3A = arith.constant 0 : index
    %swap3A_27 = arith.constant 0 : index
    %swap3A_28 = arith.constant 0 : index
    %swap3A_29 = vector.load %arg2[%swap3A, %swap3A_27, %swap3A_28] : memref<1x3x65536xf32, #tpu.memory_space<vmem>>, vector<1x3x65536xf32>
    %swap3A_30 = vector.shape_cast %swap3A_29 : vector<1x3x65536xf32> to vector<3x65536xf32>
    %swap3A_31 = vector.shape_cast %min3A_26 : vector<3x65536xf32> to vector<1x3x65536xf32>
    tpu.vector_store %arg2[%swap3A, %swap3A_27, %swap3A_28], %swap3A_31 {strides = array<i32>} : memref<1x3x65536xf32, #tpu.memory_space<vmem>>, vector<1x3x65536xf32>,
    %round3A = math.roundeven %min3A_26 : vector<3x65536xf32>
    %convert_element_type3A = arith.fptosi %round3A : vector<3x65536xf32> to vector<3x65536xi32>
    %slice3A = vector.extract_strided_slice %convert_element_type3A {offsets = [0, 0], sizes = [1, 65536], strides = [1, 1]} : vector<3x65536xi32> to vector<1x65536xi32>
    %mul3A_32 = arith.constant 1024 : i32
    %mul3A_33 = vector.broadcast %mul3A_32 : i32 to vector<1x65536xi32>
    %mul3A_34 = arith.muli %slice3A, %mul3A_33 : vector<1x65536xi32>
    %slice3A_35 = vector.extract_strided_slice %convert_element_type3A {offsets = [1, 0], sizes = [1, 65536], strides = [1, 1]} : vector<3x65536xi32> to vector<1x65536xi32>
    %mul3A_36 = arith.constant 32 : i32
    %mul3A_37 = vector.broadcast %mul3A_36 : i32 to vector<1x65536xi32>
    %mul3A_38 = arith.muli %slice3A_35, %mul3A_37 : vector<1x65536xi32>
    %add3A_39 = arith.addi %mul3A_34, %mul3A_38 : vector<1x65536xi32>
    %slice3A_40 = vector.extract_strided_slice %convert_element_type3A {offsets = [2, 0], sizes = [1, 65536], strides = [1, 1]} : vector<3x65536xi32> to vector<1x65536xi32>
    %add3A_41 = arith.addi %add3A_39, %slice3A_40 : vector<1x65536xi32>
    %swap3A_42 = arith.constant 0 : index
    %swap3A_43 = arith.constant 0 : index
    %swap3A_44 = arith.constant 0 : index
    %swap3A_45 = vector.load %arg3[%swap3A_42, %swap3A_43, %swap3A_44] : memref<1x1x65536xi32, #tpu.memory_space<vmem>>, vector<1x1x65536xi32>
    %swap3A_46 = vector.shape_cast %swap3A_45 : vector<1x1x65536xi32> to vector<1x65536xi32>
    %swap3A_47 = vector.shape_cast %add3A_41 : vector<1x65536xi32> to vector<1x1x65536xi32>
    tpu.vector_store %arg3[%swap3A_42, %swap3A_43, %swap3A_44], %swap3A_47 {strides = array<i32>} : memref<1x1x65536xi32, #tpu.memory_space<vmem>>, vector<1x1x65536xi32>,
    return
  }
  func.func @transform_0(%arg0: i32) -> (i32, i32, i32) {
    %c0_i32 = arith.constant 0 : i32
    %c0_i32_0 = arith.constant 0 : i32
    %c0_i32_1 = arith.constant 0 : i32
    return %arg0, %c0_i32, %c0_i32_0 : i32, i32, i32
  }
  func.func @transform_1(%arg0: i32) -> (i32, i32, i32) {
    %c0_i32 = arith.constant 0 : i32
    %c0_i32_0 = arith.constant 0 : i32
    %c0_i32_1 = arith.constant 0 : i32
    return %arg0, %c0_i32, %c0_i32_0 : i32, i32, i32
  }
  func.func @transform_2(%arg0: i32) -> (i32, i32, i32) {
    %c0_i32 = arith.constant 0 : i32
    %c0_i32_0 = arith.constant 0 : i32
    %c0_i32_1 = arith.constant 0 : i32
    return %arg0, %c0_i32, %c0_i32_0 : i32, i32, i32
  }
}

module attributes {stable_mosaic.version = 14 : i64} {
  func.func @_div_body(%arg0: i32, %arg1: i32, %arg2: memref<1x2048x64xf32, #tpu.memory_space<vmem>>, %arg3: memref<1x2048x1xf32, #tpu.memory_space<vmem>>, %arg4: memref<1x2048x64xf32, #tpu.memory_space<vmem>>) attributes {dimension_semantics = [#tpu.dimension_semantics<arbitrary>, #tpu.dimension_semantics<arbitrary>], iteration_bounds = array<i64: 4, 16>, scalar_prefetch = 0 : i64, scratch_operands = 0 : i64, tpu.core_type = #tpu.core_type<tc>, window_params = [{transform_indices = @transform_0, window_bounds = array<i64: 1, 2048, 64>}, {transform_indices = @transform_1, window_bounds = array<i64: 1, 2048, 1>}, {transform_indices = @transform_2, window_bounds = array<i64: 1, 2048, 64>}]} {
    %get3A = arith.constant 0 : index
    %get3A_0 = arith.constant 0 : index
    %get3A_1 = arith.constant 0 : index
    %get3A_2 = vector.load %arg3[%get3A, %get3A_0, %get3A_1] : memref<1x2048x1xf32, #tpu.memory_space<vmem>>, vector<1x2048x1xf32>
    %get3A_3 = vector.shape_cast %get3A_2 : vector<1x2048x1xf32> to vector<2048x1xf32>
    %max3A = arith.constant 1.000000e+00 : f32
    %max3A_4 = vector.broadcast %max3A : f32 to vector<2048x1xf32>
    %max3A_5 = arith.maximumf %get3A_3, %max3A_4 : vector<2048x1xf32>
    %get3A_6 = arith.constant 0 : index
    %get3A_7 = arith.constant 0 : index
    %get3A_8 = arith.constant 0 : index
    %get3A_9 = vector.load %arg2[%get3A_6, %get3A_7, %get3A_8] : memref<1x2048x64xf32, #tpu.memory_space<vmem>>, vector<1x2048x64xf32>
    %get3A_10 = vector.shape_cast %get3A_9 : vector<1x2048x64xf32> to vector<2048x64xf32>
    %div3A = vector.broadcast %max3A_5 : vector<2048x1xf32> to vector<2048x64xf32>
    %div3A_11 = arith.divf %get3A_10, %div3A : vector<2048x64xf32>
    %swap3A = arith.constant 0 : index
    %swap3A_12 = arith.constant 0 : index
    %swap3A_13 = arith.constant 0 : index
    %swap3A_14 = vector.load %arg4[%swap3A, %swap3A_12, %swap3A_13] : memref<1x2048x64xf32, #tpu.memory_space<vmem>>, vector<1x2048x64xf32>
    %swap3A_15 = vector.shape_cast %swap3A_14 : vector<1x2048x64xf32> to vector<2048x64xf32>
    %swap3A_16 = vector.shape_cast %div3A_11 : vector<2048x64xf32> to vector<1x2048x64xf32>
    tpu.vector_store %arg4[%swap3A, %swap3A_12, %swap3A_13], %swap3A_16 {strides = array<i32>} : memref<1x2048x64xf32, #tpu.memory_space<vmem>>, vector<1x2048x64xf32>,
    return
  }
  func.func @transform_0(%arg0: i32, %arg1: i32) -> (i32, i32, i32) {
    %c0_i32 = arith.constant 0 : i32
    %c0_i32_0 = arith.constant 0 : i32
    return %arg0, %arg1, %c0_i32 : i32, i32, i32
  }
  func.func @transform_1(%arg0: i32, %arg1: i32) -> (i32, i32, i32) {
    %c0_i32 = arith.constant 0 : i32
    %c0_i32_0 = arith.constant 0 : i32
    return %arg0, %arg1, %c0_i32 : i32, i32, i32
  }
  func.func @transform_2(%arg0: i32, %arg1: i32) -> (i32, i32, i32) {
    %c0_i32 = arith.constant 0 : i32
    %c0_i32_0 = arith.constant 0 : i32
    return %arg0, %arg1, %c0_i32 : i32, i32, i32
  }
}

</mosaic_0001>

<sc_bundles>
// kernel: kernel.5.cloned.1.call-start
scs
__scs_entry_jumppad:
0x0: {  	(pc) =	sbr.rel $0x88, $3  }
0x1: {  	(tag) =	ssettag $0x0;
	lr =	simm.s32 $0x1  }
0x2: {  	[smem:$0x3F9F] =	sst lr;
	_ =	strace $0xD0000000  }
0x3: {  	_ = 	snop  }
0x4: {  	_ = 	snop  }
0x5: {  	_ = 	snop  }
0x6: {  	_ = 	snop  }
0x7: {  	_ = 	snop  }
__scs_overlays_trampoline_lowered:
0x8: {  	[smem:$0x3FAE] =	sst s0  }
0x9: {  	[smem:$0x3FAF] =	sst s1  }
0xa: {  	[smem:$0x3FB0] =	sst s2  }
0xb: {  	[smem:$0x3FB1] =	sst s3  }
0xc: {  	[smem:$0x3FB2] =	sst s4  }
0xd: {  	[smem:$0x3FB3] =	sst s5  }
0xe: {  	[smem:$0x3FB4] =	sst s6  }
0xf: {  	[smem:$0x3FB5] =	sst s7  }
0x10: {  	[smem:$0x3FB6] =	sst s8  }
0x11: {  	[smem:$0x3FB7] =	sst s9;
	s0 =	simm.s32 @!p0 $0x0  }
0x12: {  	s1 =	sld [smem:$0x3F9D];
	s0 =	simm.s32 @p0 $0x1  }
0x13: {  	[smem:$0x3FB8] =	sst s0;
	s0 =	simm.s32 @!p1 $0x0  }
0x14: {  	s2 =	sld [smem:$0x3F9C];
	s0 =	simm.s32 @p1 $0x1  }
0x15: {  	[smem:$0x3FB9] =	sst s0;
	s0 =	simm.s32 @!p2 $0x0  }
0x16: {  	s3 =	sld [smem:$0x3FDB];
	s0 =	simm.s32 @p2 $0x1  }
0x17: {  	s4 =	simm.s32 $0x1BF5;
	[smem:$0x3FBB] =	sst s0  }
0x18: {  	s0 =	sld [smem:$0x3F9E];
	_ =	swait.ge [sflag:s4], $0x0  }
0x19: {  	s7 =	sld [smem:$0x3F9F]  }
0x1a: {  	s8 =	sadd.s32 $0xFFFFE003, lr  }
0x1b: {  	s9 =	sadd.s32 $0xFFFFFEF7, lr;
	s5 =	simm.s32 $0xFFFFFFFF;
	p2 =	slt.u32 s8, $0xFFFFF086  }
0x1c: {  	p1 =	slt.u32 s9, $0xF7A;
	s5 =	simm.s32 @!p2 $0x0  }
0x1d: {  	s5 =	simm.s32 @p1 $0x1;
	p0 =	seq.s32 s7, s2  }
0x1e: {  	s7 =	smul.u32 @!p0 $0xF7A, s2;
	p2 =	seq.s32 @!p0 s5, $0x0  }
0x1f: {  	s9 =	smul.u32 $0xF7A, s1;
	s8 =	simm.s32 @!p0 $0x1BF5;
	p2 =	por !p2, p0  }
0x20: {  	[sflag:s8] =	ssyncset.s32 @!p0 $0xFFFFF086;
	s6 =	sadd.s32 @!p0 s3, s7;
	s7 =	simm.s32 @!p0 $0x108  }
0x21: {  	s3 =	sadd.s32 s3, s9;
	s6 =	sadd.s32 @!p0 $0x88, s6;
	s7 =	simm.s32 @p2 $0x1082  }
0x22: {  	[simem:s7], [sflag:s8] =	dma.local @!p0 [hbm:s6], $0xF7A  }
0x23: {  	s9 =	sor.u32 $0xD0000000, s2;
	s6 =	simm.s32 $0x108;
	_ =	swait.ge @!p0 [sflag:s8], $0x0  }
0x24: {  	s3 =	sadd.s32 $0x88, s3;
	s6 =	simm.s32 @!p1 $0x1082;
	[sflag:s4] =	ssyncset.s32 $0xFFFFF086  }
0x25: {  	[simem:s6], [sflag:s4] =	dma.local [hbm:s3], $0xF7A  }
0x26: {  	[smem:$0x3F9F] =	sst s1;
	(tag) =	ssettag s2;
	_ =	strace s9  }
0x27: {  	s1 =	sld [smem:$0x3FAF]  }
0x28: {  	s2 =	sld [smem:$0x3FB0]  }
0x29: {  	s4 =	sld [smem:$0x3FB2]  }
0x2a: {  	p0 =	seq.s32 s5, $0x0;
	s5 =	sld [smem:$0x3FB3]  }
0x2b: {  	s6 =	sld [smem:$0x3FB4]  }
0x2c: {  	s7 =	sld [smem:$0x3FB5]  }
0x2d: {  	s3 =	simm.s32 $0x108;
	s8 =	sld [smem:$0x3FB6]  }
0x2e: {  	s3 =	simm.s32 @!p0 $0x1082;
	s9 =	sld [smem:$0x3FB7]  }
0x2f: {  	lr =	sadd.s32 s0, s3;
	s0 =	sld [smem:$0x3FAE]  }
0x30: {  	s3 =	sld [smem:$0x3FB1]  }
0x31: {  	[smem:$0x3FBA] =	sst s10  }
0x32: {  	s10 =	sld [smem:$0x3FB8];
	_ =	sdelay $0x3  }
0x33: {  	p0 =	seq.s32 s10, $0x1;
	s10 =	sld [smem:$0x3FBA];
	_ =	sdelay $0x3  }
0x34: {  	[smem:$0x3FBA] =	sst s10  }
0x35: {  	s10 =	sld [smem:$0x3FB9];
	_ =	sdelay $0x3  }
0x36: {  	p1 =	seq.s32 s10, $0x1;
	s10 =	sld [smem:$0x3FBA];
	_ =	sdelay $0x3  }
0x37: {  	[smem:$0x3FBA] =	sst s10  }
0x38: {  	s10 =	sld [smem:$0x3FBB]  }
0x39: {  	_ = 	snop;
	(pc) =	sbr.ind lr, $3  }
0x3a: {  	_ = 	snop  }
0x3b: {  	_ = 	snop  }
0x3c: {  	p2 =	seq.s32 s10, $0x1;
	s10 =	sld [smem:$0x3FBA]  }
0x3d: {  	_ =	shalt  }
0x3e: {  	_ =	shalt  }
0x3f: {  	_ =	shalt  }
0x40: {  	_ =	shalt  }
0x41: {  	_ =	shalt  }
0x42: {  	_ =	shalt  }
0x43: {  	_ =	shalt  }
0x44: {  	_ =	shalt  }
0x45: {  	_ =	shalt  }
0x46: {  	_ =	shalt  }
0x47: {  	_ =	shalt  }
0x48: {  	_ =	shalt  }
0x49: {  	_ =	shalt  }
0x4a: {  	_ =	shalt  }
0x4b: {  	_ =	shalt  }
0x4c: {  	_ =	shalt  }
0x4d: {  	_ =	shalt  }
0x4e: {  	_ =	shalt  }
0x4f: {  	_ =	shalt  }
0x50: {  	_ =	shalt  }
0x51: {  	_ =	shalt  }
0x52: {  	_ =	shalt  }
0x53: {  	_ =	shalt  }
0x54: {  	_ =	shalt  }
0x55: {  	_ =	shalt  }
0x56: {  	_ =	shalt  }
0x57: {  	_ =	shalt  }
0x58: {  	_ =	shalt  }
0x59: {  	_ =	shalt  }
0x5a: {  	_ =	shalt  }
0x5b: {  	_ =	shalt  }
0x5c: {  	_ =	shalt  }
0x5d: {  	_ =	shalt  }
0x5e: {  	_ =	shalt  }
0x5f: {  	_ =	shalt  }
0x60: {  	_ =	shalt  }
0x61: {  	_ =	shalt  }
0x62: {  	_ =	shalt  }
0x63: {  	_ =	shalt  }
0x64: {  	_ =	shalt  }
0x65: {  	_ =	shalt  }
0x66: {  	_ =	shalt  }
0x67: {  	_ =	shalt  }
0x68: {  	_ =	shalt  }
0x69: {  	_ =	shalt  }
0x6a: {  	_ =	shalt  }
0x6b: {  	_ =	shalt  }
0x6c: {  	_ =	shalt  }
0x6d: {  	_ =	shalt  }
0x6e: {  	_ =	shalt  }
0x6f: {  	_ =	shalt  }
0x70: {  	_ =	shalt  }
0x71: {  	_ =	shalt  }
0x72: {  	_ =	shalt  }
0x73: {  	_ =	shalt  }
0x74: {  	_ =	shalt  }
0x75: {  	_ =	shalt  }
0x76: {  	_ =	shalt  }
0x77: {  	_ =	shalt  }
0x78: {  	_ =	shalt  }
0x79: {  	_ =	shalt  }
0x7a: {  	_ =	shalt  }
0x7b: {  	_ =	shalt  }
0x7c: {  	_ =	shalt  }
0x7d: {  	_ =	shalt  }
0x7e: {  	_ =	shalt  }
0x7f: {  	_ =	shalt  }
0x80: {  	_ =	shalt  }
0x81: {  	_ =	shalt  }
0x82: {  	_ =	shalt  }
0x83: {  	_ =	shalt  }
0x84: {  	_ =	shalt  }
0x85: {  	_ =	shalt  }
0x86: {  	_ =	shalt  }
0x87: {  	_ =	shalt  }
.Lfunc_end0:
.L_simem_size_0:
called_computation_lowered:
.L_overlay_start_0:
0x88: {  	s2 =	sld [smem:$0x3FD9]  }
0x89: {  	s3 =	sld [smem:$0x3FFE];
	_ =	sdelay $0x1  }
0x8a: {  	s1 =	srdreg.scid  }
0x8b: {  	s0 =	sand.u32 $0x1, s1  }
0x8c: {  	s14 =	sshll.u32 s0, $0xA;
	s2 =	sadd.s32 s3, s2  }
0x8d: {  	s2 =	sadd.s32 s2, s14  }
0x8e: {  	[smem:$0x3FC6] =	sst s2  }
0x8f: {  	_ = 	snop  }
0x90: {  	s2 =	sld [smem:$0x3FD0];
	_ =	sdelay $0x2  }
0x91: {  	s15 =	simm.s32 $0xA;
	s4 =	simm.s32 $0x10  }
0x92: {  	[smem:s4], [sflag:s15] =	dma.local [hbm:s2], $0x1  }
0x93: {  	_ =	swait.eq [sflag:s15], $0x1  }
0x94: {  	[sflag:s15] =	ssyncset.done $0x0  }
0x95: {  	[sflag:s15] =	ssyncadd.s32 $0xFFFFFFFF  }
0x96: {  	s16 =	sld [smem:$0x11];
	(tm) =	ssettm $0x1  }
0x97: {  	s17 =	sld [smem:$0x3FFB];
	_ =	sdelay $0x3  }
0x98: {  	_ =	strace s17  }
0x99: {  	s3 =	sld [smem:$0x3FFC];
	_ =	sdelay $0x3  }
0x9a: {  	_ =	strace s3  }
0x9b: {  	s3 =	sld [smem:$0x3FFD];
	_ =	sdelay $0x3  }
0x9c: {  	_ =	strace s3  }
0x9d: {  	_ =	strace $0x8FFFFFFF  }
0x9e: {  	s18 =	sld [smem:$0x3FDB];
	_ =	sdelay $0x1  }
0x9f: {  	s19 =	simm.s32 $_scs_section_size  }
0xa0: {  	s5 =	simm.s32 $_size__tile_overlayer_lowered;
	s6 =	simm.s32 $_tile_overlayer_lowered  }
0xa1: {  	s22 =	simm.s32 $0x1BFF;
	s21 =	sshll.u32 s6, $0x1;
	s3 =	sadd.s32 s19, s18  }
0xa2: {  	s7 =	simm.s32 $0x0;
	s20 =	sshll.u32 s5, $0x1;
	s5 =	sadd.s32 s21, s3  }
0xa3: {  	[timem:s7], [sflag:s22] =	dma.local [hbm:s5], s20  }
0xa4: {  	_ =	swait.ge [sflag:s22], s20  }
0xa5: {  	s4 =	ssub.s32 $0x0, s20;
	[sflag:s22] =	ssyncset.done $0x0  }
0xa6: {  	[sflag:s22] =	ssyncadd.s32 s4;
	_ =	sdelay $0x1  }
0xa7: {  	s23 =	simm.s32 $0x1B8B  }
0xa8: {  	_ =	swait.ge [sflag:s23], $0x1  }
0xa9: {  	[sflag:s23] =	ssyncset.done $0x0  }
0xaa: {  	s25 =	simm.s32 $0x1B8E;
	s24 =	sld [smem:$0x3FFE];
	[sflag:s23] =	ssyncadd.s32 $0xFFFFFFFF  }
0xab: {  	s26 =	simm.s32 $execute0_lowered;
	[smem:$0x3FD2] =	sst s25  }
0xac: {  	s5 =	sshll.u32 s26, $0x1;
	_ =	strace $0x80000046;
	[dreg:$0x1] =	wrdreg $0xFFFFFFFF  }
0xad: {  	s28 =	simm.s32 $_size_execute0_lowered;
	s3 =	sadd.s32 s3, s5;
	[dreg:$0x0] =	wrdreg $0x0  }
0xae: {  	s5 =	sshll.u32 s28, $0x1;
	[dreg:$0x2] =	wrdreg s3  }
0xaf: {  	[dreg:$0x3] =	wrdreg s5  }
0xb0: {  	[dreg:$0x4] =	wrdreg $0xC0  }
0xb1: {  	_ =	task [dreg:s7], $0x5FFFF  }
0xb2: {  	[dreg:$0x1] =	wrdreg $0xFFFFFFFF  }
0xb3: {  	[dreg:$0x0] =	wrdreg $0x60  }
0xb4: {  	[dreg:$0x2] =	wrdreg s16  }
0xb5: {  	[dreg:$0x3] =	wrdreg s24  }
0xb6: {  	[dreg:$0x4] =	wrdreg $0x98800  }
0xb7: {  	[dreg:$0x5] =	wrdreg $0x198800  }
0xb8: {  	[dreg:$0x6] =	wrdreg $0x9  }
0xb9: {  	_ =	task.clear_ibuf [dreg:s7], $0x7FFFF;
	_ =	strace $0x90000046  }
0xba: {  	s29 =	simm.s32 $0x9;
	_ =	strace $0x80000048  }
0xbb: {  	_ =	swait.ge [sflag:s29], $0x1  }
0xbc: {  	[sflag:s29] =	ssyncadd.s32 $0xFFFFFFFF  }
0xbd: {  	_ =	strace $0x90000048  }
0xbe: {  	_ =	sfence  }
0xbf: {  	s30 =	sld [smem:$0x0];
	_ =	sdelay $0x2  }
0xc0: {  	s31 =	sshll.u32 s1, $0xD;
	s1 =	sshrl.u32 s1, $0x2  }
0xc1: {  	s3 =	sand.u32 $0x4000, s31;
	s1 =	sadd.s32 s1, s30  }
0xc2: {  	s0 =	sor.u32 s3, s0;
	s1 =	sshll.u32 s1, $0x11  }
0xc3: {  	s0 =	sor.u32 s1, s0  }
0xc4: {  	s0 =	sadd.s32 $0x8F2B, s0  }
0xc5: {  	[sflag:s0] =	ssyncadd.remote.s32 $0x1  }
0xc6: {  	_ =	sfence.sel $0xFFFF  }
0xc7: {  	[dreg:$0x0] =	wrdreg $0xFFFFFFFF;
	(pc) =	sbr.abs _section_cstart, $3  }
0xc8: {  	[dreg:$0x1] =	wrdreg $0xFFFFFFFF  }
0xc9: {  	_ =	task.clear_ibuf [dreg:s7], $0x2FFFF;
	_ =	strace $0x9FFFFFFF  }
0xca: {  	(tm) =	ssettm $0x7FFFFFFF  }
0xcb: {  	_ =	shalt  }
tec
execute0_lowered:
.L_overlay_start_1:
0x0: {  	(tag) =	ssettag $0x1  }
0x1: {  	s0 =	rddreg [dreg:$0x0]  }
0x2: {  	s3 =	rddreg [dreg:$0x1]  }
0x3: {  	s1 =	rddreg [dreg:$0x2]  }
0x4: {  	s2 =	rddreg [dreg:$0x3];
	s4 =	simm.s32 $0x0  }
0x5: {  	s5 =	srdreg.scid;
	s15 =	stileid.u32;
	s31 =	simm.s32 $0x5000  }
0x6: {  	[smem:$0x7FF] =	sst s4;
	s5 =	sand.u32 $0x1, s5;
	s6 =	sshll.u32 s15, $0x9  }
0x7: {  	s8 =	sshll.u32 s15, $0x11;
	s9 =	sadd.s32 $0x29200, s3;
	s20 =	sadd.s32 $0x29400, s3  }
0x8: {  	s21 =	sadd.s32 $0x29C00, s3;
	s13 =	sshll.u32 s15, $0x12;
	s23 =	sshll.u32 s15, $0x8  }
0x9: {  	s24 =	sshll.u32 s15, $0xB;
	_ =	strace $0x80000047;
	[dreg:$0x5] =	wrdreg s9  }
0xa: {  	s15 =	simm.s32 $0x2000;
	s7 =	sshll.u32 s5, $0x5;
	[dreg:$0x6] =	wrdreg s20  }
0xb: {  	s6 =	sadd.s32 s6, s3;
	[dreg:$0x7] =	wrdreg s21;
	s22 =	ssub.s32 $0x2, s5  }
0xc: {  	s11 =	sshrl.u32 s13, $0x2;
	p0 =	sne.s32 s5, $0x0;
	s5 =	simm.s32 $0x9080  }
0xd: {  	s8 =	sor.u32 s7, s8;
	s10 =	sshrl.u32 s22, $0x1;
	s25 =	sadd.s32 $0x1200, s6  }
0xe: {  	s17 =	sadd.s32 $0x3200, s6;
	s7 =	sor.u32 s7, s13;
	[dreg:$0x8] =	wrdreg s25  }
0xf: {  	s20 =	sadd.s32 $0x5200, s6;
	s13 =	simm.s32 $0x80;
	[dreg:$0xb] =	wrdreg s17  }
0x10: {  	s8 =	sshrl.u32 s8, $0x3;
	s14 =	ssub.s32 s22, s10;
	[dreg:$0xe] =	wrdreg s20  }
0x11: {  	s12 =	sadd.s32 s8, s3;
	s3 =	sadd.s32 s23, s3;
	s23 =	sadd.s32 $0x7200, s6  }
0x12: {  	s7 =	sshrl.u32 s7, $0x3;
	s26 =	sadd.s32 $0x29E00, s12;
	[dreg:$0x11] =	wrdreg s23  }
0x13: {  	s20 =	simm.s32 $0x0;
	s16 =	sadd.s32 $0x129E00, s3;
	[dreg:$0x9] =	wrdreg s26  }
0x14: {  	s8 =	sadd.s32 s11, s1;
	s18 =	sadd.s32 $0x69E00, s12;
	[dreg:$0xa] =	wrdreg s16  }
0x15: {  	s11 =	sadd.s32 s24, s2;
	s19 =	sadd.s32 $0x12AE00, s3;
	[dreg:$0xc] =	wrdreg s18  }
0x16: {  	s9 =	sadd.s32 $0x4000, s8;
	s21 =	sadd.s32 $0xA9E00, s12;
	[dreg:$0xd] =	wrdreg s19  }
0x17: {  	s10 =	sadd.s32 $0x8000, s8;
	s22 =	sadd.s32 $0x12BE00, s3;
	[dreg:$0xf] =	wrdreg s21  }
0x18: {  	s24 =	sadd.s32 $0xE9E00, s12;
	s25 =	sadd.s32 $0x12CE00, s3;
	[dreg:$0x10] =	wrdreg s22  }
0x19: {  	s3 =	simm.s32 $0x5080;
	s12 =	simm.s32 $0x40;
	[dreg:$0x12] =	wrdreg s24  }
0x1a: {  	s19 =	sadd.s32 s7, s0;
	[dreg:$0x13] =	wrdreg s25;
	s26 =	smax.u32 s14, $0x1  }
0x1b: {  	s0 =	simm.s32 $0x1;
	s7 =	simm.s32 $0x20;
	s14 =	simm.s32 $0x1000  }
0x1c: {  	s16 =	simm.s32 $0x3000;
	[dreg:$0x14] =	wrdreg s26;
	s26 =	sadd.s32 $0xC000, s8  }
0x1d: {  	s28 =	sadd.s32 $0x80000, s19;
	s29 =	sadd.s32 $0x100000, s19;
	s30 =	sadd.s32 $0x180000, s19  }
.LBB2_1:
0x1e: {  	s6 =	rddreg [dreg:$0x5]  }
0x1f: {  	[tilespmem:s31], [sflag:$0x1] =	stream.linear.gather [hbm4b:s6+s4], $0x80, $0x38;
	[tilespmem:$0x1A080] =	vst v63  }
0x20: {  	_ =	swait.ge [sflag:s0], $0x80  }
0x21: {  	[sflag:s0] =	ssyncset.done $0x0  }
0x22: {  	s25 =	rddreg [dreg:$0x6];
	[sflag:s0] =	ssyncadd.s32 $0xFFFFFF80  }
0x23: {  	[tilespmem:s3], [sflag:$0x1] =	stream.linear.gather [hbm4b:s25+s4], $0x4000, $0x38;
	[tilespmem:$0x1A080] =	vst v63  }
0x24: {  	_ =	swait.ge [sflag:s0], $0x4000  }
0x25: {  	[sflag:s0] =	ssyncset.done $0x0  }
0x26: {  	s17 =	rddreg [dreg:$0x7];
	[sflag:s0] =	ssyncadd.s32 $0xFFFFC000  }
0x27: {  	[tilespmem:s5], [sflag:$0x1] =	stream.linear.gather [hbm4b:s17+s4], $0x800, $0x38;
	[tilespmem:$0x1A080] =	vst v63  }
0x28: {  	_ =	swait.ge [sflag:s0], $0x800  }
0x29: {  	[sflag:s0] =	ssyncset.done $0x0  }
0x2a: {  	[sflag:s0] =	ssyncadd.s32 $0xFFFFF800  }
0x2b: {  	[spmem:s8] =	stream.linear.scatter [tilespmem:s3], [sflag:$0x1], $0x4000, $0x38;
	[tilespmem:$0x1A080] =	vst v63  }
0x2c: {  	_ =	swait.ge [sflag:s0], $0x4000  }
0x2d: {  	[sflag:s0] =	ssyncset.done $0x0  }
0x2e: {  	[sflag:s0] =	ssyncadd.s32 $0xFFFFC000  }
0x2f: {  	[spmem:s9] =	stream.linear.scatter [tilespmem:s3], [sflag:$0x1], $0x4000, $0x38;
	[tilespmem:$0x1A080] =	vst v63  }
0x30: {  	_ =	swait.ge [sflag:s0], $0x4000  }
0x31: {  	[sflag:s0] =	ssyncset.done $0x0  }
0x32: {  	[sflag:s0] =	ssyncadd.s32 $0xFFFFC000  }
0x33: {  	[spmem:s10] =	stream.linear.scatter [tilespmem:s3], [sflag:$0x1], $0x4000, $0x38;
	[tilespmem:$0x1A080] =	vst v63  }
0x34: {  	_ =	swait.ge [sflag:s0], $0x4000  }
0x35: {  	[sflag:s0] =	ssyncset.done $0x0  }
0x36: {  	[sflag:s0] =	ssyncadd.s32 $0xFFFFC000  }
0x37: {  	[spmem:s26] =	stream.linear.scatter [tilespmem:s3], [sflag:$0x1], $0x4000, $0x38;
	[tilespmem:$0x1A080] =	vst v63  }
0x38: {  	_ =	swait.ge [sflag:s0], $0x4000  }
0x39: {  	[sflag:s0] =	ssyncset.done $0x0  }
0x3a: {  	[sflag:s0] =	ssyncadd.s32 $0xFFFFC000  }
0x3b: {  	[spmem:s11] =	stream.linear.scatter [tilespmem:s5], [sflag:$0x1], $0x800, $0x38;
	[tilespmem:$0x1A080] =	vst v63  }
0x3c: {  	_ =	swait.ge [sflag:s0], $0x800  }
0x3d: {  	[sflag:s0] =	ssyncset.done $0x0  }
0x3e: {  	[sflag:s0] =	ssyncadd.s32 $0xFFFFF800  }
0x3f: {  	[bflag:$0x0] =	sbarrier.arrive $0xFFFF  }
0x40: {  	s17 =	simm.s32 $0x4000;
	s18 =	rddreg [dreg:$0x8]  }
0x41: {  	[tilespmem:s17], [sflag:$0x1] =	stream.linear.gather [hbm4b:s18+s4], $0x1000, $0x38;
	[tilespmem:$0x1A080] =	vst v63  }
0x42: {  	_ =	swait.ge [sflag:s0], $0x1000  }
0x43: {  	[sflag:s0] =	ssyncset.done $0x0  }
0x44: {  	s21 =	sadd.s32 $0x0, s19;
	[sflag:s0] =	ssyncadd.s32 $0xFFFFF000  }
0x45: {  	[tilespmem:s4], [sflag:$0x1] =	stream.strided.gather [hbm4b:s21+s7], $0x4000, s12, s7, $0x38;
	[tilespmem:$0x1A080] =	vst v63  }
0x46: {  	_ =	swait.ge [sflag:s0], $0x4000  }
0x47: {  	[sflag:s0] =	ssyncset.done $0x0  }
0x48: {  	s22 =	simm.s32 $0x4000;
	[sflag:s0] =	ssyncadd.s32 $0xFFFFC000  }
0x49: {  	[spmem:s1] =	stream.indirect.scatter.add.f32 [tilespmem:s4], [sflag:$0x1], $0x20, s22, s13, $0xb8;
	[tilespmem:$0x1A080] =	vst v63  }
0x4a: {  	_ =	swait.ge [sflag:s0], $0x1000  }
0x4b: {  	[sflag:s0] =	ssyncset.done $0x0  }
0x4c: {  	[sflag:s0] =	ssyncadd.s32 $0xFFFFF000  }
0x4d: {  	[spmem:s2] =	stream.indirect.scatter.add.f32 [tilespmem:s31], [sflag:$0x1], $0x1, s22, s13, $0xb8;
	[tilespmem:$0x1A080] =	vst v63  }
0x4e: {  	_ =	swait.ge [sflag:s0], $0x80  }
0x4f: {  	[sflag:s0] =	ssyncset.done $0x0  }
0x50: {  	s23 =	simm.s32 $0x4080;
	[sflag:s0] =	ssyncadd.s32 $0xFFFFFF80  }
0x51: {  	[spmem:s1] =	stream.indirect.scatter.add.f32 [tilespmem:s14], [sflag:$0x1], $0x20, s23, s13, $0xb8;
	[tilespmem:$0x1A080] =	vst v63  }
0x52: {  	_ =	swait.ge [sflag:s0], $0x1000  }
0x53: {  	[sflag:s0] =	ssyncset.done $0x0  }
0x54: {  	[sflag:s0] =	ssyncadd.s32 $0xFFFFF000  }
0x55: {  	[spmem:s2] =	stream.indirect.scatter.add.f32 [tilespmem:s31], [sflag:$0x1], $0x1, s23, s13, $0xb8;
	[tilespmem:$0x1A080] =	vst v63  }
0x56: {  	_ =	swait.ge [sflag:s0], $0x80  }
0x57: {  	[sflag:s0] =	ssyncset.done $0x0  }
0x58: {  	s24 =	simm.s32 $0x4100;
	[sflag:s0] =	ssyncadd.s32 $0xFFFFFF80  }
0x59: {  	[spmem:s1] =	stream.indirect.scatter.add.f32 [tilespmem:s15], [sflag:$0x1], $0x20, s24, s13, $0xb8;
	[tilespmem:$0x1A080] =	vst v63  }
0x5a: {  	_ =	swait.ge [sflag:s0], $0x1000  }
0x5b: {  	[sflag:s0] =	ssyncset.done $0x0  }
0x5c: {  	[sflag:s0] =	ssyncadd.s32 $0xFFFFF000  }
0x5d: {  	[spmem:s2] =	stream.indirect.scatter.add.f32 [tilespmem:s31], [sflag:$0x1], $0x1, s24, s13, $0xb8;
	[tilespmem:$0x1A080] =	vst v63  }
0x5e: {  	_ =	swait.ge [sflag:s0], $0x80  }
0x5f: {  	[sflag:s0] =	ssyncset.done $0x0  }
0x60: {  	s25 =	simm.s32 $0x4180;
	[sflag:s0] =	ssyncadd.s32 $0xFFFFFF80  }
0x61: {  	[spmem:s1] =	stream.indirect.scatter.add.f32 [tilespmem:s16], [sflag:$0x1], $0x20, s25, s13, $0xb8;
	[tilespmem:$0x1A080] =	vst v63  }
0x62: {  	_ =	swait.ge [sflag:s0], $0x1000  }
0x63: {  	[sflag:s0] =	ssyncset.done $0x0  }
0x64: {  	[sflag:s0] =	ssyncadd.s32 $0xFFFFF000  }
0x65: {  	[spmem:s2] =	stream.indirect.scatter.add.f32 [tilespmem:s31], [sflag:$0x1], $0x1, s25, s13, $0xb8;
	[tilespmem:$0x1A080] =	vst v63  }
0x66: {  	s6 =	simm.s32 $0x2000;
	_ =	swait.ge [sflag:s0], $0x80  }
0x67: {  	s21 =	simm.s32 $0x4380;
	s22 =	simm.s32 $0x1000;
	[sflag:s0] =	ssyncset.done $0x0  }
.LBB2_2:
0x68: {  	s17 =	sadd.s32 s22, s19  }
0x69: {  	[sflag:s0] =	ssyncadd.s32 $0xFFFFFF80;
	s22 =	smov.u32 s6;
	s23 =	sadd.s32 $0x1000, s6  }
0x6a: {  	[tilespmem:s4], [sflag:$0x1] =	stream.strided.gather [hbm4b:s17+s7], $0x4000, s12, s7, $0x38;
	[tilespmem:$0x1A080] =	vst v63  }
0x6b: {  	p1 =	sne.s32 s6, $0x7000;
	_ =	swait.ge [sflag:s0], $0x4000  }
0x6c: {  	[sflag:s0] =	ssyncset.done $0x0  }
0x6d: {  	s6 =	sadd.s32 $0xFFFFFE80, s21;
	[sflag:s0] =	ssyncadd.s32 $0xFFFFC000  }
0x6e: {  	[spmem:s1] =	stream.indirect.scatter.add.f32 [tilespmem:s4], [sflag:$0x1], $0x20, s6, s13, $0xb8;
	[tilespmem:$0x1A080] =	vst v63  }
0x6f: {  	_ =	swait.ge [sflag:s0], $0x1000  }
0x70: {  	[sflag:s0] =	ssyncset.done $0x0  }
0x71: {  	[sflag:s0] =	ssyncadd.s32 $0xFFFFF000  }
0x72: {  	[spmem:s2] =	stream.indirect.scatter.add.f32 [tilespmem:s31], [sflag:$0x1], $0x1, s6, s13, $0xb8;
	[tilespmem:$0x1A080] =	vst v63  }
0x73: {  	_ =	swait.ge [sflag:s0], $0x80  }
0x74: {  	[sflag:s0] =	ssyncset.done $0x0  }
0x75: {  	s6 =	sadd.s32 $0xFFFFFF00, s21;
	[sflag:s0] =	ssyncadd.s32 $0xFFFFFF80  }
0x76: {  	[spmem:s1] =	stream.indirect.scatter.add.f32 [tilespmem:s14], [sflag:$0x1], $0x20, s6, s13, $0xb8;
	[tilespmem:$0x1A080] =	vst v63  }
0x77: {  	_ =	swait.ge [sflag:s0], $0x1000  }
0x78: {  	[sflag:s0] =	ssyncset.done $0x0  }
0x79: {  	[sflag:s0] =	ssyncadd.s32 $0xFFFFF000  }
0x7a: {  	[spmem:s2] =	stream.indirect.scatter.add.f32 [tilespmem:s31], [sflag:$0x1], $0x1, s6, s13, $0xb8;
	[tilespmem:$0x1A080] =	vst v63  }
0x7b: {  	_ =	swait.ge [sflag:s0], $0x80  }
0x7c: {  	[sflag:s0] =	ssyncset.done $0x0  }
0x7d: {  	s6 =	sadd.s32 $0xFFFFFF80, s21;
	[sflag:s0] =	ssyncadd.s32 $0xFFFFFF80  }
0x7e: {  	[spmem:s1] =	stream.indirect.scatter.add.f32 [tilespmem:s15], [sflag:$0x1], $0x20, s6, s13, $0xb8;
	[tilespmem:$0x1A080] =	vst v63  }
0x7f: {  	_ =	swait.ge [sflag:s0], $0x1000  }
0x80: {  	[sflag:s0] =	ssyncset.done $0x0  }
0x81: {  	[sflag:s0] =	ssyncadd.s32 $0xFFFFF000  }
0x82: {  	[spmem:s2] =	stream.indirect.scatter.add.f32 [tilespmem:s31], [sflag:$0x1], $0x1, s6, s13, $0xb8;
	[tilespmem:$0x1A080] =	vst v63  }
0x83: {  	_ =	swait.ge [sflag:s0], $0x80  }
0x84: {  	[sflag:s0] =	ssyncset.done $0x0  }
0x85: {  	[sflag:s0] =	ssyncadd.s32 $0xFFFFFF80  }
0x86: {  	[spmem:s1] =	stream.indirect.scatter.add.f32 [tilespmem:s16], [sflag:$0x1], $0x20, s21, s13, $0xb8;
	[tilespmem:$0x1A080] =	vst v63  }
0x87: {  	_ =	swait.ge [sflag:s0], $0x1000  }
.Ltmp0:
0x88: {  	[sflag:s0] =	ssyncset.done $0x0;
	(pc) =	sbr.rel @p1 .LBB2_2-.Ltmp0, $4  }
0x89: {  	[sflag:s0] =	ssyncadd.s32 $0xFFFFF000  }
0x8a: {  	[spmem:s2] =	stream.indirect.scatter.add.f32 [tilespmem:s31], [sflag:$0x1], $0x1, s21, s13, $0xb8;
	[tilespmem:$0x1A080] =	vst v63  }
0x8b: {  	_ =	swait.ge [sflag:s0], $0x80  }
0x8c: {  	s6 =	smov.u32 s23;
	s21 =	sadd.s32 $0x200, s21;
	[sflag:s0] =	ssyncset.done $0x0  }
0x8d: {  	s6 =	sadd.s32 s22, s19;
	[sflag:s0] =	ssyncadd.s32 $0xFFFFFF80  }
0x8e: {  	[tilespmem:s4], [sflag:$0x1] =	stream.strided.gather [hbm4b:s6+s7], $0x4000, s12, s7, $0x38;
	[tilespmem:$0x1A080] =	vst v63  }
0x8f: {  	_ =	swait.ge [sflag:s0], $0x4000  }
0x90: {  	[sflag:s0] =	ssyncset.done $0x0  }
0x91: {  	s18 =	sadd.s32 $0xFFFFFE80, s21;
	[sflag:s0] =	ssyncadd.s32 $0xFFFFC000  }
0x92: {  	[spmem:s1] =	stream.indirect.scatter.add.f32 [tilespmem:s4], [sflag:$0x1], $0x20, s18, s13, $0xb8;
	[tilespmem:$0x1A080] =	vst v63  }
0x93: {  	_ =	swait.ge [sflag:s0], $0x1000  }
0x94: {  	[sflag:s0] =	ssyncset.done $0x0  }
0x95: {  	[sflag:s0] =	ssyncadd.s32 $0xFFFFF000  }
0x96: {  	[spmem:s2] =	stream.indirect.scatter.add.f32 [tilespmem:s31], [sflag:$0x1], $0x1, s18, s13, $0xb8;
	[tilespmem:$0x1A080] =	vst v63  }
0x97: {  	_ =	swait.ge [sflag:s0], $0x80  }
0x98: {  	[sflag:s0] =	ssyncset.done $0x0  }
0x99: {  	s22 =	sadd.s32 $0xFFFFFF00, s21;
	[sflag:s0] =	ssyncadd.s32 $0xFFFFFF80  }
0x9a: {  	[spmem:s1] =	stream.indirect.scatter.add.f32 [tilespmem:s14], [sflag:$0x1], $0x20, s22, s13, $0xb8;
	[tilespmem:$0x1A080] =	vst v63  }
0x9b: {  	_ =	swait.ge [sflag:s0], $0x1000  }
0x9c: {  	[sflag:s0] =	ssyncset.done $0x0  }
0x9d: {  	[sflag:s0] =	ssyncadd.s32 $0xFFFFF000  }
0x9e: {  	[spmem:s2] =	stream.indirect.scatter.add.f32 [tilespmem:s31], [sflag:$0x1], $0x1, s22, s13, $0xb8;
	[tilespmem:$0x1A080] =	vst v63  }
0x9f: {  	_ =	swait.ge [sflag:s0], $0x80  }
0xa0: {  	[sflag:s0] =	ssyncset.done $0x0  }
0xa1: {  	s23 =	sadd.s32 $0xFFFFFF80, s21;
	[sflag:s0] =	ssyncadd.s32 $0xFFFFFF80  }
0xa2: {  	[spmem:s1] =	stream.indirect.scatter.add.f32 [tilespmem:s15], [sflag:$0x1], $0x20, s23, s13, $0xb8;
	[tilespmem:$0x1A080] =	vst v63  }
0xa3: {  	_ =	swait.ge [sflag:s0], $0x1000  }
0xa4: {  	[sflag:s0] =	ssyncset.done $0x0  }
0xa5: {  	[sflag:s0] =	ssyncadd.s32 $0xFFFFF000  }
0xa6: {  	[spmem:s2] =	stream.indirect.scatter.add.f32 [tilespmem:s31], [sflag:$0x1], $0x1, s23, s13, $0xb8;
	[tilespmem:$0x1A080] =	vst v63  }
0xa7: {  	_ =	swait.ge [sflag:s0], $0x80  }
0xa8: {  	[sflag:s0] =	ssyncset.done $0x0  }
0xa9: {  	[sflag:s0] =	ssyncadd.s32 $0xFFFFFF80  }
0xaa: {  	[spmem:s1] =	stream.indirect.scatter.add.f32 [tilespmem:s16], [sflag:$0x1], $0x20, s21, s13, $0xb8;
	[tilespmem:$0x1A080] =	vst v63  }
0xab: {  	_ =	swait.ge [sflag:s0], $0x1000  }
0xac: {  	[sflag:s0] =	ssyncset.done $0x0  }
0xad: {  	[sflag:s0] =	ssyncadd.s32 $0xFFFFF000  }
0xae: {  	[spmem:s2] =	stream.indirect.scatter.add.f32 [tilespmem:s31], [sflag:$0x1], $0x1, s21, s13, $0xb8;
	[tilespmem:$0x1A080] =	vst v63  }
0xaf: {  	_ =	swait.ge [sflag:s0], $0x80  }
0xb0: {  	[sflag:s0] =	ssyncset.done $0x0  }
0xb1: {  	s24 =	stileid.u32;
	s17 =	simm.s32 $0x8;
	[sflag:s0] =	ssyncadd.s32 $0xFFFFFF80  }
0xb2: {  	s6 =	sshll.u32 s24, $0x6;
	s18 =	simm.s32 $0x4;
	[bflag:$0x0] =	sbarrier.arrive $0xFFFF  }
0xb3: {  	s22 =	sshrl.u32 s8, $0x3;
	s21 =	sor.u32 $0x1C01, s6;
	s25 =	rddreg [dreg:$0x9]  }
0xb4: {  	[hbm:s25@s17], [sflag:s21] =	dma.strided [spmem:s22@s18], $0x2000, s0, $0x4   }
0xb5: {  	_ =	swait.ge [sflag:s0], $0x2000  }
0xb6: {  	[sflag:s0] =	ssyncset.done $0x0  }
0xb7: {  	s23 =	sshrl.u32 @!p0 s11, $0x3;
	s6 =	rddreg [dreg:$0xa];
	[sflag:s0] =	ssyncadd.s32 $0xFFFFE000  }
0xb8: {  	[hbm:s6], [sflag:s21] =	dma.local @!p0 [spmem:s23], $0x100  }
0xb9: {  	s6 =	simm.s32 @!p0 $0x1  }
0xba: {  	_ =	swait.ge @!p0 [sflag:s6], $0x100  }
0xbb: {  	[sflag:s6] =	ssyncset.done @!p0 $0x0  }
0xbc: {  	[sflag:s6] =	ssyncadd.s32 @!p0 $0xFFFFFF00  }
0xbd: {  	[spmem:s8] =	stream.linear.scatter [tilespmem:s3], [sflag:$0x1], $0x4000, $0x38;
	[tilespmem:$0x1A080] =	vst v63  }
0xbe: {  	_ =	swait.ge [sflag:s0], $0x4000  }
0xbf: {  	[sflag:s0] =	ssyncset.done $0x0  }
0xc0: {  	[sflag:s0] =	ssyncadd.s32 $0xFFFFC000  }
0xc1: {  	[spmem:s9] =	stream.linear.scatter [tilespmem:s3], [sflag:$0x1], $0x4000, $0x38;
	[tilespmem:$0x1A080] =	vst v63  }
0xc2: {  	_ =	swait.ge [sflag:s0], $0x4000  }
0xc3: {  	[sflag:s0] =	ssyncset.done $0x0  }
0xc4: {  	[sflag:s0] =	ssyncadd.s32 $0xFFFFC000  }
0xc5: {  	[spmem:s10] =	stream.linear.scatter [tilespmem:s3], [sflag:$0x1], $0x4000, $0x38;
	[tilespmem:$0x1A080] =	vst v63  }
0xc6: {  	_ =	swait.ge [sflag:s0], $0x4000  }
0xc7: {  	[sflag:s0] =	ssyncset.done $0x0  }
0xc8: {  	[sflag:s0] =	ssyncadd.s32 $0xFFFFC000  }
0xc9: {  	[spmem:s26] =	stream.linear.scatter [tilespmem:s3], [sflag:$0x1], $0x4000, $0x38;
	[tilespmem:$0x1A080] =	vst v63  }
0xca: {  	_ =	swait.ge [sflag:s0], $0x4000  }
0xcb: {  	[sflag:s0] =	ssyncset.done $0x0  }
0xcc: {  	[sflag:s0] =	ssyncadd.s32 $0xFFFFC000  }
0xcd: {  	[spmem:s11] =	stream.linear.scatter [tilespmem:s5], [sflag:$0x1], $0x800, $0x38;
	[tilespmem:$0x1A080] =	vst v63  }
0xce: {  	_ =	swait.ge [sflag:s0], $0x800  }
0xcf: {  	[sflag:s0] =	ssyncset.done $0x0  }
0xd0: {  	[sflag:s0] =	ssyncadd.s32 $0xFFFFF800  }
0xd1: {  	[bflag:$0x0] =	sbarrier.arrive $0xFFFF  }
0xd2: {  	s24 =	simm.s32 $0x4000;
	s17 =	simm.s32 $0x0;
	s18 =	rddreg [dreg:$0xb]  }
0xd3: {  	[tilespmem:s24], [sflag:$0x1] =	stream.linear.gather [hbm4b:s18+s17], $0x1000, $0x38;
	[tilespmem:$0x1A080] =	vst v63  }
0xd4: {  	_ =	swait.ge [sflag:s0], $0x1000  }
0xd5: {  	[sflag:s0] =	ssyncset.done $0x0  }
0xd6: {  	s25 =	sadd.s32 $0x0, s28;
	[sflag:s0] =	ssyncadd.s32 $0xFFFFF000  }
0xd7: {  	[tilespmem:s4], [sflag:$0x1] =	stream.strided.gather [hbm4b:s25+s7], $0x4000, s12, s7, $0x38;
	[tilespmem:$0x1A080] =	vst v63  }
0xd8: {  	_ =	swait.ge [sflag:s0], $0x4000  }
0xd9: {  	[sflag:s0] =	ssyncset.done $0x0  }
0xda: {  	s17 =	simm.s32 $0x4000;
	[sflag:s0] =	ssyncadd.s32 $0xFFFFC000  }
0xdb: {  	[spmem:s1] =	stream.indirect.scatter.add.f32 [tilespmem:s4], [sflag:$0x1], $0x20, s17, s13, $0xb8;
	[tilespmem:$0x1A080] =	vst v63  }
0xdc: {  	_ =	swait.ge [sflag:s0], $0x1000  }
0xdd: {  	[sflag:s0] =	ssyncset.done $0x0  }
0xde: {  	[sflag:s0] =	ssyncadd.s32 $0xFFFFF000  }
0xdf: {  	[spmem:s2] =	stream.indirect.scatter.add.f32 [tilespmem:s31], [sflag:$0x1], $0x1, s17, s13, $0xb8;
	[tilespmem:$0x1A080] =	vst v63  }
0xe0: {  	_ =	swait.ge [sflag:s0], $0x80  }
0xe1: {  	[sflag:s0] =	ssyncset.done $0x0  }
0xe2: {  	s18 =	simm.s32 $0x4080;
	[sflag:s0] =	ssyncadd.s32 $0xFFFFFF80  }
0xe3: {  	[spmem:s1] =	stream.indirect.scatter.add.f32 [tilespmem:s14], [sflag:$0x1], $0x20, s18, s13, $0xb8;
	[tilespmem:$0x1A080] =	vst v63  }
0xe4: {  	_ =	swait.ge [sflag:s0], $0x1000  }
0xe5: {  	[sflag:s0] =	ssyncset.done $0x0  }
0xe6: {  	[sflag:s0] =	ssyncadd.s32 $0xFFFFF000  }
0xe7: {  	[spmem:s2] =	stream.indirect.scatter.add.f32 [tilespmem:s31], [sflag:$0x1], $0x1, s18, s13, $0xb8;
	[tilespmem:$0x1A080] =	vst v63  }
0xe8: {  	_ =	swait.ge [sflag:s0], $0x80  }
0xe9: {  	[sflag:s0] =	ssyncset.done $0x0  }
0xea: {  	s24 =	simm.s32 $0x4100;
	[sflag:s0] =	ssyncadd.s32 $0xFFFFFF80  }
0xeb: {  	[spmem:s1] =	stream.indirect.scatter.add.f32 [tilespmem:s15], [sflag:$0x1], $0x20, s24, s13, $0xb8;
	[tilespmem:$0x1A080] =	vst v63  }
0xec: {  	_ =	swait.ge [sflag:s0], $0x1000  }
0xed: {  	[sflag:s0] =	ssyncset.done $0x0  }
0xee: {  	[sflag:s0] =	ssyncadd.s32 $0xFFFFF000  }
0xef: {  	[spmem:s2] =	stream.indirect.scatter.add.f32 [tilespmem:s31], [sflag:$0x1], $0x1, s24, s13, $0xb8;
	[tilespmem:$0x1A080] =	vst v63  }
0xf0: {  	_ =	swait.ge [sflag:s0], $0x80  }
0xf1: {  	[sflag:s0] =	ssyncset.done $0x0  }
0xf2: {  	s25 =	simm.s32 $0x4180;
	[sflag:s0] =	ssyncadd.s32 $0xFFFFFF80  }
0xf3: {  	[spmem:s1] =	stream.indirect.scatter.add.f32 [tilespmem:s16], [sflag:$0x1], $0x20, s25, s13, $0xb8;
	[tilespmem:$0x1A080] =	vst v63  }
0xf4: {  	_ =	swait.ge [sflag:s0], $0x1000  }
0xf5: {  	[sflag:s0] =	ssyncset.done $0x0  }
0xf6: {  	[sflag:s0] =	ssyncadd.s32 $0xFFFFF000  }
0xf7: {  	[spmem:s2] =	stream.indirect.scatter.add.f32 [tilespmem:s31], [sflag:$0x1], $0x1, s25, s13, $0xb8;
	[tilespmem:$0x1A080] =	vst v63  }
0xf8: {  	s6 =	simm.s32 $0x2000;
	_ =	swait.ge [sflag:s0], $0x80  }
0xf9: {  	s24 =	simm.s32 $0x4380;
	s25 =	simm.s32 $0x1000;
	[sflag:s0] =	ssyncset.done $0x0  }
.LBB2_4:
0xfa: {  	s18 =	sadd.s32 s25, s28  }
0xfb: {  	[sflag:s0] =	ssyncadd.s32 $0xFFFFFF80;
	s25 =	smov.u32 s6;
	s17 =	sadd.s32 $0x1000, s6  }
0xfc: {  	[tilespmem:s4], [sflag:$0x1] =	stream.strided.gather [hbm4b:s18+s7], $0x4000, s12, s7, $0x38;
	[tilespmem:$0x1A080] =	vst v63  }
0xfd: {  	p1 =	sne.s32 s6, $0x7000;
	_ =	swait.ge [sflag:s0], $0x4000  }
0xfe: {  	[sflag:s0] =	ssyncset.done $0x0  }
0xff: {  	s6 =	sadd.s32 $0xFFFFFE80, s24;
	[sflag:s0] =	ssyncadd.s32 $0xFFFFC000  }
0x100: {  	[spmem:s1] =	stream.indirect.scatter.add.f32 [tilespmem:s4], [sflag:$0x1], $0x20, s6, s13, $0xb8;
	[tilespmem:$0x1A080] =	vst v63  }
0x101: {  	_ =	swait.ge [sflag:s0], $0x1000  }
0x102: {  	[sflag:s0] =	ssyncset.done $0x0  }
0x103: {  	[sflag:s0] =	ssyncadd.s32 $0xFFFFF000  }
0x104: {  	[spmem:s2] =	stream.indirect.scatter.add.f32 [tilespmem:s31], [sflag:$0x1], $0x1, s6, s13, $0xb8;
	[tilespmem:$0x1A080] =	vst v63  }
0x105: {  	_ =	swait.ge [sflag:s0], $0x80  }
0x106: {  	[sflag:s0] =	ssyncset.done $0x0  }
0x107: {  	s6 =	sadd.s32 $0xFFFFFF00, s24;
	[sflag:s0] =	ssyncadd.s32 $0xFFFFFF80  }
0x108: {  	[spmem:s1] =	stream.indirect.scatter.add.f32 [tilespmem:s14], [sflag:$0x1], $0x20, s6, s13, $0xb8;
	[tilespmem:$0x1A080] =	vst v63  }
0x109: {  	_ =	swait.ge [sflag:s0], $0x1000  }
0x10a: {  	[sflag:s0] =	ssyncset.done $0x0  }
0x10b: {  	[sflag:s0] =	ssyncadd.s32 $0xFFFFF000  }
0x10c: {  	[spmem:s2] =	stream.indirect.scatter.add.f32 [tilespmem:s31], [sflag:$0x1], $0x1, s6, s13, $0xb8;
	[tilespmem:$0x1A080] =	vst v63  }
0x10d: {  	_ =	swait.ge [sflag:s0], $0x80  }
0x10e: {  	[sflag:s0] =	ssyncset.done $0x0  }
0x10f: {  	s6 =	sadd.s32 $0xFFFFFF80, s24;
	[sflag:s0] =	ssyncadd.s32 $0xFFFFFF80  }
0x110: {  	[spmem:s1] =	stream.indirect.scatter.add.f32 [tilespmem:s15], [sflag:$0x1], $0x20, s6, s13, $0xb8;
	[tilespmem:$0x1A080] =	vst v63  }
0x111: {  	_ =	swait.ge [sflag:s0], $0x1000  }
0x112: {  	[sflag:s0] =	ssyncset.done $0x0  }
0x113: {  	[sflag:s0] =	ssyncadd.s32 $0xFFFFF000  }
0x114: {  	[spmem:s2] =	stream.indirect.scatter.add.f32 [tilespmem:s31], [sflag:$0x1], $0x1, s6, s13, $0xb8;
	[tilespmem:$0x1A080] =	vst v63  }
0x115: {  	_ =	swait.ge [sflag:s0], $0x80  }
0x116: {  	[sflag:s0] =	ssyncset.done $0x0  }
0x117: {  	[sflag:s0] =	ssyncadd.s32 $0xFFFFFF80  }
0x118: {  	[spmem:s1] =	stream.indirect.scatter.add.f32 [tilespmem:s16], [sflag:$0x1], $0x20, s24, s13, $0xb8;
	[tilespmem:$0x1A080] =	vst v63  }
0x119: {  	_ =	swait.ge [sflag:s0], $0x1000  }
.Ltmp1:
0x11a: {  	[sflag:s0] =	ssyncset.done $0x0;
	(pc) =	sbr.rel @p1 .LBB2_4-.Ltmp1, $4  }
0x11b: {  	[sflag:s0] =	ssyncadd.s32 $0xFFFFF000  }
0x11c: {  	[spmem:s2] =	stream.indirect.scatter.add.f32 [tilespmem:s31], [sflag:$0x1], $0x1, s24, s13, $0xb8;
	[tilespmem:$0x1A080] =	vst v63  }
0x11d: {  	_ =	swait.ge [sflag:s0], $0x80  }
0x11e: {  	s6 =	smov.u32 s17;
	s24 =	sadd.s32 $0x200, s24;
	[sflag:s0] =	ssyncset.done $0x0  }
0x11f: {  	s6 =	sadd.s32 s25, s28;
	[sflag:s0] =	ssyncadd.s32 $0xFFFFFF80  }
0x120: {  	[tilespmem:s4], [sflag:$0x1] =	stream.strided.gather [hbm4b:s6+s7], $0x4000, s12, s7, $0x38;
	[tilespmem:$0x1A080] =	vst v63  }
0x121: {  	_ =	swait.ge [sflag:s0], $0x4000  }
0x122: {  	[sflag:s0] =	ssyncset.done $0x0  }
0x123: {  	s25 =	sadd.s32 $0xFFFFFE80, s24;
	[sflag:s0] =	ssyncadd.s32 $0xFFFFC000  }
0x124: {  	[spmem:s1] =	stream.indirect.scatter.add.f32 [tilespmem:s4], [sflag:$0x1], $0x20, s25, s13, $0xb8;
	[tilespmem:$0x1A080] =	vst v63  }
0x125: {  	_ =	swait.ge [sflag:s0], $0x1000  }
0x126: {  	[sflag:s0] =	ssyncset.done $0x0  }
0x127: {  	[sflag:s0] =	ssyncadd.s32 $0xFFFFF000  }
0x128: {  	[spmem:s2] =	stream.indirect.scatter.add.f32 [tilespmem:s31], [sflag:$0x1], $0x1, s25, s13, $0xb8;
	[tilespmem:$0x1A080] =	vst v63  }
0x129: {  	_ =	swait.ge [sflag:s0], $0x80  }
0x12a: {  	[sflag:s0] =	ssyncset.done $0x0  }
0x12b: {  	s17 =	sadd.s32 $0xFFFFFF00, s24;
	[sflag:s0] =	ssyncadd.s32 $0xFFFFFF80  }
0x12c: {  	[spmem:s1] =	stream.indirect.scatter.add.f32 [tilespmem:s14], [sflag:$0x1], $0x20, s17, s13, $0xb8;
	[tilespmem:$0x1A080] =	vst v63  }
0x12d: {  	_ =	swait.ge [sflag:s0], $0x1000  }
0x12e: {  	[sflag:s0] =	ssyncset.done $0x0  }
0x12f: {  	[sflag:s0] =	ssyncadd.s32 $0xFFFFF000  }
0x130: {  	[spmem:s2] =	stream.indirect.scatter.add.f32 [tilespmem:s31], [sflag:$0x1], $0x1, s17, s13, $0xb8;
	[tilespmem:$0x1A080] =	vst v63  }
0x131: {  	_ =	swait.ge [sflag:s0], $0x80  }
0x132: {  	[sflag:s0] =	ssyncset.done $0x0  }
0x133: {  	s18 =	sadd.s32 $0xFFFFFF80, s24;
	[sflag:s0] =	ssyncadd.s32 $0xFFFFFF80  }
0x134: {  	[spmem:s1] =	stream.indirect.scatter.add.f32 [tilespmem:s15], [sflag:$0x1], $0x20, s18, s13, $0xb8;
	[tilespmem:$0x1A080] =	vst v63  }
0x135: {  	_ =	swait.ge [sflag:s0], $0x1000  }
0x136: {  	[sflag:s0] =	ssyncset.done $0x0  }
0x137: {  	[sflag:s0] =	ssyncadd.s32 $0xFFFFF000  }
0x138: {  	[spmem:s2] =	stream.indirect.scatter.add.f32 [tilespmem:s31], [sflag:$0x1], $0x1, s18, s13, $0xb8;
	[tilespmem:$0x1A080] =	vst v63  }
0x139: {  	_ =	swait.ge [sflag:s0], $0x80  }
0x13a: {  	[sflag:s0] =	ssyncset.done $0x0  }
0x13b: {  	[sflag:s0] =	ssyncadd.s32 $0xFFFFFF80  }
0x13c: {  	[spmem:s1] =	stream.indirect.scatter.add.f32 [tilespmem:s16], [sflag:$0x1], $0x20, s24, s13, $0xb8;
	[tilespmem:$0x1A080] =	vst v63  }
0x13d: {  	_ =	swait.ge [sflag:s0], $0x1000  }
0x13e: {  	[sflag:s0] =	ssyncset.done $0x0  }
0x13f: {  	[sflag:s0] =	ssyncadd.s32 $0xFFFFF000  }
0x140: {  	[spmem:s2] =	stream.indirect.scatter.add.f32 [tilespmem:s31], [sflag:$0x1], $0x1, s24, s13, $0xb8;
	[tilespmem:$0x1A080] =	vst v63  }
0x141: {  	_ =	swait.ge [sflag:s0], $0x80  }
0x142: {  	[sflag:s0] =	ssyncset.done $0x0  }
0x143: {  	[sflag:s0] =	ssyncadd.s32 $0xFFFFFF80  }
0x144: {  	[bflag:$0x0] =	sbarrier.arrive $0xFFFF  }
0x145: {  	s17 =	simm.s32 $0x8;
	s18 =	simm.s32 $0x4;
	s25 =	rddreg [dreg:$0xc]  }
0x146: {  	[hbm:s25@s17], [sflag:s21] =	dma.strided [spmem:s22@s18], $0x2000, s0, $0x4   }
0x147: {  	_ =	swait.ge [sflag:s0], $0x2000  }
0x148: {  	[sflag:s0] =	ssyncset.done $0x0  }
0x149: {  	s6 =	rddreg [dreg:$0xd];
	[sflag:s0] =	ssyncadd.s32 $0xFFFFE000  }
0x14a: {  	[hbm:s6], [sflag:s21] =	dma.local @!p0 [spmem:s23], $0x100  }
0x14b: {  	s6 =	simm.s32 @!p0 $0x1  }
0x14c: {  	_ =	swait.ge @!p0 [sflag:s6], $0x100  }
0x14d: {  	[sflag:s6] =	ssyncset.done @!p0 $0x0  }
0x14e: {  	[sflag:s6] =	ssyncadd.s32 @!p0 $0xFFFFFF00  }
0x14f: {  	[spmem:s8] =	stream.linear.scatter [tilespmem:s3], [sflag:$0x1], $0x4000, $0x38;
	[tilespmem:$0x1A080] =	vst v63  }
0x150: {  	_ =	swait.ge [sflag:s0], $0x4000  }
0x151: {  	[sflag:s0] =	ssyncset.done $0x0  }
0x152: {  	[sflag:s0] =	ssyncadd.s32 $0xFFFFC000  }
0x153: {  	[spmem:s9] =	stream.linear.scatter [tilespmem:s3], [sflag:$0x1], $0x4000, $0x38;
	[tilespmem:$0x1A080] =	vst v63  }
0x154: {  	_ =	swait.ge [sflag:s0], $0x4000  }
0x155: {  	[sflag:s0] =	ssyncset.done $0x0  }
0x156: {  	[sflag:s0] =	ssyncadd.s32 $0xFFFFC000  }
0x157: {  	[spmem:s10] =	stream.linear.scatter [tilespmem:s3], [sflag:$0x1], $0x4000, $0x38;
	[tilespmem:$0x1A080] =	vst v63  }
0x158: {  	_ =	swait.ge [sflag:s0], $0x4000  }
0x159: {  	[sflag:s0] =	ssyncset.done $0x0  }
0x15a: {  	[sflag:s0] =	ssyncadd.s32 $0xFFFFC000  }
0x15b: {  	[spmem:s26] =	stream.linear.scatter [tilespmem:s3], [sflag:$0x1], $0x4000, $0x38;
	[tilespmem:$0x1A080] =	vst v63  }
0x15c: {  	_ =	swait.ge [sflag:s0], $0x4000  }
0x15d: {  	[sflag:s0] =	ssyncset.done $0x0  }
0x15e: {  	[sflag:s0] =	ssyncadd.s32 $0xFFFFC000  }
0x15f: {  	[spmem:s11] =	stream.linear.scatter [tilespmem:s5], [sflag:$0x1], $0x800, $0x38;
	[tilespmem:$0x1A080] =	vst v63  }
0x160: {  	_ =	swait.ge [sflag:s0], $0x800  }
0x161: {  	[sflag:s0] =	ssyncset.done $0x0  }
0x162: {  	[sflag:s0] =	ssyncadd.s32 $0xFFFFF800  }
0x163: {  	[bflag:$0x0] =	sbarrier.arrive $0xFFFF  }
0x164: {  	s24 =	simm.s32 $0x4000;
	s17 =	simm.s32 $0x0;
	s18 =	rddreg [dreg:$0xe]  }
0x165: {  	[tilespmem:s24], [sflag:$0x1] =	stream.linear.gather [hbm4b:s18+s17], $0x1000, $0x38;
	[tilespmem:$0x1A080] =	vst v63  }
0x166: {  	_ =	swait.ge [sflag:s0], $0x1000  }
0x167: {  	[sflag:s0] =	ssyncset.done $0x0  }
0x168: {  	s25 =	sadd.s32 $0x0, s29;
	[sflag:s0] =	ssyncadd.s32 $0xFFFFF000  }
0x169: {  	[tilespmem:s4], [sflag:$0x1] =	stream.strided.gather [hbm4b:s25+s7], $0x4000, s12, s7, $0x38;
	[tilespmem:$0x1A080] =	vst v63  }
0x16a: {  	_ =	swait.ge [sflag:s0], $0x4000  }
0x16b: {  	[sflag:s0] =	ssyncset.done $0x0  }
0x16c: {  	s17 =	simm.s32 $0x4000;
	[sflag:s0] =	ssyncadd.s32 $0xFFFFC000  }
0x16d: {  	[spmem:s1] =	stream.indirect.scatter.add.f32 [tilespmem:s4], [sflag:$0x1], $0x20, s17, s13, $0xb8;
	[tilespmem:$0x1A080] =	vst v63  }
0x16e: {  	_ =	swait.ge [sflag:s0], $0x1000  }
0x16f: {  	[sflag:s0] =	ssyncset.done $0x0  }
0x170: {  	[sflag:s0] =	ssyncadd.s32 $0xFFFFF000  }
0x171: {  	[spmem:s2] =	stream.indirect.scatter.add.f32 [tilespmem:s31], [sflag:$0x1], $0x1, s17, s13, $0xb8;
	[tilespmem:$0x1A080] =	vst v63  }
0x172: {  	_ =	swait.ge [sflag:s0], $0x80  }
0x173: {  	[sflag:s0] =	ssyncset.done $0x0  }
0x174: {  	s18 =	simm.s32 $0x4080;
	[sflag:s0] =	ssyncadd.s32 $0xFFFFFF80  }
0x175: {  	[spmem:s1] =	stream.indirect.scatter.add.f32 [tilespmem:s14], [sflag:$0x1], $0x20, s18, s13, $0xb8;
	[tilespmem:$0x1A080] =	vst v63  }
0x176: {  	_ =	swait.ge [sflag:s0], $0x1000  }
0x177: {  	[sflag:s0] =	ssyncset.done $0x0  }
0x178: {  	[sflag:s0] =	ssyncadd.s32 $0xFFFFF000  }
0x179: {  	[spmem:s2] =	stream.indirect.scatter.add.f32 [tilespmem:s31], [sflag:$0x1], $0x1, s18, s13, $0xb8;
	[tilespmem:$0x1A080] =	vst v63  }
0x17a: {  	_ =	swait.ge [sflag:s0], $0x80  }
0x17b: {  	[sflag:s0] =	ssyncset.done $0x0  }
0x17c: {  	s24 =	simm.s32 $0x4100;
	[sflag:s0] =	ssyncadd.s32 $0xFFFFFF80  }
0x17d: {  	[spmem:s1] =	stream.indirect.scatter.add.f32 [tilespmem:s15], [sflag:$0x1], $0x20, s24, s13, $0xb8;
	[tilespmem:$0x1A080] =	vst v63  }
0x17e: {  	_ =	swait.ge [sflag:s0], $0x1000  }
0x17f: {  	[sflag:s0] =	ssyncset.done $0x0  }
0x180: {  	[sflag:s0] =	ssyncadd.s32 $0xFFFFF000  }
0x181: {  	[spmem:s2] =	stream.indirect.scatter.add.f32 [tilespmem:s31], [sflag:$0x1], $0x1, s24, s13, $0xb8;
	[tilespmem:$0x1A080] =	vst v63  }
0x182: {  	_ =	swait.ge [sflag:s0], $0x80  }
0x183: {  	[sflag:s0] =	ssyncset.done $0x0  }
0x184: {  	s25 =	simm.s32 $0x4180;
	[sflag:s0] =	ssyncadd.s32 $0xFFFFFF80  }
0x185: {  	[spmem:s1] =	stream.indirect.scatter.add.f32 [tilespmem:s16], [sflag:$0x1], $0x20, s25, s13, $0xb8;
	[tilespmem:$0x1A080] =	vst v63  }
0x186: {  	_ =	swait.ge [sflag:s0], $0x1000  }
0x187: {  	[sflag:s0] =	ssyncset.done $0x0  }
0x188: {  	[sflag:s0] =	ssyncadd.s32 $0xFFFFF000  }
0x189: {  	[spmem:s2] =	stream.indirect.scatter.add.f32 [tilespmem:s31], [sflag:$0x1], $0x1, s25, s13, $0xb8;
	[tilespmem:$0x1A080] =	vst v63  }
0x18a: {  	s17 =	simm.s32 $0x2000;
	_ =	swait.ge [sflag:s0], $0x80  }
0x18b: {  	s24 =	simm.s32 $0x4380;
	s25 =	simm.s32 $0x1000;
	[sflag:s0] =	ssyncset.done $0x0  }
.LBB2_6:
0x18c: {  	s18 =	sadd.s32 s25, s29  }
0x18d: {  	[sflag:s0] =	ssyncadd.s32 $0xFFFFFF80;
	s25 =	smov.u32 s17;
	s6 =	sadd.s32 $0x1000, s17  }
0x18e: {  	[tilespmem:s4], [sflag:$0x1] =	stream.strided.gather [hbm4b:s18+s7], $0x4000, s12, s7, $0x38;
	[tilespmem:$0x1A080] =	vst v63  }
0x18f: {  	p1 =	sne.s32 s17, $0x7000;
	_ =	swait.ge [sflag:s0], $0x4000  }
0x190: {  	[sflag:s0] =	ssyncset.done $0x0  }
0x191: {  	s17 =	sadd.s32 $0xFFFFFE80, s24;
	[sflag:s0] =	ssyncadd.s32 $0xFFFFC000  }
0x192: {  	[spmem:s1] =	stream.indirect.scatter.add.f32 [tilespmem:s4], [sflag:$0x1], $0x20, s17, s13, $0xb8;
	[tilespmem:$0x1A080] =	vst v63  }
0x193: {  	_ =	swait.ge [sflag:s0], $0x1000  }
0x194: {  	[sflag:s0] =	ssyncset.done $0x0  }
0x195: {  	[sflag:s0] =	ssyncadd.s32 $0xFFFFF000  }
0x196: {  	[spmem:s2] =	stream.indirect.scatter.add.f32 [tilespmem:s31], [sflag:$0x1], $0x1, s17, s13, $0xb8;
	[tilespmem:$0x1A080] =	vst v63  }
0x197: {  	_ =	swait.ge [sflag:s0], $0x80  }
0x198: {  	[sflag:s0] =	ssyncset.done $0x0  }
0x199: {  	s17 =	sadd.s32 $0xFFFFFF00, s24;
	[sflag:s0] =	ssyncadd.s32 $0xFFFFFF80  }
0x19a: {  	[spmem:s1] =	stream.indirect.scatter.add.f32 [tilespmem:s14], [sflag:$0x1], $0x20, s17, s13, $0xb8;
	[tilespmem:$0x1A080] =	vst v63  }
0x19b: {  	_ =	swait.ge [sflag:s0], $0x1000  }
0x19c: {  	[sflag:s0] =	ssyncset.done $0x0  }
0x19d: {  	[sflag:s0] =	ssyncadd.s32 $0xFFFFF000  }
0x19e: {  	[spmem:s2] =	stream.indirect.scatter.add.f32 [tilespmem:s31], [sflag:$0x1], $0x1, s17, s13, $0xb8;
	[tilespmem:$0x1A080] =	vst v63  }
0x19f: {  	_ =	swait.ge [sflag:s0], $0x80  }
0x1a0: {  	[sflag:s0] =	ssyncset.done $0x0  }
0x1a1: {  	s17 =	sadd.s32 $0xFFFFFF80, s24;
	[sflag:s0] =	ssyncadd.s32 $0xFFFFFF80  }
0x1a2: {  	[spmem:s1] =	stream.indirect.scatter.add.f32 [tilespmem:s15], [sflag:$0x1], $0x20, s17, s13, $0xb8;
	[tilespmem:$0x1A080] =	vst v63  }
0x1a3: {  	_ =	swait.ge [sflag:s0], $0x1000  }
0x1a4: {  	[sflag:s0] =	ssyncset.done $0x0  }
0x1a5: {  	[sflag:s0] =	ssyncadd.s32 $0xFFFFF000  }
0x1a6: {  	[spmem:s2] =	stream.indirect.scatter.add.f32 [tilespmem:s31], [sflag:$0x1], $0x1, s17, s13, $0xb8;
	[tilespmem:$0x1A080] =	vst v63  }
0x1a7: {  	_ =	swait.ge [sflag:s0], $0x80  }
0x1a8: {  	[sflag:s0] =	ssyncset.done $0x0  }
0x1a9: {  	[sflag:s0] =	ssyncadd.s32 $0xFFFFFF80  }
0x1aa: {  	[spmem:s1] =	stream.indirect.scatter.add.f32 [tilespmem:s16], [sflag:$0x1], $0x20, s24, s13, $0xb8;
	[tilespmem:$0x1A080] =	vst v63  }
0x1ab: {  	_ =	swait.ge [sflag:s0], $0x1000  }
.Ltmp2:
0x1ac: {  	[sflag:s0] =	ssyncset.done $0x0;
	(pc) =	sbr.rel @p1 .LBB2_6-.Ltmp2, $4  }
0x1ad: {  	[sflag:s0] =	ssyncadd.s32 $0xFFFFF000  }
0x1ae: {  	[spmem:s2] =	stream.indirect.scatter.add.f32 [tilespmem:s31], [sflag:$0x1], $0x1, s24, s13, $0xb8;
	[tilespmem:$0x1A080] =	vst v63  }
0x1af: {  	_ =	swait.ge [sflag:s0], $0x80  }
0x1b0: {  	s17 =	smov.u32 s6;
	s24 =	sadd.s32 $0x200, s24;
	[sflag:s0] =	ssyncset.done $0x0  }
0x1b1: {  	s6 =	sadd.s32 s25, s29;
	[sflag:s0] =	ssyncadd.s32 $0xFFFFFF80  }
0x1b2: {  	[tilespmem:s4], [sflag:$0x1] =	stream.strided.gather [hbm4b:s6+s7], $0x4000, s12, s7, $0x38;
	[tilespmem:$0x1A080] =	vst v63  }
0x1b3: {  	_ =	swait.ge [sflag:s0], $0x4000  }
0x1b4: {  	[sflag:s0] =	ssyncset.done $0x0  }
0x1b5: {  	s25 =	sadd.s32 $0xFFFFFE80, s24;
	[sflag:s0] =	ssyncadd.s32 $0xFFFFC000  }
0x1b6: {  	[spmem:s1] =	stream.indirect.scatter.add.f32 [tilespmem:s4], [sflag:$0x1], $0x20, s25, s13, $0xb8;
	[tilespmem:$0x1A080] =	vst v63  }
0x1b7: {  	_ =	swait.ge [sflag:s0], $0x1000  }
0x1b8: {  	[sflag:s0] =	ssyncset.done $0x0  }
0x1b9: {  	[sflag:s0] =	ssyncadd.s32 $0xFFFFF000  }
0x1ba: {  	[spmem:s2] =	stream.indirect.scatter.add.f32 [tilespmem:s31], [sflag:$0x1], $0x1, s25, s13, $0xb8;
	[tilespmem:$0x1A080] =	vst v63  }
0x1bb: {  	_ =	swait.ge [sflag:s0], $0x80  }
0x1bc: {  	[sflag:s0] =	ssyncset.done $0x0  }
0x1bd: {  	s17 =	sadd.s32 $0xFFFFFF00, s24;
	[sflag:s0] =	ssyncadd.s32 $0xFFFFFF80  }
0x1be: {  	[spmem:s1] =	stream.indirect.scatter.add.f32 [tilespmem:s14], [sflag:$0x1], $0x20, s17, s13, $0xb8;
	[tilespmem:$0x1A080] =	vst v63  }
0x1bf: {  	_ =	swait.ge [sflag:s0], $0x1000  }
0x1c0: {  	[sflag:s0] =	ssyncset.done $0x0  }
0x1c1: {  	[sflag:s0] =	ssyncadd.s32 $0xFFFFF000  }
0x1c2: {  	[spmem:s2] =	stream.indirect.scatter.add.f32 [tilespmem:s31], [sflag:$0x1], $0x1, s17, s13, $0xb8;
	[tilespmem:$0x1A080] =	vst v63  }
0x1c3: {  	_ =	swait.ge [sflag:s0], $0x80  }
0x1c4: {  	[sflag:s0] =	ssyncset.done $0x0  }
0x1c5: {  	s18 =	sadd.s32 $0xFFFFFF80, s24;
	[sflag:s0] =	ssyncadd.s32 $0xFFFFFF80  }
0x1c6: {  	[spmem:s1] =	stream.indirect.scatter.add.f32 [tilespmem:s15], [sflag:$0x1], $0x20, s18, s13, $0xb8;
	[tilespmem:$0x1A080] =	vst v63  }
0x1c7: {  	_ =	swait.ge [sflag:s0], $0x1000  }
0x1c8: {  	[sflag:s0] =	ssyncset.done $0x0  }
0x1c9: {  	[sflag:s0] =	ssyncadd.s32 $0xFFFFF000  }
0x1ca: {  	[spmem:s2] =	stream.indirect.scatter.add.f32 [tilespmem:s31], [sflag:$0x1], $0x1, s18, s13, $0xb8;
	[tilespmem:$0x1A080] =	vst v63  }
0x1cb: {  	_ =	swait.ge [sflag:s0], $0x80  }
0x1cc: {  	[sflag:s0] =	ssyncset.done $0x0  }
0x1cd: {  	[sflag:s0] =	ssyncadd.s32 $0xFFFFFF80  }
0x1ce: {  	[spmem:s1] =	stream.indirect.scatter.add.f32 [tilespmem:s16], [sflag:$0x1], $0x20, s24, s13, $0xb8;
	[tilespmem:$0x1A080] =	vst v63  }
0x1cf: {  	_ =	swait.ge [sflag:s0], $0x1000  }
0x1d0: {  	[sflag:s0] =	ssyncset.done $0x0  }
0x1d1: {  	[sflag:s0] =	ssyncadd.s32 $0xFFFFF000  }
0x1d2: {  	[spmem:s2] =	stream.indirect.scatter.add.f32 [tilespmem:s31], [sflag:$0x1], $0x1, s24, s13, $0xb8;
	[tilespmem:$0x1A080] =	vst v63  }
0x1d3: {  	_ =	swait.ge [sflag:s0], $0x80  }
0x1d4: {  	[sflag:s0] =	ssyncset.done $0x0  }
0x1d5: {  	[sflag:s0] =	ssyncadd.s32 $0xFFFFFF80  }
0x1d6: {  	[bflag:$0x0] =	sbarrier.arrive $0xFFFF  }
0x1d7: {  	s17 =	simm.s32 $0x8;
	s18 =	simm.s32 $0x4;
	s25 =	rddreg [dreg:$0xf]  }
0x1d8: {  	[hbm:s25@s17], [sflag:s21] =	dma.strided [spmem:s22@s18], $0x2000, s0, $0x4   }
0x1d9: {  	_ =	swait.ge [sflag:s0], $0x2000  }
0x1da: {  	[sflag:s0] =	ssyncset.done $0x0  }
0x1db: {  	s6 =	rddreg [dreg:$0x10];
	[sflag:s0] =	ssyncadd.s32 $0xFFFFE000  }
0x1dc: {  	[hbm:s6], [sflag:s21] =	dma.local @!p0 [spmem:s23], $0x100  }
0x1dd: {  	s6 =	simm.s32 @!p0 $0x1  }
0x1de: {  	_ =	swait.ge @!p0 [sflag:s6], $0x100  }
0x1df: {  	[sflag:s6] =	ssyncset.done @!p0 $0x0  }
0x1e0: {  	[sflag:s6] =	ssyncadd.s32 @!p0 $0xFFFFFF00  }
0x1e1: {  	[spmem:s8] =	stream.linear.scatter [tilespmem:s3], [sflag:$0x1], $0x4000, $0x38;
	[tilespmem:$0x1A080] =	vst v63  }
0x1e2: {  	_ =	swait.ge [sflag:s0], $0x4000  }
0x1e3: {  	[sflag:s0] =	ssyncset.done $0x0  }
0x1e4: {  	[sflag:s0] =	ssyncadd.s32 $0xFFFFC000  }
0x1e5: {  	[spmem:s9] =	stream.linear.scatter [tilespmem:s3], [sflag:$0x1], $0x4000, $0x38;
	[tilespmem:$0x1A080] =	vst v63  }
0x1e6: {  	_ =	swait.ge [sflag:s0], $0x4000  }
0x1e7: {  	[sflag:s0] =	ssyncset.done $0x0  }
0x1e8: {  	[sflag:s0] =	ssyncadd.s32 $0xFFFFC000  }
0x1e9: {  	[spmem:s10] =	stream.linear.scatter [tilespmem:s3], [sflag:$0x1], $0x4000, $0x38;
	[tilespmem:$0x1A080] =	vst v63  }
0x1ea: {  	_ =	swait.ge [sflag:s0], $0x4000  }
0x1eb: {  	[sflag:s0] =	ssyncset.done $0x0  }
0x1ec: {  	[sflag:s0] =	ssyncadd.s32 $0xFFFFC000  }
0x1ed: {  	[spmem:s26] =	stream.linear.scatter [tilespmem:s3], [sflag:$0x1], $0x4000, $0x38;
	[tilespmem:$0x1A080] =	vst v63  }
0x1ee: {  	_ =	swait.ge [sflag:s0], $0x4000  }
0x1ef: {  	[sflag:s0] =	ssyncset.done $0x0  }
0x1f0: {  	[sflag:s0] =	ssyncadd.s32 $0xFFFFC000  }
0x1f1: {  	[spmem:s11] =	stream.linear.scatter [tilespmem:s5], [sflag:$0x1], $0x800, $0x38;
	[tilespmem:$0x1A080] =	vst v63  }
0x1f2: {  	_ =	swait.ge [sflag:s0], $0x800  }
0x1f3: {  	[sflag:s0] =	ssyncset.done $0x0  }
0x1f4: {  	[sflag:s0] =	ssyncadd.s32 $0xFFFFF800  }
0x1f5: {  	[bflag:$0x0] =	sbarrier.arrive $0xFFFF  }
0x1f6: {  	s24 =	simm.s32 $0x4000;
	s17 =	simm.s32 $0x0;
	s18 =	rddreg [dreg:$0x11]  }
0x1f7: {  	[tilespmem:s24], [sflag:$0x1] =	stream.linear.gather [hbm4b:s18+s17], $0x1000, $0x38;
	[tilespmem:$0x1A080] =	vst v63  }
0x1f8: {  	_ =	swait.ge [sflag:s0], $0x1000  }
0x1f9: {  	[sflag:s0] =	ssyncset.done $0x0  }
0x1fa: {  	s25 =	sadd.s32 $0x0, s30;
	[sflag:s0] =	ssyncadd.s32 $0xFFFFF000  }
0x1fb: {  	[tilespmem:s4], [sflag:$0x1] =	stream.strided.gather [hbm4b:s25+s7], $0x4000, s12, s7, $0x38;
	[tilespmem:$0x1A080] =	vst v63  }
0x1fc: {  	_ =	swait.ge [sflag:s0], $0x4000  }
0x1fd: {  	[sflag:s0] =	ssyncset.done $0x0  }
0x1fe: {  	s17 =	simm.s32 $0x4000;
	[sflag:s0] =	ssyncadd.s32 $0xFFFFC000  }
0x1ff: {  	[spmem:s1] =	stream.indirect.scatter.add.f32 [tilespmem:s4], [sflag:$0x1], $0x20, s17, s13, $0xb8;
	[tilespmem:$0x1A080] =	vst v63  }
0x200: {  	_ =	swait.ge [sflag:s0], $0x1000  }
0x201: {  	[sflag:s0] =	ssyncset.done $0x0  }
0x202: {  	[sflag:s0] =	ssyncadd.s32 $0xFFFFF000  }
0x203: {  	[spmem:s2] =	stream.indirect.scatter.add.f32 [tilespmem:s31], [sflag:$0x1], $0x1, s17, s13, $0xb8;
	[tilespmem:$0x1A080] =	vst v63  }
0x204: {  	_ =	swait.ge [sflag:s0], $0x80  }
0x205: {  	[sflag:s0] =	ssyncset.done $0x0  }
0x206: {  	s18 =	simm.s32 $0x4080;
	[sflag:s0] =	ssyncadd.s32 $0xFFFFFF80  }
0x207: {  	[spmem:s1] =	stream.indirect.scatter.add.f32 [tilespmem:s14], [sflag:$0x1], $0x20, s18, s13, $0xb8;
	[tilespmem:$0x1A080] =	vst v63  }
0x208: {  	_ =	swait.ge [sflag:s0], $0x1000  }
0x209: {  	[sflag:s0] =	ssyncset.done $0x0  }
0x20a: {  	[sflag:s0] =	ssyncadd.s32 $0xFFFFF000  }
0x20b: {  	[spmem:s2] =	stream.indirect.scatter.add.f32 [tilespmem:s31], [sflag:$0x1], $0x1, s18, s13, $0xb8;
	[tilespmem:$0x1A080] =	vst v63  }
0x20c: {  	_ =	swait.ge [sflag:s0], $0x80  }
0x20d: {  	[sflag:s0] =	ssyncset.done $0x0  }
0x20e: {  	s24 =	simm.s32 $0x4100;
	[sflag:s0] =	ssyncadd.s32 $0xFFFFFF80  }
0x20f: {  	[spmem:s1] =	stream.indirect.scatter.add.f32 [tilespmem:s15], [sflag:$0x1], $0x20, s24, s13, $0xb8;
	[tilespmem:$0x1A080] =	vst v63  }
0x210: {  	_ =	swait.ge [sflag:s0], $0x1000  }
0x211: {  	[sflag:s0] =	ssyncset.done $0x0  }
0x212: {  	[sflag:s0] =	ssyncadd.s32 $0xFFFFF000  }
0x213: {  	[spmem:s2] =	stream.indirect.scatter.add.f32 [tilespmem:s31], [sflag:$0x1], $0x1, s24, s13, $0xb8;
	[tilespmem:$0x1A080] =	vst v63  }
0x214: {  	_ =	swait.ge [sflag:s0], $0x80  }
0x215: {  	[sflag:s0] =	ssyncset.done $0x0  }
0x216: {  	s25 =	simm.s32 $0x4180;
	[sflag:s0] =	ssyncadd.s32 $0xFFFFFF80  }
0x217: {  	[spmem:s1] =	stream.indirect.scatter.add.f32 [tilespmem:s16], [sflag:$0x1], $0x20, s25, s13, $0xb8;
	[tilespmem:$0x1A080] =	vst v63  }
0x218: {  	_ =	swait.ge [sflag:s0], $0x1000  }
0x219: {  	[sflag:s0] =	ssyncset.done $0x0  }
0x21a: {  	[sflag:s0] =	ssyncadd.s32 $0xFFFFF000  }
0x21b: {  	[spmem:s2] =	stream.indirect.scatter.add.f32 [tilespmem:s31], [sflag:$0x1], $0x1, s25, s13, $0xb8;
	[tilespmem:$0x1A080] =	vst v63  }
0x21c: {  	s17 =	simm.s32 $0x2000;
	_ =	swait.ge [sflag:s0], $0x80  }
0x21d: {  	s24 =	simm.s32 $0x4380;
	s25 =	simm.s32 $0x1000;
	[sflag:s0] =	ssyncset.done $0x0  }
.LBB2_8:
0x21e: {  	s18 =	sadd.s32 s25, s30  }
0x21f: {  	[sflag:s0] =	ssyncadd.s32 $0xFFFFFF80;
	s25 =	smov.u32 s17;
	s6 =	sadd.s32 $0x1000, s17  }
0x220: {  	[tilespmem:s4], [sflag:$0x1] =	stream.strided.gather [hbm4b:s18+s7], $0x4000, s12, s7, $0x38;
	[tilespmem:$0x1A080] =	vst v63  }
0x221: {  	p1 =	sne.s32 s17, $0x7000;
	_ =	swait.ge [sflag:s0], $0x4000  }
0x222: {  	[sflag:s0] =	ssyncset.done $0x0  }
0x223: {  	s17 =	sadd.s32 $0xFFFFFE80, s24;
	[sflag:s0] =	ssyncadd.s32 $0xFFFFC000  }
0x224: {  	[spmem:s1] =	stream.indirect.scatter.add.f32 [tilespmem:s4], [sflag:$0x1], $0x20, s17, s13, $0xb8;
	[tilespmem:$0x1A080] =	vst v63  }
0x225: {  	_ =	swait.ge [sflag:s0], $0x1000  }
0x226: {  	[sflag:s0] =	ssyncset.done $0x0  }
0x227: {  	[sflag:s0] =	ssyncadd.s32 $0xFFFFF000  }
0x228: {  	[spmem:s2] =	stream.indirect.scatter.add.f32 [tilespmem:s31], [sflag:$0x1], $0x1, s17, s13, $0xb8;
	[tilespmem:$0x1A080] =	vst v63  }
0x229: {  	_ =	swait.ge [sflag:s0], $0x80  }
0x22a: {  	[sflag:s0] =	ssyncset.done $0x0  }
0x22b: {  	s17 =	sadd.s32 $0xFFFFFF00, s24;
	[sflag:s0] =	ssyncadd.s32 $0xFFFFFF80  }
0x22c: {  	[spmem:s1] =	stream.indirect.scatter.add.f32 [tilespmem:s14], [sflag:$0x1], $0x20, s17, s13, $0xb8;
	[tilespmem:$0x1A080] =	vst v63  }
0x22d: {  	_ =	swait.ge [sflag:s0], $0x1000  }
0x22e: {  	[sflag:s0] =	ssyncset.done $0x0  }
0x22f: {  	[sflag:s0] =	ssyncadd.s32 $0xFFFFF000  }
0x230: {  	[spmem:s2] =	stream.indirect.scatter.add.f32 [tilespmem:s31], [sflag:$0x1], $0x1, s17, s13, $0xb8;
	[tilespmem:$0x1A080] =	vst v63  }
0x231: {  	_ =	swait.ge [sflag:s0], $0x80  }
0x232: {  	[sflag:s0] =	ssyncset.done $0x0  }
0x233: {  	s17 =	sadd.s32 $0xFFFFFF80, s24;
	[sflag:s0] =	ssyncadd.s32 $0xFFFFFF80  }
0x234: {  	[spmem:s1] =	stream.indirect.scatter.add.f32 [tilespmem:s15], [sflag:$0x1], $0x20, s17, s13, $0xb8;
	[tilespmem:$0x1A080] =	vst v63  }
0x235: {  	_ =	swait.ge [sflag:s0], $0x1000  }
0x236: {  	[sflag:s0] =	ssyncset.done $0x0  }
0x237: {  	[sflag:s0] =	ssyncadd.s32 $0xFFFFF000  }
0x238: {  	[spmem:s2] =	stream.indirect.scatter.add.f32 [tilespmem:s31], [sflag:$0x1], $0x1, s17, s13, $0xb8;
	[tilespmem:$0x1A080] =	vst v63  }
0x239: {  	_ =	swait.ge [sflag:s0], $0x80  }
0x23a: {  	[sflag:s0] =	ssyncset.done $0x0  }
0x23b: {  	[sflag:s0] =	ssyncadd.s32 $0xFFFFFF80  }
0x23c: {  	[spmem:s1] =	stream.indirect.scatter.add.f32 [tilespmem:s16], [sflag:$0x1], $0x20, s24, s13, $0xb8;
	[tilespmem:$0x1A080] =	vst v63  }
0x23d: {  	_ =	swait.ge [sflag:s0], $0x1000  }
.Ltmp3:
0x23e: {  	[sflag:s0] =	ssyncset.done $0x0;
	(pc) =	sbr.rel @p1 .LBB2_8-.Ltmp3, $4  }
0x23f: {  	[sflag:s0] =	ssyncadd.s32 $0xFFFFF000  }
0x240: {  	[spmem:s2] =	stream.indirect.scatter.add.f32 [tilespmem:s31], [sflag:$0x1], $0x1, s24, s13, $0xb8;
	[tilespmem:$0x1A080] =	vst v63  }
0x241: {  	_ =	swait.ge [sflag:s0], $0x80  }
0x242: {  	s17 =	smov.u32 s6;
	s24 =	sadd.s32 $0x200, s24;
	[sflag:s0] =	ssyncset.done $0x0  }
0x243: {  	s6 =	sadd.s32 s25, s30;
	[sflag:s0] =	ssyncadd.s32 $0xFFFFFF80  }
0x244: {  	[tilespmem:s4], [sflag:$0x1] =	stream.strided.gather [hbm4b:s6+s7], $0x4000, s12, s7, $0x38;
	[tilespmem:$0x1A080] =	vst v63  }
0x245: {  	_ =	swait.ge [sflag:s0], $0x4000  }
0x246: {  	[sflag:s0] =	ssyncset.done $0x0  }
0x247: {  	s25 =	sadd.s32 $0xFFFFFE80, s24;
	[sflag:s0] =	ssyncadd.s32 $0xFFFFC000  }
0x248: {  	[spmem:s1] =	stream.indirect.scatter.add.f32 [tilespmem:s4], [sflag:$0x1], $0x20, s25, s13, $0xb8;
	[tilespmem:$0x1A080] =	vst v63  }
0x249: {  	_ =	swait.ge [sflag:s0], $0x1000  }
0x24a: {  	[sflag:s0] =	ssyncset.done $0x0  }
0x24b: {  	[sflag:s0] =	ssyncadd.s32 $0xFFFFF000  }
0x24c: {  	[spmem:s2] =	stream.indirect.scatter.add.f32 [tilespmem:s31], [sflag:$0x1], $0x1, s25, s13, $0xb8;
	[tilespmem:$0x1A080] =	vst v63  }
0x24d: {  	_ =	swait.ge [sflag:s0], $0x80  }
0x24e: {  	[sflag:s0] =	ssyncset.done $0x0  }
0x24f: {  	s17 =	sadd.s32 $0xFFFFFF00, s24;
	[sflag:s0] =	ssyncadd.s32 $0xFFFFFF80  }
0x250: {  	[spmem:s1] =	stream.indirect.scatter.add.f32 [tilespmem:s14], [sflag:$0x1], $0x20, s17, s13, $0xb8;
	[tilespmem:$0x1A080] =	vst v63  }
0x251: {  	_ =	swait.ge [sflag:s0], $0x1000  }
0x252: {  	[sflag:s0] =	ssyncset.done $0x0  }
0x253: {  	[sflag:s0] =	ssyncadd.s32 $0xFFFFF000  }
0x254: {  	[spmem:s2] =	stream.indirect.scatter.add.f32 [tilespmem:s31], [sflag:$0x1], $0x1, s17, s13, $0xb8;
	[tilespmem:$0x1A080] =	vst v63  }
0x255: {  	_ =	swait.ge [sflag:s0], $0x80  }
0x256: {  	[sflag:s0] =	ssyncset.done $0x0  }
0x257: {  	s18 =	sadd.s32 $0xFFFFFF80, s24;
	[sflag:s0] =	ssyncadd.s32 $0xFFFFFF80  }
0x258: {  	[spmem:s1] =	stream.indirect.scatter.add.f32 [tilespmem:s15], [sflag:$0x1], $0x20, s18, s13, $0xb8;
	[tilespmem:$0x1A080] =	vst v63  }
0x259: {  	_ =	swait.ge [sflag:s0], $0x1000  }
0x25a: {  	[sflag:s0] =	ssyncset.done $0x0  }
0x25b: {  	[sflag:s0] =	ssyncadd.s32 $0xFFFFF000  }
0x25c: {  	[spmem:s2] =	stream.indirect.scatter.add.f32 [tilespmem:s31], [sflag:$0x1], $0x1, s18, s13, $0xb8;
	[tilespmem:$0x1A080] =	vst v63  }
0x25d: {  	_ =	swait.ge [sflag:s0], $0x80  }
0x25e: {  	[sflag:s0] =	ssyncset.done $0x0  }
0x25f: {  	[sflag:s0] =	ssyncadd.s32 $0xFFFFFF80  }
0x260: {  	[spmem:s1] =	stream.indirect.scatter.add.f32 [tilespmem:s16], [sflag:$0x1], $0x20, s24, s13, $0xb8;
	[tilespmem:$0x1A080] =	vst v63  }
0x261: {  	_ =	swait.ge [sflag:s0], $0x1000  }
0x262: {  	[sflag:s0] =	ssyncset.done $0x0  }
0x263: {  	[sflag:s0] =	ssyncadd.s32 $0xFFFFF000  }
0x264: {  	[spmem:s2] =	stream.indirect.scatter.add.f32 [tilespmem:s31], [sflag:$0x1], $0x1, s24, s13, $0xb8;
	[tilespmem:$0x1A080] =	vst v63  }
0x265: {  	_ =	swait.ge [sflag:s0], $0x80  }
0x266: {  	[sflag:s0] =	ssyncset.done $0x0  }
0x267: {  	[sflag:s0] =	ssyncadd.s32 $0xFFFFFF80  }
0x268: {  	[bflag:$0x0] =	sbarrier.arrive $0xFFFF  }
0x269: {  	s17 =	simm.s32 $0x8;
	s18 =	simm.s32 $0x4;
	s24 =	rddreg [dreg:$0x12]  }
0x26a: {  	[hbm:s24@s17], [sflag:s21] =	dma.strided [spmem:s22@s18], $0x2000, s0, $0x4   }
0x26b: {  	_ =	swait.ge [sflag:s0], $0x2000  }
0x26c: {  	[sflag:s0] =	ssyncset.done $0x0  }
0x26d: {  	s6 =	rddreg [dreg:$0x13];
	[sflag:s0] =	ssyncadd.s32 $0xFFFFE000  }
0x26e: {  	[hbm:s6], [sflag:s21] =	dma.local @!p0 [spmem:s23], $0x100  }
0x26f: {  	s6 =	simm.s32 @!p0 $0x1  }
0x270: {  	_ =	swait.ge @!p0 [sflag:s6], $0x100  }
0x271: {  	s20 =	sadd.s32 $0x1, s20;
	s25 =	rddreg [dreg:$0x14]  }
0x272: {  	p1 =	sne.s32 s20, s25  }
.Ltmp4:
0x273: {  	_ = 	snop;
	(pc) =	sbr.rel @p1 .LBB2_1-.Ltmp4, $3  }
0x274: {  	_ =	sdelay $0x1  }
0x275: {  	[sflag:s6] =	ssyncset.done @!p0 $0x0  }
0x276: {  	[sflag:s6] =	ssyncadd.s32 @!p0 $0xFFFFFF00  }
0x277: {  	_ =	sfence.sel $0x180000  }
0x278: {  	[bflag:$0x0] =	sbarrier.arrive $0xFFFF  }
0x279: {  	_ =	strace $0x90000047  }
0x27a: {  	s0 =	stileid.u32;
	[bflag:$0x2] =	sbarrier.arrive $0xFFFF  }
0x27b: {  	p0 =	sne.s32 s0, $0x0;
	s0 =	rddreg [dreg:$0x4]  }
0x27c: {  	s0 =	sadd.s32 @!p0 $0x100000, s0  }
0x27d: {  	[sflag:s0] =	ssyncadd.tile.s32 @!p0 $0x1;
	_ =	shalt  }
.Lfunc_end2:
_tile_overlayer_lowered:
.L_overlay_start_2:
0x27e: {  	(tag) =	ssettag $0x2  }
0x27f: {  	s0 =	rddreg [dreg:$0x0];
	s2 =	stileid.u32  }
0x280: {  	s1 =	rddreg [dreg:$0x1];
	p0 =	sne.s32 s2, $0x0  }
0x281: {  	s3 =	rddreg [dreg:$0x2];
	[bflag:$0x3] =	sbarrier.arrive $0xFFFF;
	s2 =	simm.s32 @!p0 $0x1C01  }
0x282: {  	[timem:s3], [sflag:s2] =	dma.local @!p0 [hbm:s0], s1  }
0x283: {  	s0 =	simm.s32 @!p0 $0x1  }
0x284: {  	_ =	swait.ge @!p0 [sflag:s0], s1  }
0x285: {  	s1 =	ssub.s32 @!p0 $0x0, s1;
	[sflag:s0] =	ssyncset.done @!p0 $0x0  }
0x286: {  	[sflag:s0] =	ssyncadd.s32 @!p0 s1  }
0x287: {  	[bflag:$0x3] =	sbarrier.arrive $0xFFFF  }
0x288: {  	_ =	shalt  }

</sc_bundles>
